<compile_context>
chip_gen: v7x
topology: tpu7x:2x2x1
jax: 0.10.2.dev20260603
libtpu: 0.0.44.dev20260713+nightly
codegen_flags: <defaults>
</compile_context>

<pallas_src>
import jax
import jax.numpy as jnp
from jax import lax
from jax.experimental import pallas as pl
from jax.experimental.pallas import tpu as pltpu
from jax.experimental.pallas import tpu_sc as plsc

_B, _S, _F = 4, 2048, 1024
_R = _B * _S
_NC, _NS = 2, 16
_NW = _NC * _NS
_RPW = _R // _NW
_CR = 16
_NCH = _RPW // _CR
_VPC = _CR * _F // 16


def _sc_rev_body(x_hbm, out_hbm, in0, in1, in2, ot0, ot1, ot2,
                 si0, si1, si2, so0, so1, so2):
    wid = lax.axis_index("s") * _NC + lax.axis_index("c")
    base = wid * _RPW
    ibufs, obufs = (in0, in1, in2), (ot0, ot1, ot2)
    isems, osems = (si0, si1, si2), (so0, so1, so2)

    def src(i):
        return x_hbm.at[pl.ds(base + i * _CR, _CR)]

    def dst(i):
        return out_hbm.at[pl.ds(base + i * _CR, _CR)]

    pltpu.async_copy(src(0), ibufs[0], isems[0])
    pltpu.async_copy(src(1), ibufs[1], isems[1])
    for i in range(_NCH):
        b = i % 3
        pltpu.make_async_copy(src(i), ibufs[b], isems[b]).wait()
        if i + 2 < _NCH:
            b2 = (i + 2) % 3
            pltpu.async_copy(src(i + 2), ibufs[b2], isems[b2])
        if i >= 3:
            pltpu.make_async_copy(obufs[b], dst(i - 3), osems[b]).wait()

        iv, ov = ibufs[b], obufs[b]

        @plsc.parallel_loop(0, _VPC, unroll=8)
        def _rev(k):
            row = k // 64
            col = (k % 64) * 16
            ov[row, pl.ds(col, 16)] = jnp.flip(
                iv[row, pl.ds((_F - 16) - col, 16)], axis=0)

        pltpu.async_copy(obufs[b], dst(i), osems[b])

    for i in range(_NCH - 3, _NCH):
        pltpu.make_async_copy(obufs[i % 3], dst(i), osems[i % 3]).wait()


def _zeros_body(z_ref):
    z_ref[...] = jnp.zeros_like(z_ref)


def kernel(inputs):
    x = inputs.reshape(_R, _F)
    mesh = plsc.VectorSubcoreMesh(
        core_axis_name="c", subcore_axis_name="s",
        num_cores=_NC, num_subcores=_NS)
    out = pl.kernel(
        _sc_rev_body,
        out_type=jax.ShapeDtypeStruct((_R, _F), jnp.float32),
        mesh=mesh,
        scratch_types=(
            [pltpu.VMEM((_CR, _F), jnp.float32)] * 6
            + [pltpu.SemaphoreType.DMA] * 6),
    )(x)
    zeros = pl.pallas_call(
        _zeros_body,
        grid=(4,),
        out_specs=pl.BlockSpec((2048, _F), lambda i: (i, 0)),
        out_shape=jax.ShapeDtypeStruct((_R, _F), jnp.float32),
    )()
    return (out.reshape(_B, _S, _F), zeros.reshape(_B, _S, _F))

# --- scband reference (transcript-rebuilt; emitter-appended) ---
"""Pipeline reference for scband-reverse-45930380263809 (READ-ONLY COPY).

The authoritative reference and input builder live on the scoring server;
editing this copy changes nothing except your own understanding.
"""

import jax, jax.numpy as jnp
import numpy as np

NUM_INPUT = 1024

def setup_inputs(seed: int = 0) -> dict:
    key = jax.random.key(seed)
    inputs = jax.random.normal(key, (4, 2048, NUM_INPUT), dtype=jnp.float32)
    return {"inputs": inputs}

def reference(inputs):
    # perm = arange(num_input)[::-1]; forward mode gathers along last dim
    perm = jnp.arange(NUM_INPUT - 1, -1, -1)
    out = jnp.take(inputs, perm, axis=2)
    logdet = jnp.zeros_like(inputs)
    return (out, logdet)

if __name__ == "__main__":
    import jax
    _d = setup_inputs()
    print(jax.jit(kernel)(*tuple(_d.values())))

</pallas_src>

<mosaic_0001>
#map = affine_map<(d0, d1) -> (0, 0)>
module attributes {stable_mosaic.version = 14 : i64} {
  func.func @_sc_rev_body(%arg0: i32, %arg1: i32, %arg2: memref<8192x1024xf32, #tpu.memory_space<hbm>>, %arg3: memref<8192x1024xf32, #tpu.memory_space<hbm>>, %arg4: memref<16x1024xf32, #tpu.memory_space<vmem>>, %arg5: memref<16x1024xf32, #tpu.memory_space<vmem>>, %arg6: memref<16x1024xf32, #tpu.memory_space<vmem>>, %arg7: memref<16x1024xf32, #tpu.memory_space<vmem>>, %arg8: memref<16x1024xf32, #tpu.memory_space<vmem>>, %arg9: memref<16x1024xf32, #tpu.memory_space<vmem>>, %arg10: memref<!tpu.dma_semaphore, #tpu.memory_space<semaphore_mem>>, %arg11: memref<!tpu.dma_semaphore, #tpu.memory_space<semaphore_mem>>, %arg12: memref<!tpu.dma_semaphore, #tpu.memory_space<semaphore_mem>>, %arg13: memref<!tpu.dma_semaphore, #tpu.memory_space<semaphore_mem>>, %arg14: memref<!tpu.dma_semaphore, #tpu.memory_space<semaphore_mem>>, %arg15: memref<!tpu.dma_semaphore, #tpu.memory_space<semaphore_mem>>) attributes {dimension_semantics = [#tpu.dimension_semantics<core_parallel>, #tpu.dimension_semantics<subcore_parallel>], iteration_bounds = array<i64: 2, 16>, scalar_prefetch = 0 : i64, scratch_operands = 12 : i64, tpu.core_type = #tpu.core_type<sc_vector_subcore>, window_params = [{transform_indices = #map}, {transform_indices = #map}]} {
    %mul3A = arith.constant 2 : i32
    %mul3A_0 = arith.muli %arg1, %mul3A : i32
    %add3A = arith.addi %mul3A_0, %arg0 : i32
    %mul3A_1 = arith.constant 256 : i32
    %mul3A_2 = arith.muli %add3A, %mul3A_1 : i32
    %add3A_3 = arith.constant 0 : i32
    %add3A_4 = arith.addi %mul3A_2, %add3A_3 : i32
    %dma_start3A = arith.constant 0 : i32
    %dma_start3A_5 = tpu.memref_slice %arg2[%add3A_4, %dma_start3A] : memref<8192x1024xf32, #tpu.memory_space<hbm>> -> memref<16x1024xf32, #tpu.memory_space<hbm>>
    %dma_start3A_6 = arith.constant 0 : i32
    %dma_start3A_7 = tpu.memref_slice %arg2[%add3A_4, %dma_start3A_6] : memref<8192x1024xf32, #tpu.memory_space<hbm>> -> memref<16x1024xf32, #tpu.memory_space<hbm>>
    tpu.enqueue_dma source(%dma_start3A_7 : memref<16x1024xf32, #tpu.memory_space<hbm>>) target(%arg4 : memref<16x1024xf32, #tpu.memory_space<vmem>>) target_semaphore(%arg10 : memref<!tpu.dma_semaphore, #tpu.memory_space<semaphore_mem>>)
    %add3A_8 = arith.constant 16 : i32
    %add3A_9 = arith.addi %mul3A_2, %add3A_8 : i32
    %dma_start3A_10 = arith.constant 0 : i32
    %dma_start3A_11 = tpu.memref_slice %arg2[%add3A_9, %dma_start3A_10] : memref<8192x1024xf32, #tpu.memory_space<hbm>> -> memref<16x1024xf32, #tpu.memory_space<hbm>>
    %dma_start3A_12 = arith.constant 0 : i32
    %dma_start3A_13 = tpu.memref_slice %arg2[%add3A_9, %dma_start3A_12] : memref<8192x1024xf32, #tpu.memory_space<hbm>> -> memref<16x1024xf32, #tpu.memory_space<hbm>>
    tpu.enqueue_dma source(%dma_start3A_13 : memref<16x1024xf32, #tpu.memory_space<hbm>>) target(%arg5 : memref<16x1024xf32, #tpu.memory_space<vmem>>) target_semaphore(%arg11 : memref<!tpu.dma_semaphore, #tpu.memory_space<semaphore_mem>>)
    %add3A_14 = arith.constant 0 : i32
    %add3A_15 = arith.addi %mul3A_2, %add3A_14 : i32
    %dma_wait3A = arith.constant 0 : i32
    %dma_wait3A_16 = tpu.memref_slice %arg2[%add3A_15, %dma_wait3A] : memref<8192x1024xf32, #tpu.memory_space<hbm>> -> memref<16x1024xf32, #tpu.memory_space<hbm>>
    %dma_wait3A_17 = arith.constant 0 : i32
    %dma_wait3A_18 = tpu.memref_slice %arg2[%add3A_15, %dma_wait3A_17] : memref<8192x1024xf32, #tpu.memory_space<hbm>> -> memref<16x1024xf32, #tpu.memory_space<hbm>>
    tpu.wait_dma2 semaphore(%arg10 : memref<!tpu.dma_semaphore, #tpu.memory_space<semaphore_mem>>) src(%dma_wait3A_18 : memref<16x1024xf32, #tpu.memory_space<hbm>>) dst(%arg4 : memref<16x1024xf32, #tpu.memory_space<vmem>>)
    %add3A_19 = arith.constant 32 : i32
    %add3A_20 = arith.addi %mul3A_2, %add3A_19 : i32
    %dma_start3A_21 = arith.constant 0 : i32
    %dma_start3A_22 = tpu.memref_slice %arg2[%add3A_20, %dma_start3A_21] : memref<8192x1024xf32, #tpu.memory_space<hbm>> -> memref<16x1024xf32, #tpu.memory_space<hbm>>
    %dma_start3A_23 = arith.constant 0 : i32
    %dma_start3A_24 = tpu.memref_slice %arg2[%add3A_20, %dma_start3A_23] : memref<8192x1024xf32, #tpu.memory_space<hbm>> -> memref<16x1024xf32, #tpu.memory_space<hbm>>
    tpu.enqueue_dma source(%dma_start3A_24 : memref<16x1024xf32, #tpu.memory_space<hbm>>) target(%arg6 : memref<16x1024xf32, #tpu.memory_space<vmem>>) target_semaphore(%arg12 : memref<!tpu.dma_semaphore, #tpu.memory_space<semaphore_mem>>)
    %parallel_loop3A = arith.constant 0 : i32
    %parallel_loop3A_25 = arith.constant 1024 : i32
    %parallel_loop3A_26 = arith.constant 1 : i32
    scf.for %parallel_loop3A_432 = %parallel_loop3A to %parallel_loop3A_25 step %parallel_loop3A_26  : i32 {
      %parallel_loop3A_433 = arith.constant 64 : i32
      %parallel_loop3A_434 = arith.divsi %parallel_loop3A_432, %parallel_loop3A_433 : i32
      %parallel_loop3A_435 = arith.constant 0 : i32
      %parallel_loop3A_436 = arith.cmpi sgt, %parallel_loop3A_432, %parallel_loop3A_435 : i32
      %parallel_loop3A_437 = arith.extui %parallel_loop3A_436 : i1 to i32
      %parallel_loop3A_438 = arith.constant 0 : i32
      %parallel_loop3A_439 = arith.cmpi slt, %parallel_loop3A_432, %parallel_loop3A_438 : i32
      %parallel_loop3A_440 = arith.extui %parallel_loop3A_439 : i1 to i32
      %parallel_loop3A_441 = arith.subi %parallel_loop3A_437, %parallel_loop3A_440 : i32
      %parallel_loop3A_442 = arith.constant 0 : i32
      %parallel_loop3A_443 = arith.cmpi sgt, %parallel_loop3A_433, %parallel_loop3A_442 : i32
      %parallel_loop3A_444 = arith.extui %parallel_loop3A_443 : i1 to i32
      %parallel_loop3A_445 = arith.constant 0 : i32
      %parallel_loop3A_446 = arith.cmpi slt, %parallel_loop3A_433, %parallel_loop3A_445 : i32
      %parallel_loop3A_447 = arith.extui %parallel_loop3A_446 : i1 to i32
      %parallel_loop3A_448 = arith.subi %parallel_loop3A_444, %parallel_loop3A_447 : i32
      %parallel_loop3A_449 = arith.cmpi ne, %parallel_loop3A_441, %parallel_loop3A_448 : i32
      %parallel_loop3A_450 = arith.remsi %parallel_loop3A_432, %parallel_loop3A_433 : i32
      %parallel_loop3A_451 = arith.constant 0 : i32
      %parallel_loop3A_452 = arith.cmpi ne, %parallel_loop3A_450, %parallel_loop3A_451 : i32
      %parallel_loop3A_453 = arith.andi %parallel_loop3A_449, %parallel_loop3A_452 : i1
      %parallel_loop3A_454 = arith.constant 1 : i32
      %parallel_loop3A_455 = arith.subi %parallel_loop3A_434, %parallel_loop3A_454 : i32
      %parallel_loop3A_456 = arith.select %parallel_loop3A_453, %parallel_loop3A_455, %parallel_loop3A_434 : i32
      %parallel_loop3A_457 = arith.constant 64 : i32
      %parallel_loop3A_458 = arith.constant 0 : i32
      %parallel_loop3A_459 = arith.cmpi eq, %parallel_loop3A_457, %parallel_loop3A_458 : i32
      %parallel_loop3A_460 = arith.constant 1 : i32
      %parallel_loop3A_461 = arith.select %parallel_loop3A_459, %parallel_loop3A_460, %parallel_loop3A_457 : i32
      %parallel_loop3A_462 = arith.remsi %parallel_loop3A_432, %parallel_loop3A_461 : i32
      %parallel_loop3A_463 = arith.constant 0 : i32
      %parallel_loop3A_464 = arith.cmpi ne, %parallel_loop3A_462, %parallel_loop3A_463 : i32
      %parallel_loop3A_465 = arith.constant 0 : i32
      %parallel_loop3A_466 = arith.cmpi slt, %parallel_loop3A_462, %parallel_loop3A_465 : i32
      %parallel_loop3A_467 = arith.constant 0 : i32
      %parallel_loop3A_468 = arith.cmpi slt, %parallel_loop3A_461, %parallel_loop3A_467 : i32
      %parallel_loop3A_469 = arith.xori %parallel_loop3A_466, %parallel_loop3A_468 : i1
      %parallel_loop3A_470 = arith.andi %parallel_loop3A_469, %parallel_loop3A_464 : i1
      %parallel_loop3A_471 = arith.addi %parallel_loop3A_462, %parallel_loop3A_461 : i32
      %parallel_loop3A_472 = arith.select %parallel_loop3A_470, %parallel_loop3A_471, %parallel_loop3A_462 : i32
      %parallel_loop3A_473 = arith.constant 16 : i32
      %parallel_loop3A_474 = arith.muli %parallel_loop3A_472, %parallel_loop3A_473 : i32
      %parallel_loop3A_475 = arith.constant 1008 : i32
      %parallel_loop3A_476 = arith.subi %parallel_loop3A_475, %parallel_loop3A_474 : i32
      %parallel_loop3A_477 = arith.index_cast %parallel_loop3A_456 : i32 to index
      %parallel_loop3A_478 = arith.index_cast %parallel_loop3A_476 : i32 to index
      %parallel_loop3A_479 = tpu.vector_load %arg4[%parallel_loop3A_477, %parallel_loop3A_478] {strides = array<i32>} : memref<16x1024xf32, #tpu.memory_space<vmem>>, vector<1x16xf32>,
      %parallel_loop3A_480 = vector.shape_cast %parallel_loop3A_479 : vector<1x16xf32> to vector<16xf32>
      %parallel_loop3A_481 = arith.constant 15 : i32
      %parallel_loop3A_482 = vector.broadcast %parallel_loop3A_481 : i32 to vector<16xi32>
      %parallel_loop3A_483 = tpu.iota {dimensions = array<i32: 0>} : vector<16xi32>
      %parallel_loop3A_484 = arith.subi %parallel_loop3A_482, %parallel_loop3A_483 : vector<16xi32>
      %parallel_loop3A_485 = tpu.dynamic_gather %parallel_loop3A_480[%parallel_loop3A_484] in [0] : vector<16xf32>, vector<16xi32> -> vector<16xf32>
      %parallel_loop3A_486 = arith.index_cast %parallel_loop3A_456 : i32 to index
      %parallel_loop3A_487 = arith.index_cast %parallel_loop3A_474 : i32 to index
      %parallel_loop3A_488 = tpu.vector_load %arg7[%parallel_loop3A_486, %parallel_loop3A_487] {strides = array<i32>} : memref<16x1024xf32, #tpu.memory_space<vmem>>, vector<1x16xf32>,
      %parallel_loop3A_489 = vector.shape_cast %parallel_loop3A_488 : vector<1x16xf32> to vector<16xf32>
      %parallel_loop3A_490 = vector.shape_cast %parallel_loop3A_485 : vector<16xf32> to vector<1x16xf32>
      tpu.vector_store %arg7[%parallel_loop3A_486, %parallel_loop3A_487], %parallel_loop3A_490 {strides = array<i32>} : memref<16x1024xf32, #tpu.memory_space<vmem>>, vector<1x16xf32>,
    } {sc.loop_unroll_factor = 8 : i64, sc.parallel_access}
    %add3A_27 = arith.constant 0 : i32
    %add3A_28 = arith.addi %mul3A_2, %add3A_27 : i32
    %dma_start3A_29 = arith.constant 0 : i32
    %dma_start3A_30 = tpu.memref_slice %arg3[%add3A_28, %dma_start3A_29] : memref<8192x1024xf32, #tpu.memory_space<hbm>> -> memref<16x1024xf32, #tpu.memory_space<hbm>>
    %dma_start3A_31 = arith.constant 0 : i32
    %dma_start3A_32 = tpu.memref_slice %arg3[%add3A_28, %dma_start3A_31] : memref<8192x1024xf32, #tpu.memory_space<hbm>> -> memref<16x1024xf32, #tpu.memory_space<hbm>>
    tpu.enqueue_dma source(%arg7 : memref<16x1024xf32, #tpu.memory_space<vmem>>) target(%dma_start3A_32 : memref<16x1024xf32, #tpu.memory_space<hbm>>) target_semaphore(%arg13 : memref<!tpu.dma_semaphore, #tpu.memory_space<semaphore_mem>>)
    %add3A_33 = arith.constant 16 : i32
    %add3A_34 = arith.addi %mul3A_2, %add3A_33 : i32
    %dma_wait3A_35 = arith.constant 0 : i32
    %dma_wait3A_36 = tpu.memref_slice %arg2[%add3A_34, %dma_wait3A_35] : memref<8192x1024xf32, #tpu.memory_space<hbm>> -> memref<16x1024xf32, #tpu.memory_space<hbm>>
    %dma_wait3A_37 = arith.constant 0 : i32
    %dma_wait3A_38 = tpu.memref_slice %arg2[%add3A_34, %dma_wait3A_37] : memref<8192x1024xf32, #tpu.memory_space<hbm>> -> memref<16x1024xf32, #tpu.memory_space<hbm>>
    tpu.wait_dma2 semaphore(%arg11 : memref<!tpu.dma_semaphore, #tpu.memory_space<semaphore_mem>>) src(%dma_wait3A_38 : memref<16x1024xf32, #tpu.memory_space<hbm>>) dst(%arg5 : memref<16x1024xf32, #tpu.memory_space<vmem>>)
    %add3A_39 = arith.constant 48 : i32
    %add3A_40 = arith.addi %mul3A_2, %add3A_39 : i32
    %dma_start3A_41 = arith.constant 0 : i32
    %dma_start3A_42 = tpu.memref_slice %arg2[%add3A_40, %dma_start3A_41] : memref<8192x1024xf32, #tpu.memory_space<hbm>> -> memref<16x1024xf32, #tpu.memory_space<hbm>>
    %dma_start3A_43 = arith.constant 0 : i32
    %dma_start3A_44 = tpu.memref_slice %arg2[%add3A_40, %dma_start3A_43] : memref<8192x1024xf32, #tpu.memory_space<hbm>> -> memref<16x1024xf32, #tpu.memory_space<hbm>>
    tpu.enqueue_dma source(%dma_start3A_44 : memref<16x1024xf32, #tpu.memory_space<hbm>>) target(%arg4 : memref<16x1024xf32, #tpu.memory_space<vmem>>) target_semaphore(%arg10 : memref<!tpu.dma_semaphore, #tpu.memory_space<semaphore_mem>>)
    %parallel_loop3A_45 = arith.constant 0 : i32
    %parallel_loop3A_46 = arith.constant 1024 : i32
    %parallel_loop3A_47 = arith.constant 1 : i32
    scf.for %parallel_loop3A_432 = %parallel_loop3A_45 to %parallel_loop3A_46 step %parallel_loop3A_47  : i32 {
      %parallel_loop3A_433 = arith.constant 64 : i32
      %parallel_loop3A_434 = arith.divsi %parallel_loop3A_432, %parallel_loop3A_433 : i32
      %parallel_loop3A_435 = arith.constant 0 : i32
      %parallel_loop3A_436 = arith.cmpi sgt, %parallel_loop3A_432, %parallel_loop3A_435 : i32
      %parallel_loop3A_437 = arith.extui %parallel_loop3A_436 : i1 to i32
      %parallel_loop3A_438 = arith.constant 0 : i32
      %parallel_loop3A_439 = arith.cmpi slt, %parallel_loop3A_432, %parallel_loop3A_438 : i32
      %parallel_loop3A_440 = arith.extui %parallel_loop3A_439 : i1 to i32
      %parallel_loop3A_441 = arith.subi %parallel_loop3A_437, %parallel_loop3A_440 : i32
      %parallel_loop3A_442 = arith.constant 0 : i32
      %parallel_loop3A_443 = arith.cmpi sgt, %parallel_loop3A_433, %parallel_loop3A_442 : i32
      %parallel_loop3A_444 = arith.extui %parallel_loop3A_443 : i1 to i32
      %parallel_loop3A_445 = arith.constant 0 : i32
      %parallel_loop3A_446 = arith.cmpi slt, %parallel_loop3A_433, %parallel_loop3A_445 : i32
      %parallel_loop3A_447 = arith.extui %parallel_loop3A_446 : i1 to i32
      %parallel_loop3A_448 = arith.subi %parallel_loop3A_444, %parallel_loop3A_447 : i32
      %parallel_loop3A_449 = arith.cmpi ne, %parallel_loop3A_441, %parallel_loop3A_448 : i32
      %parallel_loop3A_450 = arith.remsi %parallel_loop3A_432, %parallel_loop3A_433 : i32
      %parallel_loop3A_451 = arith.constant 0 : i32
      %parallel_loop3A_452 = arith.cmpi ne, %parallel_loop3A_450, %parallel_loop3A_451 : i32
      %parallel_loop3A_453 = arith.andi %parallel_loop3A_449, %parallel_loop3A_452 : i1
      %parallel_loop3A_454 = arith.constant 1 : i32
      %parallel_loop3A_455 = arith.subi %parallel_loop3A_434, %parallel_loop3A_454 : i32
      %parallel_loop3A_456 = arith.select %parallel_loop3A_453, %parallel_loop3A_455, %parallel_loop3A_434 : i32
      %parallel_loop3A_457 = arith.constant 64 : i32
      %parallel_loop3A_458 = arith.constant 0 : i32
      %parallel_loop3A_459 = arith.cmpi eq, %parallel_loop3A_457, %parallel_loop3A_458 : i32
      %parallel_loop3A_460 = arith.constant 1 : i32
      %parallel_loop3A_461 = arith.select %parallel_loop3A_459, %parallel_loop3A_460, %parallel_loop3A_457 : i32
      %parallel_loop3A_462 = arith.remsi %parallel_loop3A_432, %parallel_loop3A_461 : i32
      %parallel_loop3A_463 = arith.constant 0 : i32
      %parallel_loop3A_464 = arith.cmpi ne, %parallel_loop3A_462, %parallel_loop3A_463 : i32
      %parallel_loop3A_465 = arith.constant 0 : i32
      %parallel_loop3A_466 = arith.cmpi slt, %parallel_loop3A_462, %parallel_loop3A_465 : i32
      %parallel_loop3A_467 = arith.constant 0 : i32
      %parallel_loop3A_468 = arith.cmpi slt, %parallel_loop3A_461, %parallel_loop3A_467 : i32
      %parallel_loop3A_469 = arith.xori %parallel_loop3A_466, %parallel_loop3A_468 : i1
      %parallel_loop3A_470 = arith.andi %parallel_loop3A_469, %parallel_loop3A_464 : i1
      %parallel_loop3A_471 = arith.addi %parallel_loop3A_462, %parallel_loop3A_461 : i32
      %parallel_loop3A_472 = arith.select %parallel_loop3A_470, %parallel_loop3A_471, %parallel_loop3A_462 : i32
      %parallel_loop3A_473 = arith.constant 16 : i32
      %parallel_loop3A_474 = arith.muli %parallel_loop3A_472, %parallel_loop3A_473 : i32
      %parallel_loop3A_475 = arith.constant 1008 : i32
      %parallel_loop3A_476 = arith.subi %parallel_loop3A_475, %parallel_loop3A_474 : i32
      %parallel_loop3A_477 = arith.index_cast %parallel_loop3A_456 : i32 to index
      %parallel_loop3A_478 = arith.index_cast %parallel_loop3A_476 : i32 to index
      %parallel_loop3A_479 = tpu.vector_load %arg5[%parallel_loop3A_477, %parallel_loop3A_478] {strides = array<i32>} : memref<16x1024xf32, #tpu.memory_space<vmem>>, vector<1x16xf32>,
      %parallel_loop3A_480 = vector.shape_cast %parallel_loop3A_479 : vector<1x16xf32> to vector<16xf32>
      %parallel_loop3A_481 = arith.constant 15 : i32
      %parallel_loop3A_482 = vector.broadcast %parallel_loop3A_481 : i32 to vector<16xi32>
      %parallel_loop3A_483 = tpu.iota {dimensions = array<i32: 0>} : vector<16xi32>
      %parallel_loop3A_484 = arith.subi %parallel_loop3A_482, %parallel_loop3A_483 : vector<16xi32>
      %parallel_loop3A_485 = tpu.dynamic_gather %parallel_loop3A_480[%parallel_loop3A_484] in [0] : vector<16xf32>, vector<16xi32> -> vector<16xf32>
      %parallel_loop3A_486 = arith.index_cast %parallel_loop3A_456 : i32 to index
      %parallel_loop3A_487 = arith.index_cast %parallel_loop3A_474 : i32 to index
      %parallel_loop3A_488 = tpu.vector_load %arg8[%parallel_loop3A_486, %parallel_loop3A_487] {strides = array<i32>} : memref<16x1024xf32, #tpu.memory_space<vmem>>, vector<1x16xf32>,
      %parallel_loop3A_489 = vector.shape_cast %parallel_loop3A_488 : vector<1x16xf32> to vector<16xf32>
      %parallel_loop3A_490 = vector.shape_cast %parallel_loop3A_485 : vector<16xf32> to vector<1x16xf32>
      tpu.vector_store %arg8[%parallel_loop3A_486, %parallel_loop3A_487], %parallel_loop3A_490 {strides = array<i32>} : memref<16x1024xf32, #tpu.memory_space<vmem>>, vector<1x16xf32>,
    } {sc.loop_unroll_factor = 8 : i64, sc.parallel_access}
    %add3A_48 = arith.constant 16 : i32
    %add3A_49 = arith.addi %mul3A_2, %add3A_48 : i32
    %dma_start3A_50 = arith.constant 0 : i32
    %dma_start3A_51 = tpu.memref_slice %arg3[%add3A_49, %dma_start3A_50] : memref<8192x1024xf32, #tpu.memory_space<hbm>> -> memref<16x1024xf32, #tpu.memory_space<hbm>>
    %dma_start3A_52 = arith.constant 0 : i32
    %dma_start3A_53 = tpu.memref_slice %arg3[%add3A_49, %dma_start3A_52] : memref<8192x1024xf32, #tpu.memory_space<hbm>> -> memref<16x1024xf32, #tpu.memory_space<hbm>>
    tpu.enqueue_dma source(%arg8 : memref<16x1024xf32, #tpu.memory_space<vmem>>) target(%dma_start3A_53 : memref<16x1024xf32, #tpu.memory_space<hbm>>) target_semaphore(%arg14 : memref<!tpu.dma_semaphore, #tpu.memory_space<semaphore_mem>>)
    %add3A_54 = arith.constant 32 : i32
    %add3A_55 = arith.addi %mul3A_2, %add3A_54 : i32
    %dma_wait3A_56 = arith.constant 0 : i32
    %dma_wait3A_57 = tpu.memref_slice %arg2[%add3A_55, %dma_wait3A_56] : memref<8192x1024xf32, #tpu.memory_space<hbm>> -> memref<16x1024xf32, #tpu.memory_space<hbm>>
    %dma_wait3A_58 = arith.constant 0 : i32
    %dma_wait3A_59 = tpu.memref_slice %arg2[%add3A_55, %dma_wait3A_58] : memref<8192x1024xf32, #tpu.memory_space<hbm>> -> memref<16x1024xf32, #tpu.memory_space<hbm>>
    tpu.wait_dma2 semaphore(%arg12 : memref<!tpu.dma_semaphore, #tpu.memory_space<semaphore_mem>>) src(%dma_wait3A_59 : memref<16x1024xf32, #tpu.memory_space<hbm>>) dst(%arg6 : memref<16x1024xf32, #tpu.memory_space<vmem>>)
    %add3A_60 = arith.constant 64 : i32
    %add3A_61 = arith.addi %mul3A_2, %add3A_60 : i32
    %dma_start3A_62 = arith.constant 0 : i32
    %dma_start3A_63 = tpu.memref_slice %arg2[%add3A_61, %dma_start3A_62] : memref<8192x1024xf32, #tpu.memory_space<hbm>> -> memref<16x1024xf32, #tpu.memory_space<hbm>>
    %dma_start3A_64 = arith.constant 0 : i32
    %dma_start3A_65 = tpu.memref_slice %arg2[%add3A_61, %dma_start3A_64] : memref<8192x1024xf32, #tpu.memory_space<hbm>> -> memref<16x1024xf32, #tpu.memory_space<hbm>>
    tpu.enqueue_dma source(%dma_start3A_65 : memref<16x1024xf32, #tpu.memory_space<hbm>>) target(%arg5 : memref<16x1024xf32, #tpu.memory_space<vmem>>) target_semaphore(%arg11 : memref<!tpu.dma_semaphore, #tpu.memory_space<semaphore_mem>>)
    %parallel_loop3A_66 = arith.constant 0 : i32
    %parallel_loop3A_67 = arith.constant 1024 : i32
    %parallel_loop3A_68 = arith.constant 1 : i32
    scf.for %parallel_loop3A_432 = %parallel_loop3A_66 to %parallel_loop3A_67 step %parallel_loop3A_68  : i32 {
      %parallel_loop3A_433 = arith.constant 64 : i32
      %parallel_loop3A_434 = arith.divsi %parallel_loop3A_432, %parallel_loop3A_433 : i32
      %parallel_loop3A_435 = arith.constant 0 : i32
      %parallel_loop3A_436 = arith.cmpi sgt, %parallel_loop3A_432, %parallel_loop3A_435 : i32
      %parallel_loop3A_437 = arith.extui %parallel_loop3A_436 : i1 to i32
      %parallel_loop3A_438 = arith.constant 0 : i32
      %parallel_loop3A_439 = arith.cmpi slt, %parallel_loop3A_432, %parallel_loop3A_438 : i32
      %parallel_loop3A_440 = arith.extui %parallel_loop3A_439 : i1 to i32
      %parallel_loop3A_441 = arith.subi %parallel_loop3A_437, %parallel_loop3A_440 : i32
      %parallel_loop3A_442 = arith.constant 0 : i32
      %parallel_loop3A_443 = arith.cmpi sgt, %parallel_loop3A_433, %parallel_loop3A_442 : i32
      %parallel_loop3A_444 = arith.extui %parallel_loop3A_443 : i1 to i32
      %parallel_loop3A_445 = arith.constant 0 : i32
      %parallel_loop3A_446 = arith.cmpi slt, %parallel_loop3A_433, %parallel_loop3A_445 : i32
      %parallel_loop3A_447 = arith.extui %parallel_loop3A_446 : i1 to i32
      %parallel_loop3A_448 = arith.subi %parallel_loop3A_444, %parallel_loop3A_447 : i32
      %parallel_loop3A_449 = arith.cmpi ne, %parallel_loop3A_441, %parallel_loop3A_448 : i32
      %parallel_loop3A_450 = arith.remsi %parallel_loop3A_432, %parallel_loop3A_433 : i32
      %parallel_loop3A_451 = arith.constant 0 : i32
      %parallel_loop3A_452 = arith.cmpi ne, %parallel_loop3A_450, %parallel_loop3A_451 : i32
      %parallel_loop3A_453 = arith.andi %parallel_loop3A_449, %parallel_loop3A_452 : i1
      %parallel_loop3A_454 = arith.constant 1 : i32
      %parallel_loop3A_455 = arith.subi %parallel_loop3A_434, %parallel_loop3A_454 : i32
      %parallel_loop3A_456 = arith.select %parallel_loop3A_453, %parallel_loop3A_455, %parallel_loop3A_434 : i32
      %parallel_loop3A_457 = arith.constant 64 : i32
      %parallel_loop3A_458 = arith.constant 0 : i32
      %parallel_loop3A_459 = arith.cmpi eq, %parallel_loop3A_457, %parallel_loop3A_458 : i32
      %parallel_loop3A_460 = arith.constant 1 : i32
      %parallel_loop3A_461 = arith.select %parallel_loop3A_459, %parallel_loop3A_460, %parallel_loop3A_457 : i32
      %parallel_loop3A_462 = arith.remsi %parallel_loop3A_432, %parallel_loop3A_461 : i32
      %parallel_loop3A_463 = arith.constant 0 : i32
      %parallel_loop3A_464 = arith.cmpi ne, %parallel_loop3A_462, %parallel_loop3A_463 : i32
      %parallel_loop3A_465 = arith.constant 0 : i32
      %parallel_loop3A_466 = arith.cmpi slt, %parallel_loop3A_462, %parallel_loop3A_465 : i32
      %parallel_loop3A_467 = arith.constant 0 : i32
      %parallel_loop3A_468 = arith.cmpi slt, %parallel_loop3A_461, %parallel_loop3A_467 : i32
      %parallel_loop3A_469 = arith.xori %parallel_loop3A_466, %parallel_loop3A_468 : i1
      %parallel_loop3A_470 = arith.andi %parallel_loop3A_469, %parallel_loop3A_464 : i1
      %parallel_loop3A_471 = arith.addi %parallel_loop3A_462, %parallel_loop3A_461 : i32
      %parallel_loop3A_472 = arith.select %parallel_loop3A_470, %parallel_loop3A_471, %parallel_loop3A_462 : i32
      %parallel_loop3A_473 = arith.constant 16 : i32
      %parallel_loop3A_474 = arith.muli %parallel_loop3A_472, %parallel_loop3A_473 : i32
      %parallel_loop3A_475 = arith.constant 1008 : i32
      %parallel_loop3A_476 = arith.subi %parallel_loop3A_475, %parallel_loop3A_474 : i32
      %parallel_loop3A_477 = arith.index_cast %parallel_loop3A_456 : i32 to index
      %parallel_loop3A_478 = arith.index_cast %parallel_loop3A_476 : i32 to index
      %parallel_loop3A_479 = tpu.vector_load %arg6[%parallel_loop3A_477, %parallel_loop3A_478] {strides = array<i32>} : memref<16x1024xf32, #tpu.memory_space<vmem>>, vector<1x16xf32>,
      %parallel_loop3A_480 = vector.shape_cast %parallel_loop3A_479 : vector<1x16xf32> to vector<16xf32>
      %parallel_loop3A_481 = arith.constant 15 : i32
      %parallel_loop3A_482 = vector.broadcast %parallel_loop3A_481 : i32 to vector<16xi32>
      %parallel_loop3A_483 = tpu.iota {dimensions = array<i32: 0>} : vector<16xi32>
      %parallel_loop3A_484 = arith.subi %parallel_loop3A_482, %parallel_loop3A_483 : vector<16xi32>
      %parallel_loop3A_485 = tpu.dynamic_gather %parallel_loop3A_480[%parallel_loop3A_484] in [0] : vector<16xf32>, vector<16xi32> -> vector<16xf32>
      %parallel_loop3A_486 = arith.index_cast %parallel_loop3A_456 : i32 to index
      %parallel_loop3A_487 = arith.index_cast %parallel_loop3A_474 : i32 to index
      %parallel_loop3A_488 = tpu.vector_load %arg9[%parallel_loop3A_486, %parallel_loop3A_487] {strides = array<i32>} : memref<16x1024xf32, #tpu.memory_space<vmem>>, vector<1x16xf32>,
      %parallel_loop3A_489 = vector.shape_cast %parallel_loop3A_488 : vector<1x16xf32> to vector<16xf32>
      %parallel_loop3A_490 = vector.shape_cast %parallel_loop3A_485 : vector<16xf32> to vector<1x16xf32>
      tpu.vector_store %arg9[%parallel_loop3A_486, %parallel_loop3A_487], %parallel_loop3A_490 {strides = array<i32>} : memref<16x1024xf32, #tpu.memory_space<vmem>>, vector<1x16xf32>,
    } {sc.loop_unroll_factor = 8 : i64, sc.parallel_access}
    %add3A_69 = arith.constant 32 : i32
    %add3A_70 = arith.addi %mul3A_2, %add3A_69 : i32
    %dma_start3A_71 = arith.constant 0 : i32
    %dma_start3A_72 = tpu.memref_slice %arg3[%add3A_70, %dma_start3A_71] : memref<8192x1024xf32, #tpu.memory_space<hbm>> -> memref<16x1024xf32, #tpu.memory_space<hbm>>
    %dma_start3A_73 = arith.constant 0 : i32
    %dma_start3A_74 = tpu.memref_slice %arg3[%add3A_70, %dma_start3A_73] : memref<8192x1024xf32, #tpu.memory_space<hbm>> -> memref<16x1024xf32, #tpu.memory_space<hbm>>
    tpu.enqueue_dma source(%arg9 : memref<16x1024xf32, #tpu.memory_space<vmem>>) target(%dma_start3A_74 : memref<16x1024xf32, #tpu.memory_space<hbm>>) target_semaphore(%arg15 : memref<!tpu.dma_semaphore, #tpu.memory_space<semaphore_mem>>)
    %add3A_75 = arith.constant 48 : i32
    %add3A_76 = arith.addi %mul3A_2, %add3A_75 : i32
    %dma_wait3A_77 = arith.constant 0 : i32
    %dma_wait3A_78 = tpu.memref_slice %arg2[%add3A_76, %dma_wait3A_77] : memref<8192x1024xf32, #tpu.memory_space<hbm>> -> memref<16x1024xf32, #tpu.memory_space<hbm>>
    %dma_wait3A_79 = arith.constant 0 : i32
    %dma_wait3A_80 = tpu.memref_slice %arg2[%add3A_76, %dma_wait3A_79] : memref<8192x1024xf32, #tpu.memory_space<hbm>> -> memref<16x1024xf32, #tpu.memory_space<hbm>>
    tpu.wait_dma2 semaphore(%arg10 : memref<!tpu.dma_semaphore, #tpu.memory_space<semaphore_mem>>) src(%dma_wait3A_80 : memref<16x1024xf32, #tpu.memory_space<hbm>>) dst(%arg4 : memref<16x1024xf32, #tpu.memory_space<vmem>>)
    %add3A_81 = arith.constant 80 : i32
    %add3A_82 = arith.addi %mul3A_2, %add3A_81 : i32
    %dma_start3A_83 = arith.constant 0 : i32
    %dma_start3A_84 = tpu.memref_slice %arg2[%add3A_82, %dma_start3A_83] : memref<8192x1024xf32, #tpu.memory_space<hbm>> -> memref<16x1024xf32, #tpu.memory_space<hbm>>
    %dma_start3A_85 = arith.constant 0 : i32
    %dma_start3A_86 = tpu.memref_slice %arg2[%add3A_82, %dma_start3A_85] : memref<8192x1024xf32, #tpu.memory_space<hbm>> -> memref<16x1024xf32, #tpu.memory_space<hbm>>
    tpu.enqueue_dma source(%dma_start3A_86 : memref<16x1024xf32, #tpu.memory_space<hbm>>) target(%arg6 : memref<16x1024xf32, #tpu.memory_space<vmem>>) target_semaphore(%arg12 : memref<!tpu.dma_semaphore, #tpu.memory_space<semaphore_mem>>)
    %add3A_87 = arith.constant 0 : i32
    %add3A_88 = arith.addi %mul3A_2, %add3A_87 : i32
    %dma_wait3A_89 = arith.constant 0 : i32
    %dma_wait3A_90 = tpu.memref_slice %arg3[%add3A_88, %dma_wait3A_89] : memref<8192x1024xf32, #tpu.memory_space<hbm>> -> memref<16x1024xf32, #tpu.memory_space<hbm>>
    %dma_wait3A_91 = arith.constant 0 : i32
    %dma_wait3A_92 = tpu.memref_slice %arg3[%add3A_88, %dma_wait3A_91] : memref<8192x1024xf32, #tpu.memory_space<hbm>> -> memref<16x1024xf32, #tpu.memory_space<hbm>>
    tpu.wait_dma2 semaphore(%arg13 : memref<!tpu.dma_semaphore, #tpu.memory_space<semaphore_mem>>) src(%arg7 : memref<16x1024xf32, #tpu.memory_space<vmem>>) dst(%dma_wait3A_92 : memref<16x1024xf32, #tpu.memory_space<hbm>>)
    %parallel_loop3A_93 = arith.constant 0 : i32
    %parallel_loop3A_94 = arith.constant 1024 : i32
    %parallel_loop3A_95 = arith.constant 1 : i32
    scf.for %parallel_loop3A_432 = %parallel_loop3A_93 to %parallel_loop3A_94 step %parallel_loop3A_95  : i32 {
      %parallel_loop3A_433 = arith.constant 64 : i32
      %parallel_loop3A_434 = arith.divsi %parallel_loop3A_432, %parallel_loop3A_433 : i32
      %parallel_loop3A_435 = arith.constant 0 : i32
      %parallel_loop3A_436 = arith.cmpi sgt, %parallel_loop3A_432, %parallel_loop3A_435 : i32
      %parallel_loop3A_437 = arith.extui %parallel_loop3A_436 : i1 to i32
      %parallel_loop3A_438 = arith.constant 0 : i32
      %parallel_loop3A_439 = arith.cmpi slt, %parallel_loop3A_432, %parallel_loop3A_438 : i32
      %parallel_loop3A_440 = arith.extui %parallel_loop3A_439 : i1 to i32
      %parallel_loop3A_441 = arith.subi %parallel_loop3A_437, %parallel_loop3A_440 : i32
      %parallel_loop3A_442 = arith.constant 0 : i32
      %parallel_loop3A_443 = arith.cmpi sgt, %parallel_loop3A_433, %parallel_loop3A_442 : i32
      %parallel_loop3A_444 = arith.extui %parallel_loop3A_443 : i1 to i32
      %parallel_loop3A_445 = arith.constant 0 : i32
      %parallel_loop3A_446 = arith.cmpi slt, %parallel_loop3A_433, %parallel_loop3A_445 : i32
      %parallel_loop3A_447 = arith.extui %parallel_loop3A_446 : i1 to i32
      %parallel_loop3A_448 = arith.subi %parallel_loop3A_444, %parallel_loop3A_447 : i32
      %parallel_loop3A_449 = arith.cmpi ne, %parallel_loop3A_441, %parallel_loop3A_448 : i32
      %parallel_loop3A_450 = arith.remsi %parallel_loop3A_432, %parallel_loop3A_433 : i32
      %parallel_loop3A_451 = arith.constant 0 : i32
      %parallel_loop3A_452 = arith.cmpi ne, %parallel_loop3A_450, %parallel_loop3A_451 : i32
      %parallel_loop3A_453 = arith.andi %parallel_loop3A_449, %parallel_loop3A_452 : i1
      %parallel_loop3A_454 = arith.constant 1 : i32
      %parallel_loop3A_455 = arith.subi %parallel_loop3A_434, %parallel_loop3A_454 : i32
      %parallel_loop3A_456 = arith.select %parallel_loop3A_453, %parallel_loop3A_455, %parallel_loop3A_434 : i32
      %parallel_loop3A_457 = arith.constant 64 : i32
      %parallel_loop3A_458 = arith.constant 0 : i32
      %parallel_loop3A_459 = arith.cmpi eq, %parallel_loop3A_457, %parallel_loop3A_458 : i32
      %parallel_loop3A_460 = arith.constant 1 : i32
      %parallel_loop3A_461 = arith.select %parallel_loop3A_459, %parallel_loop3A_460, %parallel_loop3A_457 : i32
      %parallel_loop3A_462 = arith.remsi %parallel_loop3A_432, %parallel_loop3A_461 : i32
      %parallel_loop3A_463 = arith.constant 0 : i32
      %parallel_loop3A_464 = arith.cmpi ne, %parallel_loop3A_462, %parallel_loop3A_463 : i32
      %parallel_loop3A_465 = arith.constant 0 : i32
      %parallel_loop3A_466 = arith.cmpi slt, %parallel_loop3A_462, %parallel_loop3A_465 : i32
      %parallel_loop3A_467 = arith.constant 0 : i32
      %parallel_loop3A_468 = arith.cmpi slt, %parallel_loop3A_461, %parallel_loop3A_467 : i32
      %parallel_loop3A_469 = arith.xori %parallel_loop3A_466, %parallel_loop3A_468 : i1
      %parallel_loop3A_470 = arith.andi %parallel_loop3A_469, %parallel_loop3A_464 : i1
      %parallel_loop3A_471 = arith.addi %parallel_loop3A_462, %parallel_loop3A_461 : i32
      %parallel_loop3A_472 = arith.select %parallel_loop3A_470, %parallel_loop3A_471, %parallel_loop3A_462 : i32
      %parallel_loop3A_473 = arith.constant 16 : i32
      %parallel_loop3A_474 = arith.muli %parallel_loop3A_472, %parallel_loop3A_473 : i32
      %parallel_loop3A_475 = arith.constant 1008 : i32
      %parallel_loop3A_476 = arith.subi %parallel_loop3A_475, %parallel_loop3A_474 : i32
      %parallel_loop3A_477 = arith.index_cast %parallel_loop3A_456 : i32 to index
      %parallel_loop3A_478 = arith.index_cast %parallel_loop3A_476 : i32 to index
      %parallel_loop3A_479 = tpu.vector_load %arg4[%parallel_loop3A_477, %parallel_loop3A_478] {strides = array<i32>} : memref<16x1024xf32, #tpu.memory_space<vmem>>, vector<1x16xf32>,
      %parallel_loop3A_480 = vector.shape_cast %parallel_loop3A_479 : vector<1x16xf32> to vector<16xf32>
      %parallel_loop3A_481 = arith.constant 15 : i32
      %parallel_loop3A_482 = vector.broadcast %parallel_loop3A_481 : i32 to vector<16xi32>
      %parallel_loop3A_483 = tpu.iota {dimensions = array<i32: 0>} : vector<16xi32>
      %parallel_loop3A_484 = arith.subi %parallel_loop3A_482, %parallel_loop3A_483 : vector<16xi32>
      %parallel_loop3A_485 = tpu.dynamic_gather %parallel_loop3A_480[%parallel_loop3A_484] in [0] : vector<16xf32>, vector<16xi32> -> vector<16xf32>
      %parallel_loop3A_486 = arith.index_cast %parallel_loop3A_456 : i32 to index
      %parallel_loop3A_487 = arith.index_cast %parallel_loop3A_474 : i32 to index
      %parallel_loop3A_488 = tpu.vector_load %arg7[%parallel_loop3A_486, %parallel_loop3A_487] {strides = array<i32>} : memref<16x1024xf32, #tpu.memory_space<vmem>>, vector<1x16xf32>,
      %parallel_loop3A_489 = vector.shape_cast %parallel_loop3A_488 : vector<1x16xf32> to vector<16xf32>
      %parallel_loop3A_490 = vector.shape_cast %parallel_loop3A_485 : vector<16xf32> to vector<1x16xf32>
      tpu.vector_store %arg7[%parallel_loop3A_486, %parallel_loop3A_487], %parallel_loop3A_490 {strides = array<i32>} : memref<16x1024xf32, #tpu.memory_space<vmem>>, vector<1x16xf32>,
    } {sc.loop_unroll_factor = 8 : i64, sc.parallel_access}
    %add3A_96 = arith.constant 48 : i32
    %add3A_97 = arith.addi %mul3A_2, %add3A_96 : i32
    %dma_start3A_98 = arith.constant 0 : i32
    %dma_start3A_99 = tpu.memref_slice %arg3[%add3A_97, %dma_start3A_98] : memref<8192x1024xf32, #tpu.memory_space<hbm>> -> memref<16x1024xf32, #tpu.memory_space<hbm>>
    %dma_start3A_100 = arith.constant 0 : i32
    %dma_start3A_101 = tpu.memref_slice %arg3[%add3A_97, %dma_start3A_100] : memref<8192x1024xf32, #tpu.memory_space<hbm>> -> memref<16x1024xf32, #tpu.memory_space<hbm>>
    tpu.enqueue_dma source(%arg7 : memref<16x1024xf32, #tpu.memory_space<vmem>>) target(%dma_start3A_101 : memref<16x1024xf32, #tpu.memory_space<hbm>>) target_semaphore(%arg13 : memref<!tpu.dma_semaphore, #tpu.memory_space<semaphore_mem>>)
    %add3A_102 = arith.constant 64 : i32
    %add3A_103 = arith.addi %mul3A_2, %add3A_102 : i32
    %dma_wait3A_104 = arith.constant 0 : i32
    %dma_wait3A_105 = tpu.memref_slice %arg2[%add3A_103, %dma_wait3A_104] : memref<8192x1024xf32, #tpu.memory_space<hbm>> -> memref<16x1024xf32, #tpu.memory_space<hbm>>
    %dma_wait3A_106 = arith.constant 0 : i32
    %dma_wait3A_107 = tpu.memref_slice %arg2[%add3A_103, %dma_wait3A_106] : memref<8192x1024xf32, #tpu.memory_space<hbm>> -> memref<16x1024xf32, #tpu.memory_space<hbm>>
    tpu.wait_dma2 semaphore(%arg11 : memref<!tpu.dma_semaphore, #tpu.memory_space<semaphore_mem>>) src(%dma_wait3A_107 : memref<16x1024xf32, #tpu.memory_space<hbm>>) dst(%arg5 : memref<16x1024xf32, #tpu.memory_space<vmem>>)
    %add3A_108 = arith.constant 96 : i32
    %add3A_109 = arith.addi %mul3A_2, %add3A_108 : i32
    %dma_start3A_110 = arith.constant 0 : i32
    %dma_start3A_111 = tpu.memref_slice %arg2[%add3A_109, %dma_start3A_110] : memref<8192x1024xf32, #tpu.memory_space<hbm>> -> memref<16x1024xf32, #tpu.memory_space<hbm>>
    %dma_start3A_112 = arith.constant 0 : i32
    %dma_start3A_113 = tpu.memref_slice %arg2[%add3A_109, %dma_start3A_112] : memref<8192x1024xf32, #tpu.memory_space<hbm>> -> memref<16x1024xf32, #tpu.memory_space<hbm>>
    tpu.enqueue_dma source(%dma_start3A_113 : memref<16x1024xf32, #tpu.memory_space<hbm>>) target(%arg4 : memref<16x1024xf32, #tpu.memory_space<vmem>>) target_semaphore(%arg10 : memref<!tpu.dma_semaphore, #tpu.memory_space<semaphore_mem>>)
    %add3A_114 = arith.constant 16 : i32
    %add3A_115 = arith.addi %mul3A_2, %add3A_114 : i32
    %dma_wait3A_116 = arith.constant 0 : i32
    %dma_wait3A_117 = tpu.memref_slice %arg3[%add3A_115, %dma_wait3A_116] : memref<8192x1024xf32, #tpu.memory_space<hbm>> -> memref<16x1024xf32, #tpu.memory_space<hbm>>
    %dma_wait3A_118 = arith.constant 0 : i32
    %dma_wait3A_119 = tpu.memref_slice %arg3[%add3A_115, %dma_wait3A_118] : memref<8192x1024xf32, #tpu.memory_space<hbm>> -> memref<16x1024xf32, #tpu.memory_space<hbm>>
    tpu.wait_dma2 semaphore(%arg14 : memref<!tpu.dma_semaphore, #tpu.memory_space<semaphore_mem>>) src(%arg8 : memref<16x1024xf32, #tpu.memory_space<vmem>>) dst(%dma_wait3A_119 : memref<16x1024xf32, #tpu.memory_space<hbm>>)
    %parallel_loop3A_120 = arith.constant 0 : i32
    %parallel_loop3A_121 = arith.constant 1024 : i32
    %parallel_loop3A_122 = arith.constant 1 : i32
    scf.for %parallel_loop3A_432 = %parallel_loop3A_120 to %parallel_loop3A_121 step %parallel_loop3A_122  : i32 {
      %parallel_loop3A_433 = arith.constant 64 : i32
      %parallel_loop3A_434 = arith.divsi %parallel_loop3A_432, %parallel_loop3A_433 : i32
      %parallel_loop3A_435 = arith.constant 0 : i32
      %parallel_loop3A_436 = arith.cmpi sgt, %parallel_loop3A_432, %parallel_loop3A_435 : i32
      %parallel_loop3A_437 = arith.extui %parallel_loop3A_436 : i1 to i32
      %parallel_loop3A_438 = arith.constant 0 : i32
      %parallel_loop3A_439 = arith.cmpi slt, %parallel_loop3A_432, %parallel_loop3A_438 : i32
      %parallel_loop3A_440 = arith.extui %parallel_loop3A_439 : i1 to i32
      %parallel_loop3A_441 = arith.subi %parallel_loop3A_437, %parallel_loop3A_440 : i32
      %parallel_loop3A_442 = arith.constant 0 : i32
      %parallel_loop3A_443 = arith.cmpi sgt, %parallel_loop3A_433, %parallel_loop3A_442 : i32
      %parallel_loop3A_444 = arith.extui %parallel_loop3A_443 : i1 to i32
      %parallel_loop3A_445 = arith.constant 0 : i32
      %parallel_loop3A_446 = arith.cmpi slt, %parallel_loop3A_433, %parallel_loop3A_445 : i32
      %parallel_loop3A_447 = arith.extui %parallel_loop3A_446 : i1 to i32
      %parallel_loop3A_448 = arith.subi %parallel_loop3A_444, %parallel_loop3A_447 : i32
      %parallel_loop3A_449 = arith.cmpi ne, %parallel_loop3A_441, %parallel_loop3A_448 : i32
      %parallel_loop3A_450 = arith.remsi %parallel_loop3A_432, %parallel_loop3A_433 : i32
      %parallel_loop3A_451 = arith.constant 0 : i32
      %parallel_loop3A_452 = arith.cmpi ne, %parallel_loop3A_450, %parallel_loop3A_451 : i32
      %parallel_loop3A_453 = arith.andi %parallel_loop3A_449, %parallel_loop3A_452 : i1
      %parallel_loop3A_454 = arith.constant 1 : i32
      %parallel_loop3A_455 = arith.subi %parallel_loop3A_434, %parallel_loop3A_454 : i32
      %parallel_loop3A_456 = arith.select %parallel_loop3A_453, %parallel_loop3A_455, %parallel_loop3A_434 : i32
      %parallel_loop3A_457 = arith.constant 64 : i32
      %parallel_loop3A_458 = arith.constant 0 : i32
      %parallel_loop3A_459 = arith.cmpi eq, %parallel_loop3A_457, %parallel_loop3A_458 : i32
      %parallel_loop3A_460 = arith.constant 1 : i32
      %parallel_loop3A_461 = arith.select %parallel_loop3A_459, %parallel_loop3A_460, %parallel_loop3A_457 : i32
      %parallel_loop3A_462 = arith.remsi %parallel_loop3A_432, %parallel_loop3A_461 : i32
      %parallel_loop3A_463 = arith.constant 0 : i32
      %parallel_loop3A_464 = arith.cmpi ne, %parallel_loop3A_462, %parallel_loop3A_463 : i32
      %parallel_loop3A_465 = arith.constant 0 : i32
      %parallel_loop3A_466 = arith.cmpi slt, %parallel_loop3A_462, %parallel_loop3A_465 : i32
      %parallel_loop3A_467 = arith.constant 0 : i32
      %parallel_loop3A_468 = arith.cmpi slt, %parallel_loop3A_461, %parallel_loop3A_467 : i32
      %parallel_loop3A_469 = arith.xori %parallel_loop3A_466, %parallel_loop3A_468 : i1
      %parallel_loop3A_470 = arith.andi %parallel_loop3A_469, %parallel_loop3A_464 : i1
      %parallel_loop3A_471 = arith.addi %parallel_loop3A_462, %parallel_loop3A_461 : i32
      %parallel_loop3A_472 = arith.select %parallel_loop3A_470, %parallel_loop3A_471, %parallel_loop3A_462 : i32
      %parallel_loop3A_473 = arith.constant 16 : i32
      %parallel_loop3A_474 = arith.muli %parallel_loop3A_472, %parallel_loop3A_473 : i32
      %parallel_loop3A_475 = arith.constant 1008 : i32
      %parallel_loop3A_476 = arith.subi %parallel_loop3A_475, %parallel_loop3A_474 : i32
      %parallel_loop3A_477 = arith.index_cast %parallel_loop3A_456 : i32 to index
      %parallel_loop3A_478 = arith.index_cast %parallel_loop3A_476 : i32 to index
      %parallel_loop3A_479 = tpu.vector_load %arg5[%parallel_loop3A_477, %parallel_loop3A_478] {strides = array<i32>} : memref<16x1024xf32, #tpu.memory_space<vmem>>, vector<1x16xf32>,
      %parallel_loop3A_480 = vector.shape_cast %parallel_loop3A_479 : vector<1x16xf32> to vector<16xf32>
      %parallel_loop3A_481 = arith.constant 15 : i32
      %parallel_loop3A_482 = vector.broadcast %parallel_loop3A_481 : i32 to vector<16xi32>
      %parallel_loop3A_483 = tpu.iota {dimensions = array<i32: 0>} : vector<16xi32>
      %parallel_loop3A_484 = arith.subi %parallel_loop3A_482, %parallel_loop3A_483 : vector<16xi32>
      %parallel_loop3A_485 = tpu.dynamic_gather %parallel_loop3A_480[%parallel_loop3A_484] in [0] : vector<16xf32>, vector<16xi32> -> vector<16xf32>
      %parallel_loop3A_486 = arith.index_cast %parallel_loop3A_456 : i32 to index
      %parallel_loop3A_487 = arith.index_cast %parallel_loop3A_474 : i32 to index
      %parallel_loop3A_488 = tpu.vector_load %arg8[%parallel_loop3A_486, %parallel_loop3A_487] {strides = array<i32>} : memref<16x1024xf32, #tpu.memory_space<vmem>>, vector<1x16xf32>,
      %parallel_loop3A_489 = vector.shape_cast %parallel_loop3A_488 : vector<1x16xf32> to vector<16xf32>
      %parallel_loop3A_490 = vector.shape_cast %parallel_loop3A_485 : vector<16xf32> to vector<1x16xf32>
      tpu.vector_store %arg8[%parallel_loop3A_486, %parallel_loop3A_487], %parallel_loop3A_490 {strides = array<i32>} : memref<16x1024xf32, #tpu.memory_space<vmem>>, vector<1x16xf32>,
    } {sc.loop_unroll_factor = 8 : i64, sc.parallel_access}
    %add3A_123 = arith.constant 64 : i32
    %add3A_124 = arith.addi %mul3A_2, %add3A_123 : i32
    %dma_start3A_125 = arith.constant 0 : i32
    %dma_start3A_126 = tpu.memref_slice %arg3[%add3A_124, %dma_start3A_125] : memref<8192x1024xf32, #tpu.memory_space<hbm>> -> memref<16x1024xf32, #tpu.memory_space<hbm>>
    %dma_start3A_127 = arith.constant 0 : i32
    %dma_start3A_128 = tpu.memref_slice %arg3[%add3A_124, %dma_start3A_127] : memref<8192x1024xf32, #tpu.memory_space<hbm>> -> memref<16x1024xf32, #tpu.memory_space<hbm>>
    tpu.enqueue_dma source(%arg8 : memref<16x1024xf32, #tpu.memory_space<vmem>>) target(%dma_start3A_128 : memref<16x1024xf32, #tpu.memory_space<hbm>>) target_semaphore(%arg14 : memref<!tpu.dma_semaphore, #tpu.memory_space<semaphore_mem>>)
    %add3A_129 = arith.constant 80 : i32
    %add3A_130 = arith.addi %mul3A_2, %add3A_129 : i32
    %dma_wait3A_131 = arith.constant 0 : i32
    %dma_wait3A_132 = tpu.memref_slice %arg2[%add3A_130, %dma_wait3A_131] : memref<8192x1024xf32, #tpu.memory_space<hbm>> -> memref<16x1024xf32, #tpu.memory_space<hbm>>
    %dma_wait3A_133 = arith.constant 0 : i32
    %dma_wait3A_134 = tpu.memref_slice %arg2[%add3A_130, %dma_wait3A_133] : memref<8192x1024xf32, #tpu.memory_space<hbm>> -> memref<16x1024xf32, #tpu.memory_space<hbm>>
    tpu.wait_dma2 semaphore(%arg12 : memref<!tpu.dma_semaphore, #tpu.memory_space<semaphore_mem>>) src(%dma_wait3A_134 : memref<16x1024xf32, #tpu.memory_space<hbm>>) dst(%arg6 : memref<16x1024xf32, #tpu.memory_space<vmem>>)
    %add3A_135 = arith.constant 112 : i32
    %add3A_136 = arith.addi %mul3A_2, %add3A_135 : i32
    %dma_start3A_137 = arith.constant 0 : i32
    %dma_start3A_138 = tpu.memref_slice %arg2[%add3A_136, %dma_start3A_137] : memref<8192x1024xf32, #tpu.memory_space<hbm>> -> memref<16x1024xf32, #tpu.memory_space<hbm>>
    %dma_start3A_139 = arith.constant 0 : i32
    %dma_start3A_140 = tpu.memref_slice %arg2[%add3A_136, %dma_start3A_139] : memref<8192x1024xf32, #tpu.memory_space<hbm>> -> memref<16x1024xf32, #tpu.memory_space<hbm>>
    tpu.enqueue_dma source(%dma_start3A_140 : memref<16x1024xf32, #tpu.memory_space<hbm>>) target(%arg5 : memref<16x1024xf32, #tpu.memory_space<vmem>>) target_semaphore(%arg11 : memref<!tpu.dma_semaphore, #tpu.memory_space<semaphore_mem>>)
    %add3A_141 = arith.constant 32 : i32
    %add3A_142 = arith.addi %mul3A_2, %add3A_141 : i32
    %dma_wait3A_143 = arith.constant 0 : i32
    %dma_wait3A_144 = tpu.memref_slice %arg3[%add3A_142, %dma_wait3A_143] : memref<8192x1024xf32, #tpu.memory_space<hbm>> -> memref<16x1024xf32, #tpu.memory_space<hbm>>
    %dma_wait3A_145 = arith.constant 0 : i32
    %dma_wait3A_146 = tpu.memref_slice %arg3[%add3A_142, %dma_wait3A_145] : memref<8192x1024xf32, #tpu.memory_space<hbm>> -> memref<16x1024xf32, #tpu.memory_space<hbm>>
    tpu.wait_dma2 semaphore(%arg15 : memref<!tpu.dma_semaphore, #tpu.memory_space<semaphore_mem>>) src(%arg9 : memref<16x1024xf32, #tpu.memory_space<vmem>>) dst(%dma_wait3A_146 : memref<16x1024xf32, #tpu.memory_space<hbm>>)
    %parallel_loop3A_147 = arith.constant 0 : i32
    %parallel_loop3A_148 = arith.constant 1024 : i32
    %parallel_loop3A_149 = arith.constant 1 : i32
    scf.for %parallel_loop3A_432 = %parallel_loop3A_147 to %parallel_loop3A_148 step %parallel_loop3A_149  : i32 {
      %parallel_loop3A_433 = arith.constant 64 : i32
      %parallel_loop3A_434 = arith.divsi %parallel_loop3A_432, %parallel_loop3A_433 : i32
      %parallel_loop3A_435 = arith.constant 0 : i32
      %parallel_loop3A_436 = arith.cmpi sgt, %parallel_loop3A_432, %parallel_loop3A_435 : i32
      %parallel_loop3A_437 = arith.extui %parallel_loop3A_436 : i1 to i32
      %parallel_loop3A_438 = arith.constant 0 : i32
      %parallel_loop3A_439 = arith.cmpi slt, %parallel_loop3A_432, %parallel_loop3A_438 : i32
      %parallel_loop3A_440 = arith.extui %parallel_loop3A_439 : i1 to i32
      %parallel_loop3A_441 = arith.subi %parallel_loop3A_437, %parallel_loop3A_440 : i32
      %parallel_loop3A_442 = arith.constant 0 : i32
      %parallel_loop3A_443 = arith.cmpi sgt, %parallel_loop3A_433, %parallel_loop3A_442 : i32
      %parallel_loop3A_444 = arith.extui %parallel_loop3A_443 : i1 to i32
      %parallel_loop3A_445 = arith.constant 0 : i32
      %parallel_loop3A_446 = arith.cmpi slt, %parallel_loop3A_433, %parallel_loop3A_445 : i32
      %parallel_loop3A_447 = arith.extui %parallel_loop3A_446 : i1 to i32
      %parallel_loop3A_448 = arith.subi %parallel_loop3A_444, %parallel_loop3A_447 : i32
      %parallel_loop3A_449 = arith.cmpi ne, %parallel_loop3A_441, %parallel_loop3A_448 : i32
      %parallel_loop3A_450 = arith.remsi %parallel_loop3A_432, %parallel_loop3A_433 : i32
      %parallel_loop3A_451 = arith.constant 0 : i32
      %parallel_loop3A_452 = arith.cmpi ne, %parallel_loop3A_450, %parallel_loop3A_451 : i32
      %parallel_loop3A_453 = arith.andi %parallel_loop3A_449, %parallel_loop3A_452 : i1
      %parallel_loop3A_454 = arith.constant 1 : i32
      %parallel_loop3A_455 = arith.subi %parallel_loop3A_434, %parallel_loop3A_454 : i32
      %parallel_loop3A_456 = arith.select %parallel_loop3A_453, %parallel_loop3A_455, %parallel_loop3A_434 : i32
      %parallel_loop3A_457 = arith.constant 64 : i32
      %parallel_loop3A_458 = arith.constant 0 : i32
      %parallel_loop3A_459 = arith.cmpi eq, %parallel_loop3A_457, %parallel_loop3A_458 : i32
      %parallel_loop3A_460 = arith.constant 1 : i32
      %parallel_loop3A_461 = arith.select %parallel_loop3A_459, %parallel_loop3A_460, %parallel_loop3A_457 : i32
      %parallel_loop3A_462 = arith.remsi %parallel_loop3A_432, %parallel_loop3A_461 : i32
      %parallel_loop3A_463 = arith.constant 0 : i32
      %parallel_loop3A_464 = arith.cmpi ne, %parallel_loop3A_462, %parallel_loop3A_463 : i32
      %parallel_loop3A_465 = arith.constant 0 : i32
      %parallel_loop3A_466 = arith.cmpi slt, %parallel_loop3A_462, %parallel_loop3A_465 : i32
      %parallel_loop3A_467 = arith.constant 0 : i32
      %parallel_loop3A_468 = arith.cmpi slt, %parallel_loop3A_461, %parallel_loop3A_467 : i32
      %parallel_loop3A_469 = arith.xori %parallel_loop3A_466, %parallel_loop3A_468 : i1
      %parallel_loop3A_470 = arith.andi %parallel_loop3A_469, %parallel_loop3A_464 : i1
      %parallel_loop3A_471 = arith.addi %parallel_loop3A_462, %parallel_loop3A_461 : i32
      %parallel_loop3A_472 = arith.select %parallel_loop3A_470, %parallel_loop3A_471, %parallel_loop3A_462 : i32
      %parallel_loop3A_473 = arith.constant 16 : i32
      %parallel_loop3A_474 = arith.muli %parallel_loop3A_472, %parallel_loop3A_473 : i32
      %parallel_loop3A_475 = arith.constant 1008 : i32
      %parallel_loop3A_476 = arith.subi %parallel_loop3A_475, %parallel_loop3A_474 : i32
      %parallel_loop3A_477 = arith.index_cast %parallel_loop3A_456 : i32 to index
      %parallel_loop3A_478 = arith.index_cast %parallel_loop3A_476 : i32 to index
      %parallel_loop3A_479 = tpu.vector_load %arg6[%parallel_loop3A_477, %parallel_loop3A_478] {strides = array<i32>} : memref<16x1024xf32, #tpu.memory_space<vmem>>, vector<1x16xf32>,
      %parallel_loop3A_480 = vector.shape_cast %parallel_loop3A_479 : vector<1x16xf32> to vector<16xf32>
      %parallel_loop3A_481 = arith.constant 15 : i32
      %parallel_loop3A_482 = vector.broadcast %parallel_loop3A_481 : i32 to vector<16xi32>
      %parallel_loop3A_483 = tpu.iota {dimensions = array<i32: 0>} : vector<16xi32>
      %parallel_loop3A_484 = arith.subi %parallel_loop3A_482, %parallel_loop3A_483 : vector<16xi32>
      %parallel_loop3A_485 = tpu.dynamic_gather %parallel_loop3A_480[%parallel_loop3A_484] in [0] : vector<16xf32>, vector<16xi32> -> vector<16xf32>
      %parallel_loop3A_486 = arith.index_cast %parallel_loop3A_456 : i32 to index
      %parallel_loop3A_487 = arith.index_cast %parallel_loop3A_474 : i32 to index
      %parallel_loop3A_488 = tpu.vector_load %arg9[%parallel_loop3A_486, %parallel_loop3A_487] {strides = array<i32>} : memref<16x1024xf32, #tpu.memory_space<vmem>>, vector<1x16xf32>,
      %parallel_loop3A_489 = vector.shape_cast %parallel_loop3A_488 : vector<1x16xf32> to vector<16xf32>
      %parallel_loop3A_490 = vector.shape_cast %parallel_loop3A_485 : vector<16xf32> to vector<1x16xf32>
      tpu.vector_store %arg9[%parallel_loop3A_486, %parallel_loop3A_487], %parallel_loop3A_490 {strides = array<i32>} : memref<16x1024xf32, #tpu.memory_space<vmem>>, vector<1x16xf32>,
    } {sc.loop_unroll_factor = 8 : i64, sc.parallel_access}
    %add3A_150 = arith.constant 80 : i32
    %add3A_151 = arith.addi %mul3A_2, %add3A_150 : i32
    %dma_start3A_152 = arith.constant 0 : i32
    %dma_start3A_153 = tpu.memref_slice %arg3[%add3A_151, %dma_start3A_152] : memref<8192x1024xf32, #tpu.memory_space<hbm>> -> memref<16x1024xf32, #tpu.memory_space<hbm>>
    %dma_start3A_154 = arith.constant 0 : i32
    %dma_start3A_155 = tpu.memref_slice %arg3[%add3A_151, %dma_start3A_154] : memref<8192x1024xf32, #tpu.memory_space<hbm>> -> memref<16x1024xf32, #tpu.memory_space<hbm>>
    tpu.enqueue_dma source(%arg9 : memref<16x1024xf32, #tpu.memory_space<vmem>>) target(%dma_start3A_155 : memref<16x1024xf32, #tpu.memory_space<hbm>>) target_semaphore(%arg15 : memref<!tpu.dma_semaphore, #tpu.memory_space<semaphore_mem>>)
    %add3A_156 = arith.constant 96 : i32
    %add3A_157 = arith.addi %mul3A_2, %add3A_156 : i32
    %dma_wait3A_158 = arith.constant 0 : i32
    %dma_wait3A_159 = tpu.memref_slice %arg2[%add3A_157, %dma_wait3A_158] : memref<8192x1024xf32, #tpu.memory_space<hbm>> -> memref<16x1024xf32, #tpu.memory_space<hbm>>
    %dma_wait3A_160 = arith.constant 0 : i32
    %dma_wait3A_161 = tpu.memref_slice %arg2[%add3A_157, %dma_wait3A_160] : memref<8192x1024xf32, #tpu.memory_space<hbm>> -> memref<16x1024xf32, #tpu.memory_space<hbm>>
    tpu.wait_dma2 semaphore(%arg10 : memref<!tpu.dma_semaphore, #tpu.memory_space<semaphore_mem>>) src(%dma_wait3A_161 : memref<16x1024xf32, #tpu.memory_space<hbm>>) dst(%arg4 : memref<16x1024xf32, #tpu.memory_space<vmem>>)
    %add3A_162 = arith.constant 128 : i32
    %add3A_163 = arith.addi %mul3A_2, %add3A_162 : i32
    %dma_start3A_164 = arith.constant 0 : i32
    %dma_start3A_165 = tpu.memref_slice %arg2[%add3A_163, %dma_start3A_164] : memref<8192x1024xf32, #tpu.memory_space<hbm>> -> memref<16x1024xf32, #tpu.memory_space<hbm>>
    %dma_start3A_166 = arith.constant 0 : i32
    %dma_start3A_167 = tpu.memref_slice %arg2[%add3A_163, %dma_start3A_166] : memref<8192x1024xf32, #tpu.memory_space<hbm>> -> memref<16x1024xf32, #tpu.memory_space<hbm>>
    tpu.enqueue_dma source(%dma_start3A_167 : memref<16x1024xf32, #tpu.memory_space<hbm>>) target(%arg6 : memref<16x1024xf32, #tpu.memory_space<vmem>>) target_semaphore(%arg12 : memref<!tpu.dma_semaphore, #tpu.memory_space<semaphore_mem>>)
    %add3A_168 = arith.constant 48 : i32
    %add3A_169 = arith.addi %mul3A_2, %add3A_168 : i32
    %dma_wait3A_170 = arith.constant 0 : i32
    %dma_wait3A_171 = tpu.memref_slice %arg3[%add3A_169, %dma_wait3A_170] : memref<8192x1024xf32, #tpu.memory_space<hbm>> -> memref<16x1024xf32, #tpu.memory_space<hbm>>
    %dma_wait3A_172 = arith.constant 0 : i32
    %dma_wait3A_173 = tpu.memref_slice %arg3[%add3A_169, %dma_wait3A_172] : memref<8192x1024xf32, #tpu.memory_space<hbm>> -> memref<16x1024xf32, #tpu.memory_space<hbm>>
    tpu.wait_dma2 semaphore(%arg13 : memref<!tpu.dma_semaphore, #tpu.memory_space<semaphore_mem>>) src(%arg7 : memref<16x1024xf32, #tpu.memory_space<vmem>>) dst(%dma_wait3A_173 : memref<16x1024xf32, #tpu.memory_space<hbm>>)
    %parallel_loop3A_174 = arith.constant 0 : i32
    %parallel_loop3A_175 = arith.constant 1024 : i32
    %parallel_loop3A_176 = arith.constant 1 : i32
    scf.for %parallel_loop3A_432 = %parallel_loop3A_174 to %parallel_loop3A_175 step %parallel_loop3A_176  : i32 {
      %parallel_loop3A_433 = arith.constant 64 : i32
      %parallel_loop3A_434 = arith.divsi %parallel_loop3A_432, %parallel_loop3A_433 : i32
      %parallel_loop3A_435 = arith.constant 0 : i32
      %parallel_loop3A_436 = arith.cmpi sgt, %parallel_loop3A_432, %parallel_loop3A_435 : i32
      %parallel_loop3A_437 = arith.extui %parallel_loop3A_436 : i1 to i32
      %parallel_loop3A_438 = arith.constant 0 : i32
      %parallel_loop3A_439 = arith.cmpi slt, %parallel_loop3A_432, %parallel_loop3A_438 : i32
      %parallel_loop3A_440 = arith.extui %parallel_loop3A_439 : i1 to i32
      %parallel_loop3A_441 = arith.subi %parallel_loop3A_437, %parallel_loop3A_440 : i32
      %parallel_loop3A_442 = arith.constant 0 : i32
      %parallel_loop3A_443 = arith.cmpi sgt, %parallel_loop3A_433, %parallel_loop3A_442 : i32
      %parallel_loop3A_444 = arith.extui %parallel_loop3A_443 : i1 to i32
      %parallel_loop3A_445 = arith.constant 0 : i32
      %parallel_loop3A_446 = arith.cmpi slt, %parallel_loop3A_433, %parallel_loop3A_445 : i32
      %parallel_loop3A_447 = arith.extui %parallel_loop3A_446 : i1 to i32
      %parallel_loop3A_448 = arith.subi %parallel_loop3A_444, %parallel_loop3A_447 : i32
      %parallel_loop3A_449 = arith.cmpi ne, %parallel_loop3A_441, %parallel_loop3A_448 : i32
      %parallel_loop3A_450 = arith.remsi %parallel_loop3A_432, %parallel_loop3A_433 : i32
      %parallel_loop3A_451 = arith.constant 0 : i32
      %parallel_loop3A_452 = arith.cmpi ne, %parallel_loop3A_450, %parallel_loop3A_451 : i32
      %parallel_loop3A_453 = arith.andi %parallel_loop3A_449, %parallel_loop3A_452 : i1
      %parallel_loop3A_454 = arith.constant 1 : i32
      %parallel_loop3A_455 = arith.subi %parallel_loop3A_434, %parallel_loop3A_454 : i32
      %parallel_loop3A_456 = arith.select %parallel_loop3A_453, %parallel_loop3A_455, %parallel_loop3A_434 : i32
      %parallel_loop3A_457 = arith.constant 64 : i32
      %parallel_loop3A_458 = arith.constant 0 : i32
      %parallel_loop3A_459 = arith.cmpi eq, %parallel_loop3A_457, %parallel_loop3A_458 : i32
      %parallel_loop3A_460 = arith.constant 1 : i32
      %parallel_loop3A_461 = arith.select %parallel_loop3A_459, %parallel_loop3A_460, %parallel_loop3A_457 : i32
      %parallel_loop3A_462 = arith.remsi %parallel_loop3A_432, %parallel_loop3A_461 : i32
      %parallel_loop3A_463 = arith.constant 0 : i32
      %parallel_loop3A_464 = arith.cmpi ne, %parallel_loop3A_462, %parallel_loop3A_463 : i32
      %parallel_loop3A_465 = arith.constant 0 : i32
      %parallel_loop3A_466 = arith.cmpi slt, %parallel_loop3A_462, %parallel_loop3A_465 : i32
      %parallel_loop3A_467 = arith.constant 0 : i32
      %parallel_loop3A_468 = arith.cmpi slt, %parallel_loop3A_461, %parallel_loop3A_467 : i32
      %parallel_loop3A_469 = arith.xori %parallel_loop3A_466, %parallel_loop3A_468 : i1
      %parallel_loop3A_470 = arith.andi %parallel_loop3A_469, %parallel_loop3A_464 : i1
      %parallel_loop3A_471 = arith.addi %parallel_loop3A_462, %parallel_loop3A_461 : i32
      %parallel_loop3A_472 = arith.select %parallel_loop3A_470, %parallel_loop3A_471, %parallel_loop3A_462 : i32
      %parallel_loop3A_473 = arith.constant 16 : i32
      %parallel_loop3A_474 = arith.muli %parallel_loop3A_472, %parallel_loop3A_473 : i32
      %parallel_loop3A_475 = arith.constant 1008 : i32
      %parallel_loop3A_476 = arith.subi %parallel_loop3A_475, %parallel_loop3A_474 : i32
      %parallel_loop3A_477 = arith.index_cast %parallel_loop3A_456 : i32 to index
      %parallel_loop3A_478 = arith.index_cast %parallel_loop3A_476 : i32 to index
      %parallel_loop3A_479 = tpu.vector_load %arg4[%parallel_loop3A_477, %parallel_loop3A_478] {strides = array<i32>} : memref<16x1024xf32, #tpu.memory_space<vmem>>, vector<1x16xf32>,
      %parallel_loop3A_480 = vector.shape_cast %parallel_loop3A_479 : vector<1x16xf32> to vector<16xf32>
      %parallel_loop3A_481 = arith.constant 15 : i32
      %parallel_loop3A_482 = vector.broadcast %parallel_loop3A_481 : i32 to vector<16xi32>
      %parallel_loop3A_483 = tpu.iota {dimensions = array<i32: 0>} : vector<16xi32>
      %parallel_loop3A_484 = arith.subi %parallel_loop3A_482, %parallel_loop3A_483 : vector<16xi32>
      %parallel_loop3A_485 = tpu.dynamic_gather %parallel_loop3A_480[%parallel_loop3A_484] in [0] : vector<16xf32>, vector<16xi32> -> vector<16xf32>
      %parallel_loop3A_486 = arith.index_cast %parallel_loop3A_456 : i32 to index
      %parallel_loop3A_487 = arith.index_cast %parallel_loop3A_474 : i32 to index
      %parallel_loop3A_488 = tpu.vector_load %arg7[%parallel_loop3A_486, %parallel_loop3A_487] {strides = array<i32>} : memref<16x1024xf32, #tpu.memory_space<vmem>>, vector<1x16xf32>,
      %parallel_loop3A_489 = vector.shape_cast %parallel_loop3A_488 : vector<1x16xf32> to vector<16xf32>
      %parallel_loop3A_490 = vector.shape_cast %parallel_loop3A_485 : vector<16xf32> to vector<1x16xf32>
      tpu.vector_store %arg7[%parallel_loop3A_486, %parallel_loop3A_487], %parallel_loop3A_490 {strides = array<i32>} : memref<16x1024xf32, #tpu.memory_space<vmem>>, vector<1x16xf32>,
    } {sc.loop_unroll_factor = 8 : i64, sc.parallel_access}
    %add3A_177 = arith.constant 96 : i32
    %add3A_178 = arith.addi %mul3A_2, %add3A_177 : i32
    %dma_start3A_179 = arith.constant 0 : i32
    %dma_start3A_180 = tpu.memref_slice %arg3[%add3A_178, %dma_start3A_179] : memref<8192x1024xf32, #tpu.memory_space<hbm>> -> memref<16x1024xf32, #tpu.memory_space<hbm>>
    %dma_start3A_181 = arith.constant 0 : i32
    %dma_start3A_182 = tpu.memref_slice %arg3[%add3A_178, %dma_start3A_181] : memref<8192x1024xf32, #tpu.memory_space<hbm>> -> memref<16x1024xf32, #tpu.memory_space<hbm>>
    tpu.enqueue_dma source(%arg7 : memref<16x1024xf32, #tpu.memory_space<vmem>>) target(%dma_start3A_182 : memref<16x1024xf32, #tpu.memory_space<hbm>>) target_semaphore(%arg13 : memref<!tpu.dma_semaphore, #tpu.memory_space<semaphore_mem>>)
    %add3A_183 = arith.constant 112 : i32
    %add3A_184 = arith.addi %mul3A_2, %add3A_183 : i32
    %dma_wait3A_185 = arith.constant 0 : i32
    %dma_wait3A_186 = tpu.memref_slice %arg2[%add3A_184, %dma_wait3A_185] : memref<8192x1024xf32, #tpu.memory_space<hbm>> -> memref<16x1024xf32, #tpu.memory_space<hbm>>
    %dma_wait3A_187 = arith.constant 0 : i32
    %dma_wait3A_188 = tpu.memref_slice %arg2[%add3A_184, %dma_wait3A_187] : memref<8192x1024xf32, #tpu.memory_space<hbm>> -> memref<16x1024xf32, #tpu.memory_space<hbm>>
    tpu.wait_dma2 semaphore(%arg11 : memref<!tpu.dma_semaphore, #tpu.memory_space<semaphore_mem>>) src(%dma_wait3A_188 : memref<16x1024xf32, #tpu.memory_space<hbm>>) dst(%arg5 : memref<16x1024xf32, #tpu.memory_space<vmem>>)
    %add3A_189 = arith.constant 144 : i32
    %add3A_190 = arith.addi %mul3A_2, %add3A_189 : i32
    %dma_start3A_191 = arith.constant 0 : i32
    %dma_start3A_192 = tpu.memref_slice %arg2[%add3A_190, %dma_start3A_191] : memref<8192x1024xf32, #tpu.memory_space<hbm>> -> memref<16x1024xf32, #tpu.memory_space<hbm>>
    %dma_start3A_193 = arith.constant 0 : i32
    %dma_start3A_194 = tpu.memref_slice %arg2[%add3A_190, %dma_start3A_193] : memref<8192x1024xf32, #tpu.memory_space<hbm>> -> memref<16x1024xf32, #tpu.memory_space<hbm>>
    tpu.enqueue_dma source(%dma_start3A_194 : memref<16x1024xf32, #tpu.memory_space<hbm>>) target(%arg4 : memref<16x1024xf32, #tpu.memory_space<vmem>>) target_semaphore(%arg10 : memref<!tpu.dma_semaphore, #tpu.memory_space<semaphore_mem>>)
    %add3A_195 = arith.constant 64 : i32
    %add3A_196 = arith.addi %mul3A_2, %add3A_195 : i32
    %dma_wait3A_197 = arith.constant 0 : i32
    %dma_wait3A_198 = tpu.memref_slice %arg3[%add3A_196, %dma_wait3A_197] : memref<8192x1024xf32, #tpu.memory_space<hbm>> -> memref<16x1024xf32, #tpu.memory_space<hbm>>
    %dma_wait3A_199 = arith.constant 0 : i32
    %dma_wait3A_200 = tpu.memref_slice %arg3[%add3A_196, %dma_wait3A_199] : memref<8192x1024xf32, #tpu.memory_space<hbm>> -> memref<16x1024xf32, #tpu.memory_space<hbm>>
    tpu.wait_dma2 semaphore(%arg14 : memref<!tpu.dma_semaphore, #tpu.memory_space<semaphore_mem>>) src(%arg8 : memref<16x1024xf32, #tpu.memory_space<vmem>>) dst(%dma_wait3A_200 : memref<16x1024xf32, #tpu.memory_space<hbm>>)
    %parallel_loop3A_201 = arith.constant 0 : i32
    %parallel_loop3A_202 = arith.constant 1024 : i32
    %parallel_loop3A_203 = arith.constant 1 : i32
    scf.for %parallel_loop3A_432 = %parallel_loop3A_201 to %parallel_loop3A_202 step %parallel_loop3A_203  : i32 {
      %parallel_loop3A_433 = arith.constant 64 : i32
      %parallel_loop3A_434 = arith.divsi %parallel_loop3A_432, %parallel_loop3A_433 : i32
      %parallel_loop3A_435 = arith.constant 0 : i32
      %parallel_loop3A_436 = arith.cmpi sgt, %parallel_loop3A_432, %parallel_loop3A_435 : i32
      %parallel_loop3A_437 = arith.extui %parallel_loop3A_436 : i1 to i32
      %parallel_loop3A_438 = arith.constant 0 : i32
      %parallel_loop3A_439 = arith.cmpi slt, %parallel_loop3A_432, %parallel_loop3A_438 : i32
      %parallel_loop3A_440 = arith.extui %parallel_loop3A_439 : i1 to i32
      %parallel_loop3A_441 = arith.subi %parallel_loop3A_437, %parallel_loop3A_440 : i32
      %parallel_loop3A_442 = arith.constant 0 : i32
      %parallel_loop3A_443 = arith.cmpi sgt, %parallel_loop3A_433, %parallel_loop3A_442 : i32
      %parallel_loop3A_444 = arith.extui %parallel_loop3A_443 : i1 to i32
      %parallel_loop3A_445 = arith.constant 0 : i32
      %parallel_loop3A_446 = arith.cmpi slt, %parallel_loop3A_433, %parallel_loop3A_445 : i32
      %parallel_loop3A_447 = arith.extui %parallel_loop3A_446 : i1 to i32
      %parallel_loop3A_448 = arith.subi %parallel_loop3A_444, %parallel_loop3A_447 : i32
      %parallel_loop3A_449 = arith.cmpi ne, %parallel_loop3A_441, %parallel_loop3A_448 : i32
      %parallel_loop3A_450 = arith.remsi %parallel_loop3A_432, %parallel_loop3A_433 : i32
      %parallel_loop3A_451 = arith.constant 0 : i32
      %parallel_loop3A_452 = arith.cmpi ne, %parallel_loop3A_450, %parallel_loop3A_451 : i32
      %parallel_loop3A_453 = arith.andi %parallel_loop3A_449, %parallel_loop3A_452 : i1
      %parallel_loop3A_454 = arith.constant 1 : i32
      %parallel_loop3A_455 = arith.subi %parallel_loop3A_434, %parallel_loop3A_454 : i32
      %parallel_loop3A_456 = arith.select %parallel_loop3A_453, %parallel_loop3A_455, %parallel_loop3A_434 : i32
      %parallel_loop3A_457 = arith.constant 64 : i32
      %parallel_loop3A_458 = arith.constant 0 : i32
      %parallel_loop3A_459 = arith.cmpi eq, %parallel_loop3A_457, %parallel_loop3A_458 : i32
      %parallel_loop3A_460 = arith.constant 1 : i32
      %parallel_loop3A_461 = arith.select %parallel_loop3A_459, %parallel_loop3A_460, %parallel_loop3A_457 : i32
      %parallel_loop3A_462 = arith.remsi %parallel_loop3A_432, %parallel_loop3A_461 : i32
      %parallel_loop3A_463 = arith.constant 0 : i32
      %parallel_loop3A_464 = arith.cmpi ne, %parallel_loop3A_462, %parallel_loop3A_463 : i32
      %parallel_loop3A_465 = arith.constant 0 : i32
      %parallel_loop3A_466 = arith.cmpi slt, %parallel_loop3A_462, %parallel_loop3A_465 : i32
      %parallel_loop3A_467 = arith.constant 0 : i32
      %parallel_loop3A_468 = arith.cmpi slt, %parallel_loop3A_461, %parallel_loop3A_467 : i32
      %parallel_loop3A_469 = arith.xori %parallel_loop3A_466, %parallel_loop3A_468 : i1
      %parallel_loop3A_470 = arith.andi %parallel_loop3A_469, %parallel_loop3A_464 : i1
      %parallel_loop3A_471 = arith.addi %parallel_loop3A_462, %parallel_loop3A_461 : i32
      %parallel_loop3A_472 = arith.select %parallel_loop3A_470, %parallel_loop3A_471, %parallel_loop3A_462 : i32
      %parallel_loop3A_473 = arith.constant 16 : i32
      %parallel_loop3A_474 = arith.muli %parallel_loop3A_472, %parallel_loop3A_473 : i32
      %parallel_loop3A_475 = arith.constant 1008 : i32
      %parallel_loop3A_476 = arith.subi %parallel_loop3A_475, %parallel_loop3A_474 : i32
      %parallel_loop3A_477 = arith.index_cast %parallel_loop3A_456 : i32 to index
      %parallel_loop3A_478 = arith.index_cast %parallel_loop3A_476 : i32 to index
      %parallel_loop3A_479 = tpu.vector_load %arg5[%parallel_loop3A_477, %parallel_loop3A_478] {strides = array<i32>} : memref<16x1024xf32, #tpu.memory_space<vmem>>, vector<1x16xf32>,
      %parallel_loop3A_480 = vector.shape_cast %parallel_loop3A_479 : vector<1x16xf32> to vector<16xf32>
      %parallel_loop3A_481 = arith.constant 15 : i32
      %parallel_loop3A_482 = vector.broadcast %parallel_loop3A_481 : i32 to vector<16xi32>
      %parallel_loop3A_483 = tpu.iota {dimensions = array<i32: 0>} : vector<16xi32>
      %parallel_loop3A_484 = arith.subi %parallel_loop3A_482, %parallel_loop3A_483 : vector<16xi32>
      %parallel_loop3A_485 = tpu.dynamic_gather %parallel_loop3A_480[%parallel_loop3A_484] in [0] : vector<16xf32>, vector<16xi32> -> vector<16xf32>
      %parallel_loop3A_486 = arith.index_cast %parallel_loop3A_456 : i32 to index
      %parallel_loop3A_487 = arith.index_cast %parallel_loop3A_474 : i32 to index
      %parallel_loop3A_488 = tpu.vector_load %arg8[%parallel_loop3A_486, %parallel_loop3A_487] {strides = array<i32>} : memref<16x1024xf32, #tpu.memory_space<vmem>>, vector<1x16xf32>,
      %parallel_loop3A_489 = vector.shape_cast %parallel_loop3A_488 : vector<1x16xf32> to vector<16xf32>
      %parallel_loop3A_490 = vector.shape_cast %parallel_loop3A_485 : vector<16xf32> to vector<1x16xf32>
      tpu.vector_store %arg8[%parallel_loop3A_486, %parallel_loop3A_487], %parallel_loop3A_490 {strides = array<i32>} : memref<16x1024xf32, #tpu.memory_space<vmem>>, vector<1x16xf32>,
    } {sc.loop_unroll_factor = 8 : i64, sc.parallel_access}
    %add3A_204 = arith.constant 112 : i32
    %add3A_205 = arith.addi %mul3A_2, %add3A_204 : i32
    %dma_start3A_206 = arith.constant 0 : i32
    %dma_start3A_207 = tpu.memref_slice %arg3[%add3A_205, %dma_start3A_206] : memref<8192x1024xf32, #tpu.memory_space<hbm>> -> memref<16x1024xf32, #tpu.memory_space<hbm>>
    %dma_start3A_208 = arith.constant 0 : i32
    %dma_start3A_209 = tpu.memref_slice %arg3[%add3A_205, %dma_start3A_208] : memref<8192x1024xf32, #tpu.memory_space<hbm>> -> memref<16x1024xf32, #tpu.memory_space<hbm>>
    tpu.enqueue_dma source(%arg8 : memref<16x1024xf32, #tpu.memory_space<vmem>>) target(%dma_start3A_209 : memref<16x1024xf32, #tpu.memory_space<hbm>>) target_semaphore(%arg14 : memref<!tpu.dma_semaphore, #tpu.memory_space<semaphore_mem>>)
    %add3A_210 = arith.constant 128 : i32
    %add3A_211 = arith.addi %mul3A_2, %add3A_210 : i32
    %dma_wait3A_212 = arith.constant 0 : i32
    %dma_wait3A_213 = tpu.memref_slice %arg2[%add3A_211, %dma_wait3A_212] : memref<8192x1024xf32, #tpu.memory_space<hbm>> -> memref<16x1024xf32, #tpu.memory_space<hbm>>
    %dma_wait3A_214 = arith.constant 0 : i32
    %dma_wait3A_215 = tpu.memref_slice %arg2[%add3A_211, %dma_wait3A_214] : memref<8192x1024xf32, #tpu.memory_space<hbm>> -> memref<16x1024xf32, #tpu.memory_space<hbm>>
    tpu.wait_dma2 semaphore(%arg12 : memref<!tpu.dma_semaphore, #tpu.memory_space<semaphore_mem>>) src(%dma_wait3A_215 : memref<16x1024xf32, #tpu.memory_space<hbm>>) dst(%arg6 : memref<16x1024xf32, #tpu.memory_space<vmem>>)
    %add3A_216 = arith.constant 160 : i32
    %add3A_217 = arith.addi %mul3A_2, %add3A_216 : i32
    %dma_start3A_218 = arith.constant 0 : i32
    %dma_start3A_219 = tpu.memref_slice %arg2[%add3A_217, %dma_start3A_218] : memref<8192x1024xf32, #tpu.memory_space<hbm>> -> memref<16x1024xf32, #tpu.memory_space<hbm>>
    %dma_start3A_220 = arith.constant 0 : i32
    %dma_start3A_221 = tpu.memref_slice %arg2[%add3A_217, %dma_start3A_220] : memref<8192x1024xf32, #tpu.memory_space<hbm>> -> memref<16x1024xf32, #tpu.memory_space<hbm>>
    tpu.enqueue_dma source(%dma_start3A_221 : memref<16x1024xf32, #tpu.memory_space<hbm>>) target(%arg5 : memref<16x1024xf32, #tpu.memory_space<vmem>>) target_semaphore(%arg11 : memref<!tpu.dma_semaphore, #tpu.memory_space<semaphore_mem>>)
    %add3A_222 = arith.constant 80 : i32
    %add3A_223 = arith.addi %mul3A_2, %add3A_222 : i32
    %dma_wait3A_224 = arith.constant 0 : i32
    %dma_wait3A_225 = tpu.memref_slice %arg3[%add3A_223, %dma_wait3A_224] : memref<8192x1024xf32, #tpu.memory_space<hbm>> -> memref<16x1024xf32, #tpu.memory_space<hbm>>
    %dma_wait3A_226 = arith.constant 0 : i32
    %dma_wait3A_227 = tpu.memref_slice %arg3[%add3A_223, %dma_wait3A_226] : memref<8192x1024xf32, #tpu.memory_space<hbm>> -> memref<16x1024xf32, #tpu.memory_space<hbm>>
    tpu.wait_dma2 semaphore(%arg15 : memref<!tpu.dma_semaphore, #tpu.memory_space<semaphore_mem>>) src(%arg9 : memref<16x1024xf32, #tpu.memory_space<vmem>>) dst(%dma_wait3A_227 : memref<16x1024xf32, #tpu.memory_space<hbm>>)
    %parallel_loop3A_228 = arith.constant 0 : i32
    %parallel_loop3A_229 = arith.constant 1024 : i32
    %parallel_loop3A_230 = arith.constant 1 : i32
    scf.for %parallel_loop3A_432 = %parallel_loop3A_228 to %parallel_loop3A_229 step %parallel_loop3A_230  : i32 {
      %parallel_loop3A_433 = arith.constant 64 : i32
      %parallel_loop3A_434 = arith.divsi %parallel_loop3A_432, %parallel_loop3A_433 : i32
      %parallel_loop3A_435 = arith.constant 0 : i32
      %parallel_loop3A_436 = arith.cmpi sgt, %parallel_loop3A_432, %parallel_loop3A_435 : i32
      %parallel_loop3A_437 = arith.extui %parallel_loop3A_436 : i1 to i32
      %parallel_loop3A_438 = arith.constant 0 : i32
      %parallel_loop3A_439 = arith.cmpi slt, %parallel_loop3A_432, %parallel_loop3A_438 : i32
      %parallel_loop3A_440 = arith.extui %parallel_loop3A_439 : i1 to i32
      %parallel_loop3A_441 = arith.subi %parallel_loop3A_437, %parallel_loop3A_440 : i32
      %parallel_loop3A_442 = arith.constant 0 : i32
      %parallel_loop3A_443 = arith.cmpi sgt, %parallel_loop3A_433, %parallel_loop3A_442 : i32
      %parallel_loop3A_444 = arith.extui %parallel_loop3A_443 : i1 to i32
      %parallel_loop3A_445 = arith.constant 0 : i32
      %parallel_loop3A_446 = arith.cmpi slt, %parallel_loop3A_433, %parallel_loop3A_445 : i32
      %parallel_loop3A_447 = arith.extui %parallel_loop3A_446 : i1 to i32
      %parallel_loop3A_448 = arith.subi %parallel_loop3A_444, %parallel_loop3A_447 : i32
      %parallel_loop3A_449 = arith.cmpi ne, %parallel_loop3A_441, %parallel_loop3A_448 : i32
      %parallel_loop3A_450 = arith.remsi %parallel_loop3A_432, %parallel_loop3A_433 : i32
      %parallel_loop3A_451 = arith.constant 0 : i32
      %parallel_loop3A_452 = arith.cmpi ne, %parallel_loop3A_450, %parallel_loop3A_451 : i32
      %parallel_loop3A_453 = arith.andi %parallel_loop3A_449, %parallel_loop3A_452 : i1
      %parallel_loop3A_454 = arith.constant 1 : i32
      %parallel_loop3A_455 = arith.subi %parallel_loop3A_434, %parallel_loop3A_454 : i32
      %parallel_loop3A_456 = arith.select %parallel_loop3A_453, %parallel_loop3A_455, %parallel_loop3A_434 : i32
      %parallel_loop3A_457 = arith.constant 64 : i32
      %parallel_loop3A_458 = arith.constant 0 : i32
      %parallel_loop3A_459 = arith.cmpi eq, %parallel_loop3A_457, %parallel_loop3A_458 : i32
      %parallel_loop3A_460 = arith.constant 1 : i32
      %parallel_loop3A_461 = arith.select %parallel_loop3A_459, %parallel_loop3A_460, %parallel_loop3A_457 : i32
      %parallel_loop3A_462 = arith.remsi %parallel_loop3A_432, %parallel_loop3A_461 : i32
      %parallel_loop3A_463 = arith.constant 0 : i32
      %parallel_loop3A_464 = arith.cmpi ne, %parallel_loop3A_462, %parallel_loop3A_463 : i32
      %parallel_loop3A_465 = arith.constant 0 : i32
      %parallel_loop3A_466 = arith.cmpi slt, %parallel_loop3A_462, %parallel_loop3A_465 : i32
      %parallel_loop3A_467 = arith.constant 0 : i32
      %parallel_loop3A_468 = arith.cmpi slt, %parallel_loop3A_461, %parallel_loop3A_467 : i32
      %parallel_loop3A_469 = arith.xori %parallel_loop3A_466, %parallel_loop3A_468 : i1
      %parallel_loop3A_470 = arith.andi %parallel_loop3A_469, %parallel_loop3A_464 : i1
      %parallel_loop3A_471 = arith.addi %parallel_loop3A_462, %parallel_loop3A_461 : i32
      %parallel_loop3A_472 = arith.select %parallel_loop3A_470, %parallel_loop3A_471, %parallel_loop3A_462 : i32
      %parallel_loop3A_473 = arith.constant 16 : i32
      %parallel_loop3A_474 = arith.muli %parallel_loop3A_472, %parallel_loop3A_473 : i32
      %parallel_loop3A_475 = arith.constant 1008 : i32
      %parallel_loop3A_476 = arith.subi %parallel_loop3A_475, %parallel_loop3A_474 : i32
      %parallel_loop3A_477 = arith.index_cast %parallel_loop3A_456 : i32 to index
      %parallel_loop3A_478 = arith.index_cast %parallel_loop3A_476 : i32 to index
      %parallel_loop3A_479 = tpu.vector_load %arg6[%parallel_loop3A_477, %parallel_loop3A_478] {strides = array<i32>} : memref<16x1024xf32, #tpu.memory_space<vmem>>, vector<1x16xf32>,
      %parallel_loop3A_480 = vector.shape_cast %parallel_loop3A_479 : vector<1x16xf32> to vector<16xf32>
      %parallel_loop3A_481 = arith.constant 15 : i32
      %parallel_loop3A_482 = vector.broadcast %parallel_loop3A_481 : i32 to vector<16xi32>
      %parallel_loop3A_483 = tpu.iota {dimensions = array<i32: 0>} : vector<16xi32>
      %parallel_loop3A_484 = arith.subi %parallel_loop3A_482, %parallel_loop3A_483 : vector<16xi32>
      %parallel_loop3A_485 = tpu.dynamic_gather %parallel_loop3A_480[%parallel_loop3A_484] in [0] : vector<16xf32>, vector<16xi32> -> vector<16xf32>
      %parallel_loop3A_486 = arith.index_cast %parallel_loop3A_456 : i32 to index
      %parallel_loop3A_487 = arith.index_cast %parallel_loop3A_474 : i32 to index
      %parallel_loop3A_488 = tpu.vector_load %arg9[%parallel_loop3A_486, %parallel_loop3A_487] {strides = array<i32>} : memref<16x1024xf32, #tpu.memory_space<vmem>>, vector<1x16xf32>,
      %parallel_loop3A_489 = vector.shape_cast %parallel_loop3A_488 : vector<1x16xf32> to vector<16xf32>
      %parallel_loop3A_490 = vector.shape_cast %parallel_loop3A_485 : vector<16xf32> to vector<1x16xf32>
      tpu.vector_store %arg9[%parallel_loop3A_486, %parallel_loop3A_487], %parallel_loop3A_490 {strides = array<i32>} : memref<16x1024xf32, #tpu.memory_space<vmem>>, vector<1x16xf32>,
    } {sc.loop_unroll_factor = 8 : i64, sc.parallel_access}
    %add3A_231 = arith.constant 128 : i32
    %add3A_232 = arith.addi %mul3A_2, %add3A_231 : i32
    %dma_start3A_233 = arith.constant 0 : i32
    %dma_start3A_234 = tpu.memref_slice %arg3[%add3A_232, %dma_start3A_233] : memref<8192x1024xf32, #tpu.memory_space<hbm>> -> memref<16x1024xf32, #tpu.memory_space<hbm>>
    %dma_start3A_235 = arith.constant 0 : i32
    %dma_start3A_236 = tpu.memref_slice %arg3[%add3A_232, %dma_start3A_235] : memref<8192x1024xf32, #tpu.memory_space<hbm>> -> memref<16x1024xf32, #tpu.memory_space<hbm>>
    tpu.enqueue_dma source(%arg9 : memref<16x1024xf32, #tpu.memory_space<vmem>>) target(%dma_start3A_236 : memref<16x1024xf32, #tpu.memory_space<hbm>>) target_semaphore(%arg15 : memref<!tpu.dma_semaphore, #tpu.memory_space<semaphore_mem>>)
    %add3A_237 = arith.constant 144 : i32
    %add3A_238 = arith.addi %mul3A_2, %add3A_237 : i32
    %dma_wait3A_239 = arith.constant 0 : i32
    %dma_wait3A_240 = tpu.memref_slice %arg2[%add3A_238, %dma_wait3A_239] : memref<8192x1024xf32, #tpu.memory_space<hbm>> -> memref<16x1024xf32, #tpu.memory_space<hbm>>
    %dma_wait3A_241 = arith.constant 0 : i32
    %dma_wait3A_242 = tpu.memref_slice %arg2[%add3A_238, %dma_wait3A_241] : memref<8192x1024xf32, #tpu.memory_space<hbm>> -> memref<16x1024xf32, #tpu.memory_space<hbm>>
    tpu.wait_dma2 semaphore(%arg10 : memref<!tpu.dma_semaphore, #tpu.memory_space<semaphore_mem>>) src(%dma_wait3A_242 : memref<16x1024xf32, #tpu.memory_space<hbm>>) dst(%arg4 : memref<16x1024xf32, #tpu.memory_space<vmem>>)
    %add3A_243 = arith.constant 176 : i32
    %add3A_244 = arith.addi %mul3A_2, %add3A_243 : i32
    %dma_start3A_245 = arith.constant 0 : i32
    %dma_start3A_246 = tpu.memref_slice %arg2[%add3A_244, %dma_start3A_245] : memref<8192x1024xf32, #tpu.memory_space<hbm>> -> memref<16x1024xf32, #tpu.memory_space<hbm>>
    %dma_start3A_247 = arith.constant 0 : i32
    %dma_start3A_248 = tpu.memref_slice %arg2[%add3A_244, %dma_start3A_247] : memref<8192x1024xf32, #tpu.memory_space<hbm>> -> memref<16x1024xf32, #tpu.memory_space<hbm>>
    tpu.enqueue_dma source(%dma_start3A_248 : memref<16x1024xf32, #tpu.memory_space<hbm>>) target(%arg6 : memref<16x1024xf32, #tpu.memory_space<vmem>>) target_semaphore(%arg12 : memref<!tpu.dma_semaphore, #tpu.memory_space<semaphore_mem>>)
    %add3A_249 = arith.constant 96 : i32
    %add3A_250 = arith.addi %mul3A_2, %add3A_249 : i32
    %dma_wait3A_251 = arith.constant 0 : i32
    %dma_wait3A_252 = tpu.memref_slice %arg3[%add3A_250, %dma_wait3A_251] : memref<8192x1024xf32, #tpu.memory_space<hbm>> -> memref<16x1024xf32, #tpu.memory_space<hbm>>
    %dma_wait3A_253 = arith.constant 0 : i32
    %dma_wait3A_254 = tpu.memref_slice %arg3[%add3A_250, %dma_wait3A_253] : memref<8192x1024xf32, #tpu.memory_space<hbm>> -> memref<16x1024xf32, #tpu.memory_space<hbm>>
    tpu.wait_dma2 semaphore(%arg13 : memref<!tpu.dma_semaphore, #tpu.memory_space<semaphore_mem>>) src(%arg7 : memref<16x1024xf32, #tpu.memory_space<vmem>>) dst(%dma_wait3A_254 : memref<16x1024xf32, #tpu.memory_space<hbm>>)
    %parallel_loop3A_255 = arith.constant 0 : i32
    %parallel_loop3A_256 = arith.constant 1024 : i32
    %parallel_loop3A_257 = arith.constant 1 : i32
    scf.for %parallel_loop3A_432 = %parallel_loop3A_255 to %parallel_loop3A_256 step %parallel_loop3A_257  : i32 {
      %parallel_loop3A_433 = arith.constant 64 : i32
      %parallel_loop3A_434 = arith.divsi %parallel_loop3A_432, %parallel_loop3A_433 : i32
      %parallel_loop3A_435 = arith.constant 0 : i32
      %parallel_loop3A_436 = arith.cmpi sgt, %parallel_loop3A_432, %parallel_loop3A_435 : i32
      %parallel_loop3A_437 = arith.extui %parallel_loop3A_436 : i1 to i32
      %parallel_loop3A_438 = arith.constant 0 : i32
      %parallel_loop3A_439 = arith.cmpi slt, %parallel_loop3A_432, %parallel_loop3A_438 : i32
      %parallel_loop3A_440 = arith.extui %parallel_loop3A_439 : i1 to i32
      %parallel_loop3A_441 = arith.subi %parallel_loop3A_437, %parallel_loop3A_440 : i32
      %parallel_loop3A_442 = arith.constant 0 : i32
      %parallel_loop3A_443 = arith.cmpi sgt, %parallel_loop3A_433, %parallel_loop3A_442 : i32
      %parallel_loop3A_444 = arith.extui %parallel_loop3A_443 : i1 to i32
      %parallel_loop3A_445 = arith.constant 0 : i32
      %parallel_loop3A_446 = arith.cmpi slt, %parallel_loop3A_433, %parallel_loop3A_445 : i32
      %parallel_loop3A_447 = arith.extui %parallel_loop3A_446 : i1 to i32
      %parallel_loop3A_448 = arith.subi %parallel_loop3A_444, %parallel_loop3A_447 : i32
      %parallel_loop3A_449 = arith.cmpi ne, %parallel_loop3A_441, %parallel_loop3A_448 : i32
      %parallel_loop3A_450 = arith.remsi %parallel_loop3A_432, %parallel_loop3A_433 : i32
      %parallel_loop3A_451 = arith.constant 0 : i32
      %parallel_loop3A_452 = arith.cmpi ne, %parallel_loop3A_450, %parallel_loop3A_451 : i32
      %parallel_loop3A_453 = arith.andi %parallel_loop3A_449, %parallel_loop3A_452 : i1
      %parallel_loop3A_454 = arith.constant 1 : i32
      %parallel_loop3A_455 = arith.subi %parallel_loop3A_434, %parallel_loop3A_454 : i32
      %parallel_loop3A_456 = arith.select %parallel_loop3A_453, %parallel_loop3A_455, %parallel_loop3A_434 : i32
      %parallel_loop3A_457 = arith.constant 64 : i32
      %parallel_loop3A_458 = arith.constant 0 : i32
      %parallel_loop3A_459 = arith.cmpi eq, %parallel_loop3A_457, %parallel_loop3A_458 : i32
      %parallel_loop3A_460 = arith.constant 1 : i32
      %parallel_loop3A_461 = arith.select %parallel_loop3A_459, %parallel_loop3A_460, %parallel_loop3A_457 : i32
      %parallel_loop3A_462 = arith.remsi %parallel_loop3A_432, %parallel_loop3A_461 : i32
      %parallel_loop3A_463 = arith.constant 0 : i32
      %parallel_loop3A_464 = arith.cmpi ne, %parallel_loop3A_462, %parallel_loop3A_463 : i32
      %parallel_loop3A_465 = arith.constant 0 : i32
      %parallel_loop3A_466 = arith.cmpi slt, %parallel_loop3A_462, %parallel_loop3A_465 : i32
      %parallel_loop3A_467 = arith.constant 0 : i32
      %parallel_loop3A_468 = arith.cmpi slt, %parallel_loop3A_461, %parallel_loop3A_467 : i32
      %parallel_loop3A_469 = arith.xori %parallel_loop3A_466, %parallel_loop3A_468 : i1
      %parallel_loop3A_470 = arith.andi %parallel_loop3A_469, %parallel_loop3A_464 : i1
      %parallel_loop3A_471 = arith.addi %parallel_loop3A_462, %parallel_loop3A_461 : i32
      %parallel_loop3A_472 = arith.select %parallel_loop3A_470, %parallel_loop3A_471, %parallel_loop3A_462 : i32
      %parallel_loop3A_473 = arith.constant 16 : i32
      %parallel_loop3A_474 = arith.muli %parallel_loop3A_472, %parallel_loop3A_473 : i32
      %parallel_loop3A_475 = arith.constant 1008 : i32
      %parallel_loop3A_476 = arith.subi %parallel_loop3A_475, %parallel_loop3A_474 : i32
      %parallel_loop3A_477 = arith.index_cast %parallel_loop3A_456 : i32 to index
      %parallel_loop3A_478 = arith.index_cast %parallel_loop3A_476 : i32 to index
      %parallel_loop3A_479 = tpu.vector_load %arg4[%parallel_loop3A_477, %parallel_loop3A_478] {strides = array<i32>} : memref<16x1024xf32, #tpu.memory_space<vmem>>, vector<1x16xf32>,
      %parallel_loop3A_480 = vector.shape_cast %parallel_loop3A_479 : vector<1x16xf32> to vector<16xf32>
      %parallel_loop3A_481 = arith.constant 15 : i32
      %parallel_loop3A_482 = vector.broadcast %parallel_loop3A_481 : i32 to vector<16xi32>
      %parallel_loop3A_483 = tpu.iota {dimensions = array<i32: 0>} : vector<16xi32>
      %parallel_loop3A_484 = arith.subi %parallel_loop3A_482, %parallel_loop3A_483 : vector<16xi32>
      %parallel_loop3A_485 = tpu.dynamic_gather %parallel_loop3A_480[%parallel_loop3A_484] in [0] : vector<16xf32>, vector<16xi32> -> vector<16xf32>
      %parallel_loop3A_486 = arith.index_cast %parallel_loop3A_456 : i32 to index
      %parallel_loop3A_487 = arith.index_cast %parallel_loop3A_474 : i32 to index
      %parallel_loop3A_488 = tpu.vector_load %arg7[%parallel_loop3A_486, %parallel_loop3A_487] {strides = array<i32>} : memref<16x1024xf32, #tpu.memory_space<vmem>>, vector<1x16xf32>,
      %parallel_loop3A_489 = vector.shape_cast %parallel_loop3A_488 : vector<1x16xf32> to vector<16xf32>
      %parallel_loop3A_490 = vector.shape_cast %parallel_loop3A_485 : vector<16xf32> to vector<1x16xf32>
      tpu.vector_store %arg7[%parallel_loop3A_486, %parallel_loop3A_487], %parallel_loop3A_490 {strides = array<i32>} : memref<16x1024xf32, #tpu.memory_space<vmem>>, vector<1x16xf32>,
    } {sc.loop_unroll_factor = 8 : i64, sc.parallel_access}
    %add3A_258 = arith.constant 144 : i32
    %add3A_259 = arith.addi %mul3A_2, %add3A_258 : i32
    %dma_start3A_260 = arith.constant 0 : i32
    %dma_start3A_261 = tpu.memref_slice %arg3[%add3A_259, %dma_start3A_260] : memref<8192x1024xf32, #tpu.memory_space<hbm>> -> memref<16x1024xf32, #tpu.memory_space<hbm>>
    %dma_start3A_262 = arith.constant 0 : i32
    %dma_start3A_263 = tpu.memref_slice %arg3[%add3A_259, %dma_start3A_262] : memref<8192x1024xf32, #tpu.memory_space<hbm>> -> memref<16x1024xf32, #tpu.memory_space<hbm>>
    tpu.enqueue_dma source(%arg7 : memref<16x1024xf32, #tpu.memory_space<vmem>>) target(%dma_start3A_263 : memref<16x1024xf32, #tpu.memory_space<hbm>>) target_semaphore(%arg13 : memref<!tpu.dma_semaphore, #tpu.memory_space<semaphore_mem>>)
    %add3A_264 = arith.constant 160 : i32
    %add3A_265 = arith.addi %mul3A_2, %add3A_264 : i32
    %dma_wait3A_266 = arith.constant 0 : i32
    %dma_wait3A_267 = tpu.memref_slice %arg2[%add3A_265, %dma_wait3A_266] : memref<8192x1024xf32, #tpu.memory_space<hbm>> -> memref<16x1024xf32, #tpu.memory_space<hbm>>
    %dma_wait3A_268 = arith.constant 0 : i32
    %dma_wait3A_269 = tpu.memref_slice %arg2[%add3A_265, %dma_wait3A_268] : memref<8192x1024xf32, #tpu.memory_space<hbm>> -> memref<16x1024xf32, #tpu.memory_space<hbm>>
    tpu.wait_dma2 semaphore(%arg11 : memref<!tpu.dma_semaphore, #tpu.memory_space<semaphore_mem>>) src(%dma_wait3A_269 : memref<16x1024xf32, #tpu.memory_space<hbm>>) dst(%arg5 : memref<16x1024xf32, #tpu.memory_space<vmem>>)
    %add3A_270 = arith.constant 192 : i32
    %add3A_271 = arith.addi %mul3A_2, %add3A_270 : i32
    %dma_start3A_272 = arith.constant 0 : i32
    %dma_start3A_273 = tpu.memref_slice %arg2[%add3A_271, %dma_start3A_272] : memref<8192x1024xf32, #tpu.memory_space<hbm>> -> memref<16x1024xf32, #tpu.memory_space<hbm>>
    %dma_start3A_274 = arith.constant 0 : i32
    %dma_start3A_275 = tpu.memref_slice %arg2[%add3A_271, %dma_start3A_274] : memref<8192x1024xf32, #tpu.memory_space<hbm>> -> memref<16x1024xf32, #tpu.memory_space<hbm>>
    tpu.enqueue_dma source(%dma_start3A_275 : memref<16x1024xf32, #tpu.memory_space<hbm>>) target(%arg4 : memref<16x1024xf32, #tpu.memory_space<vmem>>) target_semaphore(%arg10 : memref<!tpu.dma_semaphore, #tpu.memory_space<semaphore_mem>>)
    %add3A_276 = arith.constant 112 : i32
    %add3A_277 = arith.addi %mul3A_2, %add3A_276 : i32
    %dma_wait3A_278 = arith.constant 0 : i32
    %dma_wait3A_279 = tpu.memref_slice %arg3[%add3A_277, %dma_wait3A_278] : memref<8192x1024xf32, #tpu.memory_space<hbm>> -> memref<16x1024xf32, #tpu.memory_space<hbm>>
    %dma_wait3A_280 = arith.constant 0 : i32
    %dma_wait3A_281 = tpu.memref_slice %arg3[%add3A_277, %dma_wait3A_280] : memref<8192x1024xf32, #tpu.memory_space<hbm>> -> memref<16x1024xf32, #tpu.memory_space<hbm>>
    tpu.wait_dma2 semaphore(%arg14 : memref<!tpu.dma_semaphore, #tpu.memory_space<semaphore_mem>>) src(%arg8 : memref<16x1024xf32, #tpu.memory_space<vmem>>) dst(%dma_wait3A_281 : memref<16x1024xf32, #tpu.memory_space<hbm>>)
    %parallel_loop3A_282 = arith.constant 0 : i32
    %parallel_loop3A_283 = arith.constant 1024 : i32
    %parallel_loop3A_284 = arith.constant 1 : i32
    scf.for %parallel_loop3A_432 = %parallel_loop3A_282 to %parallel_loop3A_283 step %parallel_loop3A_284  : i32 {
      %parallel_loop3A_433 = arith.constant 64 : i32
      %parallel_loop3A_434 = arith.divsi %parallel_loop3A_432, %parallel_loop3A_433 : i32
      %parallel_loop3A_435 = arith.constant 0 : i32
      %parallel_loop3A_436 = arith.cmpi sgt, %parallel_loop3A_432, %parallel_loop3A_435 : i32
      %parallel_loop3A_437 = arith.extui %parallel_loop3A_436 : i1 to i32
      %parallel_loop3A_438 = arith.constant 0 : i32
      %parallel_loop3A_439 = arith.cmpi slt, %parallel_loop3A_432, %parallel_loop3A_438 : i32
      %parallel_loop3A_440 = arith.extui %parallel_loop3A_439 : i1 to i32
      %parallel_loop3A_441 = arith.subi %parallel_loop3A_437, %parallel_loop3A_440 : i32
      %parallel_loop3A_442 = arith.constant 0 : i32
      %parallel_loop3A_443 = arith.cmpi sgt, %parallel_loop3A_433, %parallel_loop3A_442 : i32
      %parallel_loop3A_444 = arith.extui %parallel_loop3A_443 : i1 to i32
      %parallel_loop3A_445 = arith.constant 0 : i32
      %parallel_loop3A_446 = arith.cmpi slt, %parallel_loop3A_433, %parallel_loop3A_445 : i32
      %parallel_loop3A_447 = arith.extui %parallel_loop3A_446 : i1 to i32
      %parallel_loop3A_448 = arith.subi %parallel_loop3A_444, %parallel_loop3A_447 : i32
      %parallel_loop3A_449 = arith.cmpi ne, %parallel_loop3A_441, %parallel_loop3A_448 : i32
      %parallel_loop3A_450 = arith.remsi %parallel_loop3A_432, %parallel_loop3A_433 : i32
      %parallel_loop3A_451 = arith.constant 0 : i32
      %parallel_loop3A_452 = arith.cmpi ne, %parallel_loop3A_450, %parallel_loop3A_451 : i32
      %parallel_loop3A_453 = arith.andi %parallel_loop3A_449, %parallel_loop3A_452 : i1
      %parallel_loop3A_454 = arith.constant 1 : i32
      %parallel_loop3A_455 = arith.subi %parallel_loop3A_434, %parallel_loop3A_454 : i32
      %parallel_loop3A_456 = arith.select %parallel_loop3A_453, %parallel_loop3A_455, %parallel_loop3A_434 : i32
      %parallel_loop3A_457 = arith.constant 64 : i32
      %parallel_loop3A_458 = arith.constant 0 : i32
      %parallel_loop3A_459 = arith.cmpi eq, %parallel_loop3A_457, %parallel_loop3A_458 : i32
      %parallel_loop3A_460 = arith.constant 1 : i32
      %parallel_loop3A_461 = arith.select %parallel_loop3A_459, %parallel_loop3A_460, %parallel_loop3A_457 : i32
      %parallel_loop3A_462 = arith.remsi %parallel_loop3A_432, %parallel_loop3A_461 : i32
      %parallel_loop3A_463 = arith.constant 0 : i32
      %parallel_loop3A_464 = arith.cmpi ne, %parallel_loop3A_462, %parallel_loop3A_463 : i32
      %parallel_loop3A_465 = arith.constant 0 : i32
      %parallel_loop3A_466 = arith.cmpi slt, %parallel_loop3A_462, %parallel_loop3A_465 : i32
      %parallel_loop3A_467 = arith.constant 0 : i32
      %parallel_loop3A_468 = arith.cmpi slt, %parallel_loop3A_461, %parallel_loop3A_467 : i32
      %parallel_loop3A_469 = arith.xori %parallel_loop3A_466, %parallel_loop3A_468 : i1
      %parallel_loop3A_470 = arith.andi %parallel_loop3A_469, %parallel_loop3A_464 : i1
      %parallel_loop3A_471 = arith.addi %parallel_loop3A_462, %parallel_loop3A_461 : i32
      %parallel_loop3A_472 = arith.select %parallel_loop3A_470, %parallel_loop3A_471, %parallel_loop3A_462 : i32
      %parallel_loop3A_473 = arith.constant 16 : i32
      %parallel_loop3A_474 = arith.muli %parallel_loop3A_472, %parallel_loop3A_473 : i32
      %parallel_loop3A_475 = arith.constant 1008 : i32
      %parallel_loop3A_476 = arith.subi %parallel_loop3A_475, %parallel_loop3A_474 : i32
      %parallel_loop3A_477 = arith.index_cast %parallel_loop3A_456 : i32 to index
      %parallel_loop3A_478 = arith.index_cast %parallel_loop3A_476 : i32 to index
      %parallel_loop3A_479 = tpu.vector_load %arg5[%parallel_loop3A_477, %parallel_loop3A_478] {strides = array<i32>} : memref<16x1024xf32, #tpu.memory_space<vmem>>, vector<1x16xf32>,
      %parallel_loop3A_480 = vector.shape_cast %parallel_loop3A_479 : vector<1x16xf32> to vector<16xf32>
      %parallel_loop3A_481 = arith.constant 15 : i32
      %parallel_loop3A_482 = vector.broadcast %parallel_loop3A_481 : i32 to vector<16xi32>
      %parallel_loop3A_483 = tpu.iota {dimensions = array<i32: 0>} : vector<16xi32>
      %parallel_loop3A_484 = arith.subi %parallel_loop3A_482, %parallel_loop3A_483 : vector<16xi32>
      %parallel_loop3A_485 = tpu.dynamic_gather %parallel_loop3A_480[%parallel_loop3A_484] in [0] : vector<16xf32>, vector<16xi32> -> vector<16xf32>
      %parallel_loop3A_486 = arith.index_cast %parallel_loop3A_456 : i32 to index
      %parallel_loop3A_487 = arith.index_cast %parallel_loop3A_474 : i32 to index
      %parallel_loop3A_488 = tpu.vector_load %arg8[%parallel_loop3A_486, %parallel_loop3A_487] {strides = array<i32>} : memref<16x1024xf32, #tpu.memory_space<vmem>>, vector<1x16xf32>,
      %parallel_loop3A_489 = vector.shape_cast %parallel_loop3A_488 : vector<1x16xf32> to vector<16xf32>
      %parallel_loop3A_490 = vector.shape_cast %parallel_loop3A_485 : vector<16xf32> to vector<1x16xf32>
      tpu.vector_store %arg8[%parallel_loop3A_486, %parallel_loop3A_487], %parallel_loop3A_490 {strides = array<i32>} : memref<16x1024xf32, #tpu.memory_space<vmem>>, vector<1x16xf32>,
    } {sc.loop_unroll_factor = 8 : i64, sc.parallel_access}
    %add3A_285 = arith.constant 160 : i32
    %add3A_286 = arith.addi %mul3A_2, %add3A_285 : i32
    %dma_start3A_287 = arith.constant 0 : i32
    %dma_start3A_288 = tpu.memref_slice %arg3[%add3A_286, %dma_start3A_287] : memref<8192x1024xf32, #tpu.memory_space<hbm>> -> memref<16x1024xf32, #tpu.memory_space<hbm>>
    %dma_start3A_289 = arith.constant 0 : i32
    %dma_start3A_290 = tpu.memref_slice %arg3[%add3A_286, %dma_start3A_289] : memref<8192x1024xf32, #tpu.memory_space<hbm>> -> memref<16x1024xf32, #tpu.memory_space<hbm>>
    tpu.enqueue_dma source(%arg8 : memref<16x1024xf32, #tpu.memory_space<vmem>>) target(%dma_start3A_290 : memref<16x1024xf32, #tpu.memory_space<hbm>>) target_semaphore(%arg14 : memref<!tpu.dma_semaphore, #tpu.memory_space<semaphore_mem>>)
    %add3A_291 = arith.constant 176 : i32
    %add3A_292 = arith.addi %mul3A_2, %add3A_291 : i32
    %dma_wait3A_293 = arith.constant 0 : i32
    %dma_wait3A_294 = tpu.memref_slice %arg2[%add3A_292, %dma_wait3A_293] : memref<8192x1024xf32, #tpu.memory_space<hbm>> -> memref<16x1024xf32, #tpu.memory_space<hbm>>
    %dma_wait3A_295 = arith.constant 0 : i32
    %dma_wait3A_296 = tpu.memref_slice %arg2[%add3A_292, %dma_wait3A_295] : memref<8192x1024xf32, #tpu.memory_space<hbm>> -> memref<16x1024xf32, #tpu.memory_space<hbm>>
    tpu.wait_dma2 semaphore(%arg12 : memref<!tpu.dma_semaphore, #tpu.memory_space<semaphore_mem>>) src(%dma_wait3A_296 : memref<16x1024xf32, #tpu.memory_space<hbm>>) dst(%arg6 : memref<16x1024xf32, #tpu.memory_space<vmem>>)
    %add3A_297 = arith.constant 208 : i32
    %add3A_298 = arith.addi %mul3A_2, %add3A_297 : i32
    %dma_start3A_299 = arith.constant 0 : i32
    %dma_start3A_300 = tpu.memref_slice %arg2[%add3A_298, %dma_start3A_299] : memref<8192x1024xf32, #tpu.memory_space<hbm>> -> memref<16x1024xf32, #tpu.memory_space<hbm>>
    %dma_start3A_301 = arith.constant 0 : i32
    %dma_start3A_302 = tpu.memref_slice %arg2[%add3A_298, %dma_start3A_301] : memref<8192x1024xf32, #tpu.memory_space<hbm>> -> memref<16x1024xf32, #tpu.memory_space<hbm>>
    tpu.enqueue_dma source(%dma_start3A_302 : memref<16x1024xf32, #tpu.memory_space<hbm>>) target(%arg5 : memref<16x1024xf32, #tpu.memory_space<vmem>>) target_semaphore(%arg11 : memref<!tpu.dma_semaphore, #tpu.memory_space<semaphore_mem>>)
    %add3A_303 = arith.constant 128 : i32
    %add3A_304 = arith.addi %mul3A_2, %add3A_303 : i32
    %dma_wait3A_305 = arith.constant 0 : i32
    %dma_wait3A_306 = tpu.memref_slice %arg3[%add3A_304, %dma_wait3A_305] : memref<8192x1024xf32, #tpu.memory_space<hbm>> -> memref<16x1024xf32, #tpu.memory_space<hbm>>
    %dma_wait3A_307 = arith.constant 0 : i32
    %dma_wait3A_308 = tpu.memref_slice %arg3[%add3A_304, %dma_wait3A_307] : memref<8192x1024xf32, #tpu.memory_space<hbm>> -> memref<16x1024xf32, #tpu.memory_space<hbm>>
    tpu.wait_dma2 semaphore(%arg15 : memref<!tpu.dma_semaphore, #tpu.memory_space<semaphore_mem>>) src(%arg9 : memref<16x1024xf32, #tpu.memory_space<vmem>>) dst(%dma_wait3A_308 : memref<16x1024xf32, #tpu.memory_space<hbm>>)
    %parallel_loop3A_309 = arith.constant 0 : i32
    %parallel_loop3A_310 = arith.constant 1024 : i32
    %parallel_loop3A_311 = arith.constant 1 : i32
    scf.for %parallel_loop3A_432 = %parallel_loop3A_309 to %parallel_loop3A_310 step %parallel_loop3A_311  : i32 {
      %parallel_loop3A_433 = arith.constant 64 : i32
      %parallel_loop3A_434 = arith.divsi %parallel_loop3A_432, %parallel_loop3A_433 : i32
      %parallel_loop3A_435 = arith.constant 0 : i32
      %parallel_loop3A_436 = arith.cmpi sgt, %parallel_loop3A_432, %parallel_loop3A_435 : i32
      %parallel_loop3A_437 = arith.extui %parallel_loop3A_436 : i1 to i32
      %parallel_loop3A_438 = arith.constant 0 : i32
      %parallel_loop3A_439 = arith.cmpi slt, %parallel_loop3A_432, %parallel_loop3A_438 : i32
      %parallel_loop3A_440 = arith.extui %parallel_loop3A_439 : i1 to i32
      %parallel_loop3A_441 = arith.subi %parallel_loop3A_437, %parallel_loop3A_440 : i32
      %parallel_loop3A_442 = arith.constant 0 : i32
      %parallel_loop3A_443 = arith.cmpi sgt, %parallel_loop3A_433, %parallel_loop3A_442 : i32
      %parallel_loop3A_444 = arith.extui %parallel_loop3A_443 : i1 to i32
      %parallel_loop3A_445 = arith.constant 0 : i32
      %parallel_loop3A_446 = arith.cmpi slt, %parallel_loop3A_433, %parallel_loop3A_445 : i32
      %parallel_loop3A_447 = arith.extui %parallel_loop3A_446 : i1 to i32
      %parallel_loop3A_448 = arith.subi %parallel_loop3A_444, %parallel_loop3A_447 : i32
      %parallel_loop3A_449 = arith.cmpi ne, %parallel_loop3A_441, %parallel_loop3A_448 : i32
      %parallel_loop3A_450 = arith.remsi %parallel_loop3A_432, %parallel_loop3A_433 : i32
      %parallel_loop3A_451 = arith.constant 0 : i32
      %parallel_loop3A_452 = arith.cmpi ne, %parallel_loop3A_450, %parallel_loop3A_451 : i32
      %parallel_loop3A_453 = arith.andi %parallel_loop3A_449, %parallel_loop3A_452 : i1
      %parallel_loop3A_454 = arith.constant 1 : i32
      %parallel_loop3A_455 = arith.subi %parallel_loop3A_434, %parallel_loop3A_454 : i32
      %parallel_loop3A_456 = arith.select %parallel_loop3A_453, %parallel_loop3A_455, %parallel_loop3A_434 : i32
      %parallel_loop3A_457 = arith.constant 64 : i32
      %parallel_loop3A_458 = arith.constant 0 : i32
      %parallel_loop3A_459 = arith.cmpi eq, %parallel_loop3A_457, %parallel_loop3A_458 : i32
      %parallel_loop3A_460 = arith.constant 1 : i32
      %parallel_loop3A_461 = arith.select %parallel_loop3A_459, %parallel_loop3A_460, %parallel_loop3A_457 : i32
      %parallel_loop3A_462 = arith.remsi %parallel_loop3A_432, %parallel_loop3A_461 : i32
      %parallel_loop3A_463 = arith.constant 0 : i32
      %parallel_loop3A_464 = arith.cmpi ne, %parallel_loop3A_462, %parallel_loop3A_463 : i32
      %parallel_loop3A_465 = arith.constant 0 : i32
      %parallel_loop3A_466 = arith.cmpi slt, %parallel_loop3A_462, %parallel_loop3A_465 : i32
      %parallel_loop3A_467 = arith.constant 0 : i32
      %parallel_loop3A_468 = arith.cmpi slt, %parallel_loop3A_461, %parallel_loop3A_467 : i32
      %parallel_loop3A_469 = arith.xori %parallel_loop3A_466, %parallel_loop3A_468 : i1
      %parallel_loop3A_470 = arith.andi %parallel_loop3A_469, %parallel_loop3A_464 : i1
      %parallel_loop3A_471 = arith.addi %parallel_loop3A_462, %parallel_loop3A_461 : i32
      %parallel_loop3A_472 = arith.select %parallel_loop3A_470, %parallel_loop3A_471, %parallel_loop3A_462 : i32
      %parallel_loop3A_473 = arith.constant 16 : i32
      %parallel_loop3A_474 = arith.muli %parallel_loop3A_472, %parallel_loop3A_473 : i32
      %parallel_loop3A_475 = arith.constant 1008 : i32
      %parallel_loop3A_476 = arith.subi %parallel_loop3A_475, %parallel_loop3A_474 : i32
      %parallel_loop3A_477 = arith.index_cast %parallel_loop3A_456 : i32 to index
      %parallel_loop3A_478 = arith.index_cast %parallel_loop3A_476 : i32 to index
      %parallel_loop3A_479 = tpu.vector_load %arg6[%parallel_loop3A_477, %parallel_loop3A_478] {strides = array<i32>} : memref<16x1024xf32, #tpu.memory_space<vmem>>, vector<1x16xf32>,
      %parallel_loop3A_480 = vector.shape_cast %parallel_loop3A_479 : vector<1x16xf32> to vector<16xf32>
      %parallel_loop3A_481 = arith.constant 15 : i32
      %parallel_loop3A_482 = vector.broadcast %parallel_loop3A_481 : i32 to vector<16xi32>
      %parallel_loop3A_483 = tpu.iota {dimensions = array<i32: 0>} : vector<16xi32>
      %parallel_loop3A_484 = arith.subi %parallel_loop3A_482, %parallel_loop3A_483 : vector<16xi32>
      %parallel_loop3A_485 = tpu.dynamic_gather %parallel_loop3A_480[%parallel_loop3A_484] in [0] : vector<16xf32>, vector<16xi32> -> vector<16xf32>
      %parallel_loop3A_486 = arith.index_cast %parallel_loop3A_456 : i32 to index
      %parallel_loop3A_487 = arith.index_cast %parallel_loop3A_474 : i32 to index
      %parallel_loop3A_488 = tpu.vector_load %arg9[%parallel_loop3A_486, %parallel_loop3A_487] {strides = array<i32>} : memref<16x1024xf32, #tpu.memory_space<vmem>>, vector<1x16xf32>,
      %parallel_loop3A_489 = vector.shape_cast %parallel_loop3A_488 : vector<1x16xf32> to vector<16xf32>
      %parallel_loop3A_490 = vector.shape_cast %parallel_loop3A_485 : vector<16xf32> to vector<1x16xf32>
      tpu.vector_store %arg9[%parallel_loop3A_486, %parallel_loop3A_487], %parallel_loop3A_490 {strides = array<i32>} : memref<16x1024xf32, #tpu.memory_space<vmem>>, vector<1x16xf32>,
    } {sc.loop_unroll_factor = 8 : i64, sc.parallel_access}
    %add3A_312 = arith.constant 176 : i32
    %add3A_313 = arith.addi %mul3A_2, %add3A_312 : i32
    %dma_start3A_314 = arith.constant 0 : i32
    %dma_start3A_315 = tpu.memref_slice %arg3[%add3A_313, %dma_start3A_314] : memref<8192x1024xf32, #tpu.memory_space<hbm>> -> memref<16x1024xf32, #tpu.memory_space<hbm>>
    %dma_start3A_316 = arith.constant 0 : i32
    %dma_start3A_317 = tpu.memref_slice %arg3[%add3A_313, %dma_start3A_316] : memref<8192x1024xf32, #tpu.memory_space<hbm>> -> memref<16x1024xf32, #tpu.memory_space<hbm>>
    tpu.enqueue_dma source(%arg9 : memref<16x1024xf32, #tpu.memory_space<vmem>>) target(%dma_start3A_317 : memref<16x1024xf32, #tpu.memory_space<hbm>>) target_semaphore(%arg15 : memref<!tpu.dma_semaphore, #tpu.memory_space<semaphore_mem>>)
    %add3A_318 = arith.constant 192 : i32
    %add3A_319 = arith.addi %mul3A_2, %add3A_318 : i32
    %dma_wait3A_320 = arith.constant 0 : i32
    %dma_wait3A_321 = tpu.memref_slice %arg2[%add3A_319, %dma_wait3A_320] : memref<8192x1024xf32, #tpu.memory_space<hbm>> -> memref<16x1024xf32, #tpu.memory_space<hbm>>
    %dma_wait3A_322 = arith.constant 0 : i32
    %dma_wait3A_323 = tpu.memref_slice %arg2[%add3A_319, %dma_wait3A_322] : memref<8192x1024xf32, #tpu.memory_space<hbm>> -> memref<16x1024xf32, #tpu.memory_space<hbm>>
    tpu.wait_dma2 semaphore(%arg10 : memref<!tpu.dma_semaphore, #tpu.memory_space<semaphore_mem>>) src(%dma_wait3A_323 : memref<16x1024xf32, #tpu.memory_space<hbm>>) dst(%arg4 : memref<16x1024xf32, #tpu.memory_space<vmem>>)
    %add3A_324 = arith.constant 224 : i32
    %add3A_325 = arith.addi %mul3A_2, %add3A_324 : i32
    %dma_start3A_326 = arith.constant 0 : i32
    %dma_start3A_327 = tpu.memref_slice %arg2[%add3A_325, %dma_start3A_326] : memref<8192x1024xf32, #tpu.memory_space<hbm>> -> memref<16x1024xf32, #tpu.memory_space<hbm>>
    %dma_start3A_328 = arith.constant 0 : i32
    %dma_start3A_329 = tpu.memref_slice %arg2[%add3A_325, %dma_start3A_328] : memref<8192x1024xf32, #tpu.memory_space<hbm>> -> memref<16x1024xf32, #tpu.memory_space<hbm>>
    tpu.enqueue_dma source(%dma_start3A_329 : memref<16x1024xf32, #tpu.memory_space<hbm>>) target(%arg6 : memref<16x1024xf32, #tpu.memory_space<vmem>>) target_semaphore(%arg12 : memref<!tpu.dma_semaphore, #tpu.memory_space<semaphore_mem>>)
    %add3A_330 = arith.constant 144 : i32
    %add3A_331 = arith.addi %mul3A_2, %add3A_330 : i32
    %dma_wait3A_332 = arith.constant 0 : i32
    %dma_wait3A_333 = tpu.memref_slice %arg3[%add3A_331, %dma_wait3A_332] : memref<8192x1024xf32, #tpu.memory_space<hbm>> -> memref<16x1024xf32, #tpu.memory_space<hbm>>
    %dma_wait3A_334 = arith.constant 0 : i32
    %dma_wait3A_335 = tpu.memref_slice %arg3[%add3A_331, %dma_wait3A_334] : memref<8192x1024xf32, #tpu.memory_space<hbm>> -> memref<16x1024xf32, #tpu.memory_space<hbm>>
    tpu.wait_dma2 semaphore(%arg13 : memref<!tpu.dma_semaphore, #tpu.memory_space<semaphore_mem>>) src(%arg7 : memref<16x1024xf32, #tpu.memory_space<vmem>>) dst(%dma_wait3A_335 : memref<16x1024xf32, #tpu.memory_space<hbm>>)
    %parallel_loop3A_336 = arith.constant 0 : i32
    %parallel_loop3A_337 = arith.constant 1024 : i32
    %parallel_loop3A_338 = arith.constant 1 : i32
    scf.for %parallel_loop3A_432 = %parallel_loop3A_336 to %parallel_loop3A_337 step %parallel_loop3A_338  : i32 {
      %parallel_loop3A_433 = arith.constant 64 : i32
      %parallel_loop3A_434 = arith.divsi %parallel_loop3A_432, %parallel_loop3A_433 : i32
      %parallel_loop3A_435 = arith.constant 0 : i32
      %parallel_loop3A_436 = arith.cmpi sgt, %parallel_loop3A_432, %parallel_loop3A_435 : i32
      %parallel_loop3A_437 = arith.extui %parallel_loop3A_436 : i1 to i32
      %parallel_loop3A_438 = arith.constant 0 : i32
      %parallel_loop3A_439 = arith.cmpi slt, %parallel_loop3A_432, %parallel_loop3A_438 : i32
      %parallel_loop3A_440 = arith.extui %parallel_loop3A_439 : i1 to i32
      %parallel_loop3A_441 = arith.subi %parallel_loop3A_437, %parallel_loop3A_440 : i32
      %parallel_loop3A_442 = arith.constant 0 : i32
      %parallel_loop3A_443 = arith.cmpi sgt, %parallel_loop3A_433, %parallel_loop3A_442 : i32
      %parallel_loop3A_444 = arith.extui %parallel_loop3A_443 : i1 to i32
      %parallel_loop3A_445 = arith.constant 0 : i32
      %parallel_loop3A_446 = arith.cmpi slt, %parallel_loop3A_433, %parallel_loop3A_445 : i32
      %parallel_loop3A_447 = arith.extui %parallel_loop3A_446 : i1 to i32
      %parallel_loop3A_448 = arith.subi %parallel_loop3A_444, %parallel_loop3A_447 : i32
      %parallel_loop3A_449 = arith.cmpi ne, %parallel_loop3A_441, %parallel_loop3A_448 : i32
      %parallel_loop3A_450 = arith.remsi %parallel_loop3A_432, %parallel_loop3A_433 : i32
      %parallel_loop3A_451 = arith.constant 0 : i32
      %parallel_loop3A_452 = arith.cmpi ne, %parallel_loop3A_450, %parallel_loop3A_451 : i32
      %parallel_loop3A_453 = arith.andi %parallel_loop3A_449, %parallel_loop3A_452 : i1
      %parallel_loop3A_454 = arith.constant 1 : i32
      %parallel_loop3A_455 = arith.subi %parallel_loop3A_434, %parallel_loop3A_454 : i32
      %parallel_loop3A_456 = arith.select %parallel_loop3A_453, %parallel_loop3A_455, %parallel_loop3A_434 : i32
      %parallel_loop3A_457 = arith.constant 64 : i32
      %parallel_loop3A_458 = arith.constant 0 : i32
      %parallel_loop3A_459 = arith.cmpi eq, %parallel_loop3A_457, %parallel_loop3A_458 : i32
      %parallel_loop3A_460 = arith.constant 1 : i32
      %parallel_loop3A_461 = arith.select %parallel_loop3A_459, %parallel_loop3A_460, %parallel_loop3A_457 : i32
      %parallel_loop3A_462 = arith.remsi %parallel_loop3A_432, %parallel_loop3A_461 : i32
      %parallel_loop3A_463 = arith.constant 0 : i32
      %parallel_loop3A_464 = arith.cmpi ne, %parallel_loop3A_462, %parallel_loop3A_463 : i32
      %parallel_loop3A_465 = arith.constant 0 : i32
      %parallel_loop3A_466 = arith.cmpi slt, %parallel_loop3A_462, %parallel_loop3A_465 : i32
      %parallel_loop3A_467 = arith.constant 0 : i32
      %parallel_loop3A_468 = arith.cmpi slt, %parallel_loop3A_461, %parallel_loop3A_467 : i32
      %parallel_loop3A_469 = arith.xori %parallel_loop3A_466, %parallel_loop3A_468 : i1
      %parallel_loop3A_470 = arith.andi %parallel_loop3A_469, %parallel_loop3A_464 : i1
      %parallel_loop3A_471 = arith.addi %parallel_loop3A_462, %parallel_loop3A_461 : i32
      %parallel_loop3A_472 = arith.select %parallel_loop3A_470, %parallel_loop3A_471, %parallel_loop3A_462 : i32
      %parallel_loop3A_473 = arith.constant 16 : i32
      %parallel_loop3A_474 = arith.muli %parallel_loop3A_472, %parallel_loop3A_473 : i32
      %parallel_loop3A_475 = arith.constant 1008 : i32
      %parallel_loop3A_476 = arith.subi %parallel_loop3A_475, %parallel_loop3A_474 : i32
      %parallel_loop3A_477 = arith.index_cast %parallel_loop3A_456 : i32 to index
      %parallel_loop3A_478 = arith.index_cast %parallel_loop3A_476 : i32 to index
      %parallel_loop3A_479 = tpu.vector_load %arg4[%parallel_loop3A_477, %parallel_loop3A_478] {strides = array<i32>} : memref<16x1024xf32, #tpu.memory_space<vmem>>, vector<1x16xf32>,
      %parallel_loop3A_480 = vector.shape_cast %parallel_loop3A_479 : vector<1x16xf32> to vector<16xf32>
      %parallel_loop3A_481 = arith.constant 15 : i32
      %parallel_loop3A_482 = vector.broadcast %parallel_loop3A_481 : i32 to vector<16xi32>
      %parallel_loop3A_483 = tpu.iota {dimensions = array<i32: 0>} : vector<16xi32>
      %parallel_loop3A_484 = arith.subi %parallel_loop3A_482, %parallel_loop3A_483 : vector<16xi32>
      %parallel_loop3A_485 = tpu.dynamic_gather %parallel_loop3A_480[%parallel_loop3A_484] in [0] : vector<16xf32>, vector<16xi32> -> vector<16xf32>
      %parallel_loop3A_486 = arith.index_cast %parallel_loop3A_456 : i32 to index
      %parallel_loop3A_487 = arith.index_cast %parallel_loop3A_474 : i32 to index
      %parallel_loop3A_488 = tpu.vector_load %arg7[%parallel_loop3A_486, %parallel_loop3A_487] {strides = array<i32>} : memref<16x1024xf32, #tpu.memory_space<vmem>>, vector<1x16xf32>,
      %parallel_loop3A_489 = vector.shape_cast %parallel_loop3A_488 : vector<1x16xf32> to vector<16xf32>
      %parallel_loop3A_490 = vector.shape_cast %parallel_loop3A_485 : vector<16xf32> to vector<1x16xf32>
      tpu.vector_store %arg7[%parallel_loop3A_486, %parallel_loop3A_487], %parallel_loop3A_490 {strides = array<i32>} : memref<16x1024xf32, #tpu.memory_space<vmem>>, vector<1x16xf32>,
    } {sc.loop_unroll_factor = 8 : i64, sc.parallel_access}
    %add3A_339 = arith.constant 192 : i32
    %add3A_340 = arith.addi %mul3A_2, %add3A_339 : i32
    %dma_start3A_341 = arith.constant 0 : i32
    %dma_start3A_342 = tpu.memref_slice %arg3[%add3A_340, %dma_start3A_341] : memref<8192x1024xf32, #tpu.memory_space<hbm>> -> memref<16x1024xf32, #tpu.memory_space<hbm>>
    %dma_start3A_343 = arith.constant 0 : i32
    %dma_start3A_344 = tpu.memref_slice %arg3[%add3A_340, %dma_start3A_343] : memref<8192x1024xf32, #tpu.memory_space<hbm>> -> memref<16x1024xf32, #tpu.memory_space<hbm>>
    tpu.enqueue_dma source(%arg7 : memref<16x1024xf32, #tpu.memory_space<vmem>>) target(%dma_start3A_344 : memref<16x1024xf32, #tpu.memory_space<hbm>>) target_semaphore(%arg13 : memref<!tpu.dma_semaphore, #tpu.memory_space<semaphore_mem>>)
    %add3A_345 = arith.constant 208 : i32
    %add3A_346 = arith.addi %mul3A_2, %add3A_345 : i32
    %dma_wait3A_347 = arith.constant 0 : i32
    %dma_wait3A_348 = tpu.memref_slice %arg2[%add3A_346, %dma_wait3A_347] : memref<8192x1024xf32, #tpu.memory_space<hbm>> -> memref<16x1024xf32, #tpu.memory_space<hbm>>
    %dma_wait3A_349 = arith.constant 0 : i32
    %dma_wait3A_350 = tpu.memref_slice %arg2[%add3A_346, %dma_wait3A_349] : memref<8192x1024xf32, #tpu.memory_space<hbm>> -> memref<16x1024xf32, #tpu.memory_space<hbm>>
    tpu.wait_dma2 semaphore(%arg11 : memref<!tpu.dma_semaphore, #tpu.memory_space<semaphore_mem>>) src(%dma_wait3A_350 : memref<16x1024xf32, #tpu.memory_space<hbm>>) dst(%arg5 : memref<16x1024xf32, #tpu.memory_space<vmem>>)
    %add3A_351 = arith.constant 240 : i32
    %add3A_352 = arith.addi %mul3A_2, %add3A_351 : i32
    %dma_start3A_353 = arith.constant 0 : i32
    %dma_start3A_354 = tpu.memref_slice %arg2[%add3A_352, %dma_start3A_353] : memref<8192x1024xf32, #tpu.memory_space<hbm>> -> memref<16x1024xf32, #tpu.memory_space<hbm>>
    %dma_start3A_355 = arith.constant 0 : i32
    %dma_start3A_356 = tpu.memref_slice %arg2[%add3A_352, %dma_start3A_355] : memref<8192x1024xf32, #tpu.memory_space<hbm>> -> memref<16x1024xf32, #tpu.memory_space<hbm>>
    tpu.enqueue_dma source(%dma_start3A_356 : memref<16x1024xf32, #tpu.memory_space<hbm>>) target(%arg4 : memref<16x1024xf32, #tpu.memory_space<vmem>>) target_semaphore(%arg10 : memref<!tpu.dma_semaphore, #tpu.memory_space<semaphore_mem>>)
    %add3A_357 = arith.constant 160 : i32
    %add3A_358 = arith.addi %mul3A_2, %add3A_357 : i32
    %dma_wait3A_359 = arith.constant 0 : i32
    %dma_wait3A_360 = tpu.memref_slice %arg3[%add3A_358, %dma_wait3A_359] : memref<8192x1024xf32, #tpu.memory_space<hbm>> -> memref<16x1024xf32, #tpu.memory_space<hbm>>
    %dma_wait3A_361 = arith.constant 0 : i32
    %dma_wait3A_362 = tpu.memref_slice %arg3[%add3A_358, %dma_wait3A_361] : memref<8192x1024xf32, #tpu.memory_space<hbm>> -> memref<16x1024xf32, #tpu.memory_space<hbm>>
    tpu.wait_dma2 semaphore(%arg14 : memref<!tpu.dma_semaphore, #tpu.memory_space<semaphore_mem>>) src(%arg8 : memref<16x1024xf32, #tpu.memory_space<vmem>>) dst(%dma_wait3A_362 : memref<16x1024xf32, #tpu.memory_space<hbm>>)
    %parallel_loop3A_363 = arith.constant 0 : i32
    %parallel_loop3A_364 = arith.constant 1024 : i32
    %parallel_loop3A_365 = arith.constant 1 : i32
    scf.for %parallel_loop3A_432 = %parallel_loop3A_363 to %parallel_loop3A_364 step %parallel_loop3A_365  : i32 {
      %parallel_loop3A_433 = arith.constant 64 : i32
      %parallel_loop3A_434 = arith.divsi %parallel_loop3A_432, %parallel_loop3A_433 : i32
      %parallel_loop3A_435 = arith.constant 0 : i32
      %parallel_loop3A_436 = arith.cmpi sgt, %parallel_loop3A_432, %parallel_loop3A_435 : i32
      %parallel_loop3A_437 = arith.extui %parallel_loop3A_436 : i1 to i32
      %parallel_loop3A_438 = arith.constant 0 : i32
      %parallel_loop3A_439 = arith.cmpi slt, %parallel_loop3A_432, %parallel_loop3A_438 : i32
      %parallel_loop3A_440 = arith.extui %parallel_loop3A_439 : i1 to i32
      %parallel_loop3A_441 = arith.subi %parallel_loop3A_437, %parallel_loop3A_440 : i32
      %parallel_loop3A_442 = arith.constant 0 : i32
      %parallel_loop3A_443 = arith.cmpi sgt, %parallel_loop3A_433, %parallel_loop3A_442 : i32
      %parallel_loop3A_444 = arith.extui %parallel_loop3A_443 : i1 to i32
      %parallel_loop3A_445 = arith.constant 0 : i32
      %parallel_loop3A_446 = arith.cmpi slt, %parallel_loop3A_433, %parallel_loop3A_445 : i32
      %parallel_loop3A_447 = arith.extui %parallel_loop3A_446 : i1 to i32
      %parallel_loop3A_448 = arith.subi %parallel_loop3A_444, %parallel_loop3A_447 : i32
      %parallel_loop3A_449 = arith.cmpi ne, %parallel_loop3A_441, %parallel_loop3A_448 : i32
      %parallel_loop3A_450 = arith.remsi %parallel_loop3A_432, %parallel_loop3A_433 : i32
      %parallel_loop3A_451 = arith.constant 0 : i32
      %parallel_loop3A_452 = arith.cmpi ne, %parallel_loop3A_450, %parallel_loop3A_451 : i32
      %parallel_loop3A_453 = arith.andi %parallel_loop3A_449, %parallel_loop3A_452 : i1
      %parallel_loop3A_454 = arith.constant 1 : i32
      %parallel_loop3A_455 = arith.subi %parallel_loop3A_434, %parallel_loop3A_454 : i32
      %parallel_loop3A_456 = arith.select %parallel_loop3A_453, %parallel_loop3A_455, %parallel_loop3A_434 : i32
      %parallel_loop3A_457 = arith.constant 64 : i32
      %parallel_loop3A_458 = arith.constant 0 : i32
      %parallel_loop3A_459 = arith.cmpi eq, %parallel_loop3A_457, %parallel_loop3A_458 : i32
      %parallel_loop3A_460 = arith.constant 1 : i32
      %parallel_loop3A_461 = arith.select %parallel_loop3A_459, %parallel_loop3A_460, %parallel_loop3A_457 : i32
      %parallel_loop3A_462 = arith.remsi %parallel_loop3A_432, %parallel_loop3A_461 : i32
      %parallel_loop3A_463 = arith.constant 0 : i32
      %parallel_loop3A_464 = arith.cmpi ne, %parallel_loop3A_462, %parallel_loop3A_463 : i32
      %parallel_loop3A_465 = arith.constant 0 : i32
      %parallel_loop3A_466 = arith.cmpi slt, %parallel_loop3A_462, %parallel_loop3A_465 : i32
      %parallel_loop3A_467 = arith.constant 0 : i32
      %parallel_loop3A_468 = arith.cmpi slt, %parallel_loop3A_461, %parallel_loop3A_467 : i32
      %parallel_loop3A_469 = arith.xori %parallel_loop3A_466, %parallel_loop3A_468 : i1
      %parallel_loop3A_470 = arith.andi %parallel_loop3A_469, %parallel_loop3A_464 : i1
      %parallel_loop3A_471 = arith.addi %parallel_loop3A_462, %parallel_loop3A_461 : i32
      %parallel_loop3A_472 = arith.select %parallel_loop3A_470, %parallel_loop3A_471, %parallel_loop3A_462 : i32
      %parallel_loop3A_473 = arith.constant 16 : i32
      %parallel_loop3A_474 = arith.muli %parallel_loop3A_472, %parallel_loop3A_473 : i32
      %parallel_loop3A_475 = arith.constant 1008 : i32
      %parallel_loop3A_476 = arith.subi %parallel_loop3A_475, %parallel_loop3A_474 : i32
      %parallel_loop3A_477 = arith.index_cast %parallel_loop3A_456 : i32 to index
      %parallel_loop3A_478 = arith.index_cast %parallel_loop3A_476 : i32 to index
      %parallel_loop3A_479 = tpu.vector_load %arg5[%parallel_loop3A_477, %parallel_loop3A_478] {strides = array<i32>} : memref<16x1024xf32, #tpu.memory_space<vmem>>, vector<1x16xf32>,
      %parallel_loop3A_480 = vector.shape_cast %parallel_loop3A_479 : vector<1x16xf32> to vector<16xf32>
      %parallel_loop3A_481 = arith.constant 15 : i32
      %parallel_loop3A_482 = vector.broadcast %parallel_loop3A_481 : i32 to vector<16xi32>
      %parallel_loop3A_483 = tpu.iota {dimensions = array<i32: 0>} : vector<16xi32>
      %parallel_loop3A_484 = arith.subi %parallel_loop3A_482, %parallel_loop3A_483 : vector<16xi32>
      %parallel_loop3A_485 = tpu.dynamic_gather %parallel_loop3A_480[%parallel_loop3A_484] in [0] : vector<16xf32>, vector<16xi32> -> vector<16xf32>
      %parallel_loop3A_486 = arith.index_cast %parallel_loop3A_456 : i32 to index
      %parallel_loop3A_487 = arith.index_cast %parallel_loop3A_474 : i32 to index
      %parallel_loop3A_488 = tpu.vector_load %arg8[%parallel_loop3A_486, %parallel_loop3A_487] {strides = array<i32>} : memref<16x1024xf32, #tpu.memory_space<vmem>>, vector<1x16xf32>,
      %parallel_loop3A_489 = vector.shape_cast %parallel_loop3A_488 : vector<1x16xf32> to vector<16xf32>
      %parallel_loop3A_490 = vector.shape_cast %parallel_loop3A_485 : vector<16xf32> to vector<1x16xf32>
      tpu.vector_store %arg8[%parallel_loop3A_486, %parallel_loop3A_487], %parallel_loop3A_490 {strides = array<i32>} : memref<16x1024xf32, #tpu.memory_space<vmem>>, vector<1x16xf32>,
    } {sc.loop_unroll_factor = 8 : i64, sc.parallel_access}
    %add3A_366 = arith.constant 208 : i32
    %add3A_367 = arith.addi %mul3A_2, %add3A_366 : i32
    %dma_start3A_368 = arith.constant 0 : i32
    %dma_start3A_369 = tpu.memref_slice %arg3[%add3A_367, %dma_start3A_368] : memref<8192x1024xf32, #tpu.memory_space<hbm>> -> memref<16x1024xf32, #tpu.memory_space<hbm>>
    %dma_start3A_370 = arith.constant 0 : i32
    %dma_start3A_371 = tpu.memref_slice %arg3[%add3A_367, %dma_start3A_370] : memref<8192x1024xf32, #tpu.memory_space<hbm>> -> memref<16x1024xf32, #tpu.memory_space<hbm>>
    tpu.enqueue_dma source(%arg8 : memref<16x1024xf32, #tpu.memory_space<vmem>>) target(%dma_start3A_371 : memref<16x1024xf32, #tpu.memory_space<hbm>>) target_semaphore(%arg14 : memref<!tpu.dma_semaphore, #tpu.memory_space<semaphore_mem>>)
    %add3A_372 = arith.constant 224 : i32
    %add3A_373 = arith.addi %mul3A_2, %add3A_372 : i32
    %dma_wait3A_374 = arith.constant 0 : i32
    %dma_wait3A_375 = tpu.memref_slice %arg2[%add3A_373, %dma_wait3A_374] : memref<8192x1024xf32, #tpu.memory_space<hbm>> -> memref<16x1024xf32, #tpu.memory_space<hbm>>
    %dma_wait3A_376 = arith.constant 0 : i32
    %dma_wait3A_377 = tpu.memref_slice %arg2[%add3A_373, %dma_wait3A_376] : memref<8192x1024xf32, #tpu.memory_space<hbm>> -> memref<16x1024xf32, #tpu.memory_space<hbm>>
    tpu.wait_dma2 semaphore(%arg12 : memref<!tpu.dma_semaphore, #tpu.memory_space<semaphore_mem>>) src(%dma_wait3A_377 : memref<16x1024xf32, #tpu.memory_space<hbm>>) dst(%arg6 : memref<16x1024xf32, #tpu.memory_space<vmem>>)
    %add3A_378 = arith.constant 176 : i32
    %add3A_379 = arith.addi %mul3A_2, %add3A_378 : i32
    %dma_wait3A_380 = arith.constant 0 : i32
    %dma_wait3A_381 = tpu.memref_slice %arg3[%add3A_379, %dma_wait3A_380] : memref<8192x1024xf32, #tpu.memory_space<hbm>> -> memref<16x1024xf32, #tpu.memory_space<hbm>>
    %dma_wait3A_382 = arith.constant 0 : i32
    %dma_wait3A_383 = tpu.memref_slice %arg3[%add3A_379, %dma_wait3A_382] : memref<8192x1024xf32, #tpu.memory_space<hbm>> -> memref<16x1024xf32, #tpu.memory_space<hbm>>
    tpu.wait_dma2 semaphore(%arg15 : memref<!tpu.dma_semaphore, #tpu.memory_space<semaphore_mem>>) src(%arg9 : memref<16x1024xf32, #tpu.memory_space<vmem>>) dst(%dma_wait3A_383 : memref<16x1024xf32, #tpu.memory_space<hbm>>)
    %parallel_loop3A_384 = arith.constant 0 : i32
    %parallel_loop3A_385 = arith.constant 1024 : i32
    %parallel_loop3A_386 = arith.constant 1 : i32
    scf.for %parallel_loop3A_432 = %parallel_loop3A_384 to %parallel_loop3A_385 step %parallel_loop3A_386  : i32 {
      %parallel_loop3A_433 = arith.constant 64 : i32
      %parallel_loop3A_434 = arith.divsi %parallel_loop3A_432, %parallel_loop3A_433 : i32
      %parallel_loop3A_435 = arith.constant 0 : i32
      %parallel_loop3A_436 = arith.cmpi sgt, %parallel_loop3A_432, %parallel_loop3A_435 : i32
      %parallel_loop3A_437 = arith.extui %parallel_loop3A_436 : i1 to i32
      %parallel_loop3A_438 = arith.constant 0 : i32
      %parallel_loop3A_439 = arith.cmpi slt, %parallel_loop3A_432, %parallel_loop3A_438 : i32
      %parallel_loop3A_440 = arith.extui %parallel_loop3A_439 : i1 to i32
      %parallel_loop3A_441 = arith.subi %parallel_loop3A_437, %parallel_loop3A_440 : i32
      %parallel_loop3A_442 = arith.constant 0 : i32
      %parallel_loop3A_443 = arith.cmpi sgt, %parallel_loop3A_433, %parallel_loop3A_442 : i32
      %parallel_loop3A_444 = arith.extui %parallel_loop3A_443 : i1 to i32
      %parallel_loop3A_445 = arith.constant 0 : i32
      %parallel_loop3A_446 = arith.cmpi slt, %parallel_loop3A_433, %parallel_loop3A_445 : i32
      %parallel_loop3A_447 = arith.extui %parallel_loop3A_446 : i1 to i32
      %parallel_loop3A_448 = arith.subi %parallel_loop3A_444, %parallel_loop3A_447 : i32
      %parallel_loop3A_449 = arith.cmpi ne, %parallel_loop3A_441, %parallel_loop3A_448 : i32
      %parallel_loop3A_450 = arith.remsi %parallel_loop3A_432, %parallel_loop3A_433 : i32
      %parallel_loop3A_451 = arith.constant 0 : i32
      %parallel_loop3A_452 = arith.cmpi ne, %parallel_loop3A_450, %parallel_loop3A_451 : i32
      %parallel_loop3A_453 = arith.andi %parallel_loop3A_449, %parallel_loop3A_452 : i1
      %parallel_loop3A_454 = arith.constant 1 : i32
      %parallel_loop3A_455 = arith.subi %parallel_loop3A_434, %parallel_loop3A_454 : i32
      %parallel_loop3A_456 = arith.select %parallel_loop3A_453, %parallel_loop3A_455, %parallel_loop3A_434 : i32
      %parallel_loop3A_457 = arith.constant 64 : i32
      %parallel_loop3A_458 = arith.constant 0 : i32
      %parallel_loop3A_459 = arith.cmpi eq, %parallel_loop3A_457, %parallel_loop3A_458 : i32
      %parallel_loop3A_460 = arith.constant 1 : i32
      %parallel_loop3A_461 = arith.select %parallel_loop3A_459, %parallel_loop3A_460, %parallel_loop3A_457 : i32
      %parallel_loop3A_462 = arith.remsi %parallel_loop3A_432, %parallel_loop3A_461 : i32
      %parallel_loop3A_463 = arith.constant 0 : i32
      %parallel_loop3A_464 = arith.cmpi ne, %parallel_loop3A_462, %parallel_loop3A_463 : i32
      %parallel_loop3A_465 = arith.constant 0 : i32
      %parallel_loop3A_466 = arith.cmpi slt, %parallel_loop3A_462, %parallel_loop3A_465 : i32
      %parallel_loop3A_467 = arith.constant 0 : i32
      %parallel_loop3A_468 = arith.cmpi slt, %parallel_loop3A_461, %parallel_loop3A_467 : i32
      %parallel_loop3A_469 = arith.xori %parallel_loop3A_466, %parallel_loop3A_468 : i1
      %parallel_loop3A_470 = arith.andi %parallel_loop3A_469, %parallel_loop3A_464 : i1
      %parallel_loop3A_471 = arith.addi %parallel_loop3A_462, %parallel_loop3A_461 : i32
      %parallel_loop3A_472 = arith.select %parallel_loop3A_470, %parallel_loop3A_471, %parallel_loop3A_462 : i32
      %parallel_loop3A_473 = arith.constant 16 : i32
      %parallel_loop3A_474 = arith.muli %parallel_loop3A_472, %parallel_loop3A_473 : i32
      %parallel_loop3A_475 = arith.constant 1008 : i32
      %parallel_loop3A_476 = arith.subi %parallel_loop3A_475, %parallel_loop3A_474 : i32
      %parallel_loop3A_477 = arith.index_cast %parallel_loop3A_456 : i32 to index
      %parallel_loop3A_478 = arith.index_cast %parallel_loop3A_476 : i32 to index
      %parallel_loop3A_479 = tpu.vector_load %arg6[%parallel_loop3A_477, %parallel_loop3A_478] {strides = array<i32>} : memref<16x1024xf32, #tpu.memory_space<vmem>>, vector<1x16xf32>,
      %parallel_loop3A_480 = vector.shape_cast %parallel_loop3A_479 : vector<1x16xf32> to vector<16xf32>
      %parallel_loop3A_481 = arith.constant 15 : i32
      %parallel_loop3A_482 = vector.broadcast %parallel_loop3A_481 : i32 to vector<16xi32>
      %parallel_loop3A_483 = tpu.iota {dimensions = array<i32: 0>} : vector<16xi32>
      %parallel_loop3A_484 = arith.subi %parallel_loop3A_482, %parallel_loop3A_483 : vector<16xi32>
      %parallel_loop3A_485 = tpu.dynamic_gather %parallel_loop3A_480[%parallel_loop3A_484] in [0] : vector<16xf32>, vector<16xi32> -> vector<16xf32>
      %parallel_loop3A_486 = arith.index_cast %parallel_loop3A_456 : i32 to index
      %parallel_loop3A_487 = arith.index_cast %parallel_loop3A_474 : i32 to index
      %parallel_loop3A_488 = tpu.vector_load %arg9[%parallel_loop3A_486, %parallel_loop3A_487] {strides = array<i32>} : memref<16x1024xf32, #tpu.memory_space<vmem>>, vector<1x16xf32>,
      %parallel_loop3A_489 = vector.shape_cast %parallel_loop3A_488 : vector<1x16xf32> to vector<16xf32>
      %parallel_loop3A_490 = vector.shape_cast %parallel_loop3A_485 : vector<16xf32> to vector<1x16xf32>
      tpu.vector_store %arg9[%parallel_loop3A_486, %parallel_loop3A_487], %parallel_loop3A_490 {strides = array<i32>} : memref<16x1024xf32, #tpu.memory_space<vmem>>, vector<1x16xf32>,
    } {sc.loop_unroll_factor = 8 : i64, sc.parallel_access}
    %add3A_387 = arith.constant 224 : i32
    %add3A_388 = arith.addi %mul3A_2, %add3A_387 : i32
    %dma_start3A_389 = arith.constant 0 : i32
    %dma_start3A_390 = tpu.memref_slice %arg3[%add3A_388, %dma_start3A_389] : memref<8192x1024xf32, #tpu.memory_space<hbm>> -> memref<16x1024xf32, #tpu.memory_space<hbm>>
    %dma_start3A_391 = arith.constant 0 : i32
    %dma_start3A_392 = tpu.memref_slice %arg3[%add3A_388, %dma_start3A_391] : memref<8192x1024xf32, #tpu.memory_space<hbm>> -> memref<16x1024xf32, #tpu.memory_space<hbm>>
    tpu.enqueue_dma source(%arg9 : memref<16x1024xf32, #tpu.memory_space<vmem>>) target(%dma_start3A_392 : memref<16x1024xf32, #tpu.memory_space<hbm>>) target_semaphore(%arg15 : memref<!tpu.dma_semaphore, #tpu.memory_space<semaphore_mem>>)
    %add3A_393 = arith.constant 240 : i32
    %add3A_394 = arith.addi %mul3A_2, %add3A_393 : i32
    %dma_wait3A_395 = arith.constant 0 : i32
    %dma_wait3A_396 = tpu.memref_slice %arg2[%add3A_394, %dma_wait3A_395] : memref<8192x1024xf32, #tpu.memory_space<hbm>> -> memref<16x1024xf32, #tpu.memory_space<hbm>>
    %dma_wait3A_397 = arith.constant 0 : i32
    %dma_wait3A_398 = tpu.memref_slice %arg2[%add3A_394, %dma_wait3A_397] : memref<8192x1024xf32, #tpu.memory_space<hbm>> -> memref<16x1024xf32, #tpu.memory_space<hbm>>
    tpu.wait_dma2 semaphore(%arg10 : memref<!tpu.dma_semaphore, #tpu.memory_space<semaphore_mem>>) src(%dma_wait3A_398 : memref<16x1024xf32, #tpu.memory_space<hbm>>) dst(%arg4 : memref<16x1024xf32, #tpu.memory_space<vmem>>)
    %add3A_399 = arith.constant 192 : i32
    %add3A_400 = arith.addi %mul3A_2, %add3A_399 : i32
    %dma_wait3A_401 = arith.constant 0 : i32
    %dma_wait3A_402 = tpu.memref_slice %arg3[%add3A_400, %dma_wait3A_401] : memref<8192x1024xf32, #tpu.memory_space<hbm>> -> memref<16x1024xf32, #tpu.memory_space<hbm>>
    %dma_wait3A_403 = arith.constant 0 : i32
    %dma_wait3A_404 = tpu.memref_slice %arg3[%add3A_400, %dma_wait3A_403] : memref<8192x1024xf32, #tpu.memory_space<hbm>> -> memref<16x1024xf32, #tpu.memory_space<hbm>>
    tpu.wait_dma2 semaphore(%arg13 : memref<!tpu.dma_semaphore, #tpu.memory_space<semaphore_mem>>) src(%arg7 : memref<16x1024xf32, #tpu.memory_space<vmem>>) dst(%dma_wait3A_404 : memref<16x1024xf32, #tpu.memory_space<hbm>>)
    %parallel_loop3A_405 = arith.constant 0 : i32
    %parallel_loop3A_406 = arith.constant 1024 : i32
    %parallel_loop3A_407 = arith.constant 1 : i32
    scf.for %parallel_loop3A_432 = %parallel_loop3A_405 to %parallel_loop3A_406 step %parallel_loop3A_407  : i32 {
      %parallel_loop3A_433 = arith.constant 64 : i32
      %parallel_loop3A_434 = arith.divsi %parallel_loop3A_432, %parallel_loop3A_433 : i32
      %parallel_loop3A_435 = arith.constant 0 : i32
      %parallel_loop3A_436 = arith.cmpi sgt, %parallel_loop3A_432, %parallel_loop3A_435 : i32
      %parallel_loop3A_437 = arith.extui %parallel_loop3A_436 : i1 to i32
      %parallel_loop3A_438 = arith.constant 0 : i32
      %parallel_loop3A_439 = arith.cmpi slt, %parallel_loop3A_432, %parallel_loop3A_438 : i32
      %parallel_loop3A_440 = arith.extui %parallel_loop3A_439 : i1 to i32
      %parallel_loop3A_441 = arith.subi %parallel_loop3A_437, %parallel_loop3A_440 : i32
      %parallel_loop3A_442 = arith.constant 0 : i32
      %parallel_loop3A_443 = arith.cmpi sgt, %parallel_loop3A_433, %parallel_loop3A_442 : i32
      %parallel_loop3A_444 = arith.extui %parallel_loop3A_443 : i1 to i32
      %parallel_loop3A_445 = arith.constant 0 : i32
      %parallel_loop3A_446 = arith.cmpi slt, %parallel_loop3A_433, %parallel_loop3A_445 : i32
      %parallel_loop3A_447 = arith.extui %parallel_loop3A_446 : i1 to i32
      %parallel_loop3A_448 = arith.subi %parallel_loop3A_444, %parallel_loop3A_447 : i32
      %parallel_loop3A_449 = arith.cmpi ne, %parallel_loop3A_441, %parallel_loop3A_448 : i32
      %parallel_loop3A_450 = arith.remsi %parallel_loop3A_432, %parallel_loop3A_433 : i32
      %parallel_loop3A_451 = arith.constant 0 : i32
      %parallel_loop3A_452 = arith.cmpi ne, %parallel_loop3A_450, %parallel_loop3A_451 : i32
      %parallel_loop3A_453 = arith.andi %parallel_loop3A_449, %parallel_loop3A_452 : i1
      %parallel_loop3A_454 = arith.constant 1 : i32
      %parallel_loop3A_455 = arith.subi %parallel_loop3A_434, %parallel_loop3A_454 : i32
      %parallel_loop3A_456 = arith.select %parallel_loop3A_453, %parallel_loop3A_455, %parallel_loop3A_434 : i32
      %parallel_loop3A_457 = arith.constant 64 : i32
      %parallel_loop3A_458 = arith.constant 0 : i32
      %parallel_loop3A_459 = arith.cmpi eq, %parallel_loop3A_457, %parallel_loop3A_458 : i32
      %parallel_loop3A_460 = arith.constant 1 : i32
      %parallel_loop3A_461 = arith.select %parallel_loop3A_459, %parallel_loop3A_460, %parallel_loop3A_457 : i32
      %parallel_loop3A_462 = arith.remsi %parallel_loop3A_432, %parallel_loop3A_461 : i32
      %parallel_loop3A_463 = arith.constant 0 : i32
      %parallel_loop3A_464 = arith.cmpi ne, %parallel_loop3A_462, %parallel_loop3A_463 : i32
      %parallel_loop3A_465 = arith.constant 0 : i32
      %parallel_loop3A_466 = arith.cmpi slt, %parallel_loop3A_462, %parallel_loop3A_465 : i32
      %parallel_loop3A_467 = arith.constant 0 : i32
      %parallel_loop3A_468 = arith.cmpi slt, %parallel_loop3A_461, %parallel_loop3A_467 : i32
      %parallel_loop3A_469 = arith.xori %parallel_loop3A_466, %parallel_loop3A_468 : i1
      %parallel_loop3A_470 = arith.andi %parallel_loop3A_469, %parallel_loop3A_464 : i1
      %parallel_loop3A_471 = arith.addi %parallel_loop3A_462, %parallel_loop3A_461 : i32
      %parallel_loop3A_472 = arith.select %parallel_loop3A_470, %parallel_loop3A_471, %parallel_loop3A_462 : i32
      %parallel_loop3A_473 = arith.constant 16 : i32
      %parallel_loop3A_474 = arith.muli %parallel_loop3A_472, %parallel_loop3A_473 : i32
      %parallel_loop3A_475 = arith.constant 1008 : i32
      %parallel_loop3A_476 = arith.subi %parallel_loop3A_475, %parallel_loop3A_474 : i32
      %parallel_loop3A_477 = arith.index_cast %parallel_loop3A_456 : i32 to index
      %parallel_loop3A_478 = arith.index_cast %parallel_loop3A_476 : i32 to index
      %parallel_loop3A_479 = tpu.vector_load %arg4[%parallel_loop3A_477, %parallel_loop3A_478] {strides = array<i32>} : memref<16x1024xf32, #tpu.memory_space<vmem>>, vector<1x16xf32>,
      %parallel_loop3A_480 = vector.shape_cast %parallel_loop3A_479 : vector<1x16xf32> to vector<16xf32>
      %parallel_loop3A_481 = arith.constant 15 : i32
      %parallel_loop3A_482 = vector.broadcast %parallel_loop3A_481 : i32 to vector<16xi32>
      %parallel_loop3A_483 = tpu.iota {dimensions = array<i32: 0>} : vector<16xi32>
      %parallel_loop3A_484 = arith.subi %parallel_loop3A_482, %parallel_loop3A_483 : vector<16xi32>
      %parallel_loop3A_485 = tpu.dynamic_gather %parallel_loop3A_480[%parallel_loop3A_484] in [0] : vector<16xf32>, vector<16xi32> -> vector<16xf32>
      %parallel_loop3A_486 = arith.index_cast %parallel_loop3A_456 : i32 to index
      %parallel_loop3A_487 = arith.index_cast %parallel_loop3A_474 : i32 to index
      %parallel_loop3A_488 = tpu.vector_load %arg7[%parallel_loop3A_486, %parallel_loop3A_487] {strides = array<i32>} : memref<16x1024xf32, #tpu.memory_space<vmem>>, vector<1x16xf32>,
      %parallel_loop3A_489 = vector.shape_cast %parallel_loop3A_488 : vector<1x16xf32> to vector<16xf32>
      %parallel_loop3A_490 = vector.shape_cast %parallel_loop3A_485 : vector<16xf32> to vector<1x16xf32>
      tpu.vector_store %arg7[%parallel_loop3A_486, %parallel_loop3A_487], %parallel_loop3A_490 {strides = array<i32>} : memref<16x1024xf32, #tpu.memory_space<vmem>>, vector<1x16xf32>,
    } {sc.loop_unroll_factor = 8 : i64, sc.parallel_access}
    %add3A_408 = arith.constant 240 : i32
    %add3A_409 = arith.addi %mul3A_2, %add3A_408 : i32
    %dma_start3A_410 = arith.constant 0 : i32
    %dma_start3A_411 = tpu.memref_slice %arg3[%add3A_409, %dma_start3A_410] : memref<8192x1024xf32, #tpu.memory_space<hbm>> -> memref<16x1024xf32, #tpu.memory_space<hbm>>
    %dma_start3A_412 = arith.constant 0 : i32
    %dma_start3A_413 = tpu.memref_slice %arg3[%add3A_409, %dma_start3A_412] : memref<8192x1024xf32, #tpu.memory_space<hbm>> -> memref<16x1024xf32, #tpu.memory_space<hbm>>
    tpu.enqueue_dma source(%arg7 : memref<16x1024xf32, #tpu.memory_space<vmem>>) target(%dma_start3A_413 : memref<16x1024xf32, #tpu.memory_space<hbm>>) target_semaphore(%arg13 : memref<!tpu.dma_semaphore, #tpu.memory_space<semaphore_mem>>)
    %add3A_414 = arith.constant 208 : i32
    %add3A_415 = arith.addi %mul3A_2, %add3A_414 : i32
    %dma_wait3A_416 = arith.constant 0 : i32
    %dma_wait3A_417 = tpu.memref_slice %arg3[%add3A_415, %dma_wait3A_416] : memref<8192x1024xf32, #tpu.memory_space<hbm>> -> memref<16x1024xf32, #tpu.memory_space<hbm>>
    %dma_wait3A_418 = arith.constant 0 : i32
    %dma_wait3A_419 = tpu.memref_slice %arg3[%add3A_415, %dma_wait3A_418] : memref<8192x1024xf32, #tpu.memory_space<hbm>> -> memref<16x1024xf32, #tpu.memory_space<hbm>>
    tpu.wait_dma2 semaphore(%arg14 : memref<!tpu.dma_semaphore, #tpu.memory_space<semaphore_mem>>) src(%arg8 : memref<16x1024xf32, #tpu.memory_space<vmem>>) dst(%dma_wait3A_419 : memref<16x1024xf32, #tpu.memory_space<hbm>>)
    %add3A_420 = arith.constant 224 : i32
    %add3A_421 = arith.addi %mul3A_2, %add3A_420 : i32
    %dma_wait3A_422 = arith.constant 0 : i32
    %dma_wait3A_423 = tpu.memref_slice %arg3[%add3A_421, %dma_wait3A_422] : memref<8192x1024xf32, #tpu.memory_space<hbm>> -> memref<16x1024xf32, #tpu.memory_space<hbm>>
    %dma_wait3A_424 = arith.constant 0 : i32
    %dma_wait3A_425 = tpu.memref_slice %arg3[%add3A_421, %dma_wait3A_424] : memref<8192x1024xf32, #tpu.memory_space<hbm>> -> memref<16x1024xf32, #tpu.memory_space<hbm>>
    tpu.wait_dma2 semaphore(%arg15 : memref<!tpu.dma_semaphore, #tpu.memory_space<semaphore_mem>>) src(%arg9 : memref<16x1024xf32, #tpu.memory_space<vmem>>) dst(%dma_wait3A_425 : memref<16x1024xf32, #tpu.memory_space<hbm>>)
    %add3A_426 = arith.constant 240 : i32
    %add3A_427 = arith.addi %mul3A_2, %add3A_426 : i32
    %dma_wait3A_428 = arith.constant 0 : i32
    %dma_wait3A_429 = tpu.memref_slice %arg3[%add3A_427, %dma_wait3A_428] : memref<8192x1024xf32, #tpu.memory_space<hbm>> -> memref<16x1024xf32, #tpu.memory_space<hbm>>
    %dma_wait3A_430 = arith.constant 0 : i32
    %dma_wait3A_431 = tpu.memref_slice %arg3[%add3A_427, %dma_wait3A_430] : memref<8192x1024xf32, #tpu.memory_space<hbm>> -> memref<16x1024xf32, #tpu.memory_space<hbm>>
    tpu.wait_dma2 semaphore(%arg13 : memref<!tpu.dma_semaphore, #tpu.memory_space<semaphore_mem>>) src(%arg7 : memref<16x1024xf32, #tpu.memory_space<vmem>>) dst(%dma_wait3A_431 : memref<16x1024xf32, #tpu.memory_space<hbm>>)
    return
  }
}

module attributes {stable_mosaic.version = 14 : i64} {
  func.func @_zeros_body(%arg0: i32, %arg1: memref<2048x1024xf32, #tpu.memory_space<vmem>>) attributes {dimension_semantics = [#tpu.dimension_semantics<arbitrary>], iteration_bounds = array<i64: 4>, scalar_prefetch = 0 : i64, scratch_operands = 0 : i64, tpu.core_type = #tpu.core_type<tc>, window_params = [{transform_indices = @transform_0, window_bounds = array<i64: 2048, 1024>}]} {
    %broadcast_in_dim3A = arith.constant 0.000000e+00 : f32
    %broadcast_in_dim3A_0 = vector.broadcast %broadcast_in_dim3A : f32 to vector<2048x1024xf32>
    %swap3A = arith.constant 0 : index
    %swap3A_1 = arith.constant 0 : index
    %swap3A_2 = vector.load %arg1[%swap3A, %swap3A_1] : memref<2048x1024xf32, #tpu.memory_space<vmem>>, vector<2048x1024xf32>
    tpu.vector_store %arg1[%swap3A, %swap3A_1], %broadcast_in_dim3A_0 {strides = array<i32>} : memref<2048x1024xf32, #tpu.memory_space<vmem>>, vector<2048x1024xf32>,
    return
  }
  func.func @transform_0(%arg0: i32) -> (i32, i32) {
    %c0_i32 = arith.constant 0 : i32
    %c0_i32_0 = arith.constant 0 : i32
    return %arg0, %c0_i32 : i32, i32
  }
}

</mosaic_0001>

<sc_bundles>
// kernel: kernel.4.cloned.1.call-start
scs
__scs_entry_jumppad:
0x0: {  	(pc) =	sbr.rel $0x88, $3  }
0x1: {  	(tag) =	ssettag $0x0;
	lr =	simm.s32 $0x1  }
0x2: {  	[smem:$0x3FA0] =	sst lr;
	_ =	strace $0xD0000000  }
0x3: {  	_ = 	snop  }
0x4: {  	_ = 	snop  }
0x5: {  	_ = 	snop  }
0x6: {  	_ = 	snop  }
0x7: {  	_ = 	snop  }
__scs_overlays_trampoline_lowered:
0x8: {  	[smem:$0x3FAF] =	sst s0  }
0x9: {  	[smem:$0x3FB0] =	sst s1  }
0xa: {  	[smem:$0x3FB1] =	sst s2  }
0xb: {  	[smem:$0x3FB2] =	sst s3  }
0xc: {  	[smem:$0x3FB3] =	sst s4  }
0xd: {  	[smem:$0x3FB4] =	sst s5  }
0xe: {  	[smem:$0x3FB5] =	sst s6  }
0xf: {  	[smem:$0x3FB6] =	sst s7  }
0x10: {  	[smem:$0x3FB7] =	sst s8  }
0x11: {  	[smem:$0x3FB8] =	sst s9;
	s0 =	simm.s32 @!p0 $0x0  }
0x12: {  	s1 =	sld [smem:$0x3F9E];
	s0 =	simm.s32 @p0 $0x1  }
0x13: {  	[smem:$0x3FB9] =	sst s0;
	s0 =	simm.s32 @!p1 $0x0  }
0x14: {  	s2 =	sld [smem:$0x3F9D];
	s0 =	simm.s32 @p1 $0x1  }
0x15: {  	[smem:$0x3FBA] =	sst s0;
	s0 =	simm.s32 @!p2 $0x0  }
0x16: {  	s3 =	sld [smem:$0x3FDB];
	s0 =	simm.s32 @p2 $0x1  }
0x17: {  	s4 =	simm.s32 $0x1BF5;
	[smem:$0x3FBC] =	sst s0  }
0x18: {  	s0 =	sld [smem:$0x3F9F];
	_ =	swait.ge [sflag:s4], $0x0  }
0x19: {  	s7 =	sld [smem:$0x3FA0]  }
0x1a: {  	s8 =	sadd.s32 $0xFFFFE003, lr  }
0x1b: {  	s9 =	sadd.s32 $0xFFFFFEF7, lr;
	s5 =	simm.s32 $0xFFFFFFFF;
	p2 =	slt.u32 s8, $0xFFFFF086  }
0x1c: {  	p1 =	slt.u32 s9, $0xF7A;
	s5 =	simm.s32 @!p2 $0x0  }
0x1d: {  	s5 =	simm.s32 @p1 $0x1;
	p0 =	seq.s32 s7, s2  }
0x1e: {  	s7 =	smul.u32 @!p0 $0xF7A, s2;
	p2 =	seq.s32 @!p0 s5, $0x0  }
0x1f: {  	s9 =	smul.u32 $0xF7A, s1;
	s8 =	simm.s32 @!p0 $0x1BF5;
	p2 =	por !p2, p0  }
0x20: {  	[sflag:s8] =	ssyncset.s32 @!p0 $0xFFFFF086;
	s6 =	sadd.s32 @!p0 s3, s7;
	s7 =	simm.s32 @!p0 $0x108  }
0x21: {  	s3 =	sadd.s32 s3, s9;
	s6 =	sadd.s32 @!p0 $0x88, s6;
	s7 =	simm.s32 @p2 $0x1082  }
0x22: {  	[simem:s7], [sflag:s8] =	dma.local @!p0 [hbm:s6], $0xF7A  }
0x23: {  	s9 =	sor.u32 $0xD0000000, s2;
	s6 =	simm.s32 $0x108;
	_ =	swait.ge @!p0 [sflag:s8], $0x0  }
0x24: {  	s3 =	sadd.s32 $0x88, s3;
	s6 =	simm.s32 @!p1 $0x1082;
	[sflag:s4] =	ssyncset.s32 $0xFFFFF086  }
0x25: {  	[simem:s6], [sflag:s4] =	dma.local [hbm:s3], $0xF7A  }
0x26: {  	[smem:$0x3FA0] =	sst s1;
	(tag) =	ssettag s2;
	_ =	strace s9  }
0x27: {  	s1 =	sld [smem:$0x3FB0]  }
0x28: {  	s2 =	sld [smem:$0x3FB1]  }
0x29: {  	s4 =	sld [smem:$0x3FB3]  }
0x2a: {  	p0 =	seq.s32 s5, $0x0;
	s5 =	sld [smem:$0x3FB4]  }
0x2b: {  	s6 =	sld [smem:$0x3FB5]  }
0x2c: {  	s7 =	sld [smem:$0x3FB6]  }
0x2d: {  	s3 =	simm.s32 $0x108;
	s8 =	sld [smem:$0x3FB7]  }
0x2e: {  	s3 =	simm.s32 @!p0 $0x1082;
	s9 =	sld [smem:$0x3FB8]  }
0x2f: {  	lr =	sadd.s32 s0, s3;
	s0 =	sld [smem:$0x3FAF]  }
0x30: {  	s3 =	sld [smem:$0x3FB2]  }
0x31: {  	[smem:$0x3FBB] =	sst s10  }
0x32: {  	s10 =	sld [smem:$0x3FB9];
	_ =	sdelay $0x3  }
0x33: {  	p0 =	seq.s32 s10, $0x1;
	s10 =	sld [smem:$0x3FBB];
	_ =	sdelay $0x3  }
0x34: {  	[smem:$0x3FBB] =	sst s10  }
0x35: {  	s10 =	sld [smem:$0x3FBA];
	_ =	sdelay $0x3  }
0x36: {  	p1 =	seq.s32 s10, $0x1;
	s10 =	sld [smem:$0x3FBB];
	_ =	sdelay $0x3  }
0x37: {  	[smem:$0x3FBB] =	sst s10  }
0x38: {  	s10 =	sld [smem:$0x3FBC]  }
0x39: {  	_ = 	snop;
	(pc) =	sbr.ind lr, $3  }
0x3a: {  	_ = 	snop  }
0x3b: {  	_ = 	snop  }
0x3c: {  	p2 =	seq.s32 s10, $0x1;
	s10 =	sld [smem:$0x3FBB]  }
0x3d: {  	_ =	shalt  }
0x3e: {  	_ =	shalt  }
0x3f: {  	_ =	shalt  }
0x40: {  	_ =	shalt  }
0x41: {  	_ =	shalt  }
0x42: {  	_ =	shalt  }
0x43: {  	_ =	shalt  }
0x44: {  	_ =	shalt  }
0x45: {  	_ =	shalt  }
0x46: {  	_ =	shalt  }
0x47: {  	_ =	shalt  }
0x48: {  	_ =	shalt  }
0x49: {  	_ =	shalt  }
0x4a: {  	_ =	shalt  }
0x4b: {  	_ =	shalt  }
0x4c: {  	_ =	shalt  }
0x4d: {  	_ =	shalt  }
0x4e: {  	_ =	shalt  }
0x4f: {  	_ =	shalt  }
0x50: {  	_ =	shalt  }
0x51: {  	_ =	shalt  }
0x52: {  	_ =	shalt  }
0x53: {  	_ =	shalt  }
0x54: {  	_ =	shalt  }
0x55: {  	_ =	shalt  }
0x56: {  	_ =	shalt  }
0x57: {  	_ =	shalt  }
0x58: {  	_ =	shalt  }
0x59: {  	_ =	shalt  }
0x5a: {  	_ =	shalt  }
0x5b: {  	_ =	shalt  }
0x5c: {  	_ =	shalt  }
0x5d: {  	_ =	shalt  }
0x5e: {  	_ =	shalt  }
0x5f: {  	_ =	shalt  }
0x60: {  	_ =	shalt  }
0x61: {  	_ =	shalt  }
0x62: {  	_ =	shalt  }
0x63: {  	_ =	shalt  }
0x64: {  	_ =	shalt  }
0x65: {  	_ =	shalt  }
0x66: {  	_ =	shalt  }
0x67: {  	_ =	shalt  }
0x68: {  	_ =	shalt  }
0x69: {  	_ =	shalt  }
0x6a: {  	_ =	shalt  }
0x6b: {  	_ =	shalt  }
0x6c: {  	_ =	shalt  }
0x6d: {  	_ =	shalt  }
0x6e: {  	_ =	shalt  }
0x6f: {  	_ =	shalt  }
0x70: {  	_ =	shalt  }
0x71: {  	_ =	shalt  }
0x72: {  	_ =	shalt  }
0x73: {  	_ =	shalt  }
0x74: {  	_ =	shalt  }
0x75: {  	_ =	shalt  }
0x76: {  	_ =	shalt  }
0x77: {  	_ =	shalt  }
0x78: {  	_ =	shalt  }
0x79: {  	_ =	shalt  }
0x7a: {  	_ =	shalt  }
0x7b: {  	_ =	shalt  }
0x7c: {  	_ =	shalt  }
0x7d: {  	_ =	shalt  }
0x7e: {  	_ =	shalt  }
0x7f: {  	_ =	shalt  }
0x80: {  	_ =	shalt  }
0x81: {  	_ =	shalt  }
0x82: {  	_ =	shalt  }
0x83: {  	_ =	shalt  }
0x84: {  	_ =	shalt  }
0x85: {  	_ =	shalt  }
0x86: {  	_ =	shalt  }
0x87: {  	_ =	shalt  }
.Lfunc_end0:
.L_simem_size_0:
called_computation_lowered:
.L_overlay_start_0:
0x88: {  	s2 =	sld [smem:$0x3FD9]  }
0x89: {  	s3 =	sld [smem:$0x3FFE];
	_ =	sdelay $0x1  }
0x8a: {  	s1 =	srdreg.scid  }
0x8b: {  	s0 =	sand.u32 $0x1, s1  }
0x8c: {  	s15 =	sshll.u32 s0, $0xA;
	s2 =	sadd.s32 s3, s2  }
0x8d: {  	s2 =	sadd.s32 s2, s15  }
0x8e: {  	[smem:$0x3FC7] =	sst s2  }
0x8f: {  	_ = 	snop  }
0x90: {  	s2 =	sld [smem:$0x3FD0];
	_ =	sdelay $0x2  }
0x91: {  	s4 =	simm.s32 $0xA;
	s5 =	simm.s32 $0x10;
	s16 =	sld [smem:$0x3FC9]  }
0x92: {  	[smem:s5], [sflag:s4] =	dma.local [hbm:s2], $0x1  }
0x93: {  	_ =	swait.eq [sflag:s4], $0x1  }
0x94: {  	[sflag:s4] =	ssyncset.done $0x0  }
0x95: {  	[sflag:s4] =	ssyncadd.s32 $0xFFFFFFFF  }
0x96: {  	s17 =	sld [smem:$0x10];
	(tm) =	ssettm $0x1  }
0x97: {  	s18 =	sld [smem:$0x3FFB];
	_ =	sdelay $0x3  }
0x98: {  	_ =	strace s18  }
0x99: {  	s4 =	sld [smem:$0x3FFC];
	_ =	sdelay $0x3  }
0x9a: {  	_ =	strace s4  }
0x9b: {  	s4 =	sld [smem:$0x3FFD];
	_ =	sdelay $0x3  }
0x9c: {  	_ =	strace s4  }
0x9d: {  	_ =	strace $0x8FFFFFFF  }
0x9e: {  	s19 =	sld [smem:$0x3FDB];
	_ =	sdelay $0x1  }
0x9f: {  	s20 =	simm.s32 $_scs_section_size  }
0xa0: {  	s6 =	simm.s32 $_size__tile_overlayer_lowered;
	s7 =	simm.s32 $_tile_overlayer_lowered  }
0xa1: {  	s23 =	simm.s32 $0x1BFF;
	s22 =	sshll.u32 s7, $0x1;
	s4 =	sadd.s32 s20, s19  }
0xa2: {  	s8 =	simm.s32 $0x0;
	s21 =	sshll.u32 s6, $0x1;
	s6 =	sadd.s32 s22, s4  }
0xa3: {  	[timem:s8], [sflag:s23] =	dma.local [hbm:s6], s21  }
0xa4: {  	_ =	swait.ge [sflag:s23], s21  }
0xa5: {  	s5 =	ssub.s32 $0x0, s21;
	[sflag:s23] =	ssyncset.done $0x0  }
0xa6: {  	[sflag:s23] =	ssyncadd.s32 s5;
	_ =	sdelay $0x1  }
0xa7: {  	s24 =	simm.s32 $0x1B8B  }
0xa8: {  	_ =	swait.ge [sflag:s24], $0x1  }
0xa9: {  	[sflag:s24] =	ssyncset.done $0x0  }
0xaa: {  	s25 =	simm.s32 $0x1B8E;
	[sflag:s24] =	ssyncadd.s32 $0xFFFFFFFF  }
0xab: {  	s26 =	simm.s32 $execute0_lowered;
	[smem:$0x3FD2] =	sst s25  }
0xac: {  	s5 =	sshll.u32 s26, $0x1;
	_ =	strace $0x80000046;
	[dreg:$0x1] =	wrdreg $0xFFFFFFFF  }
0xad: {  	s28 =	simm.s32 $_size_execute0_lowered;
	s4 =	sadd.s32 s4, s5;
	[dreg:$0x0] =	wrdreg $0x0  }
0xae: {  	s5 =	sshll.u32 s28, $0x1;
	[dreg:$0x2] =	wrdreg s4  }
0xaf: {  	[dreg:$0x3] =	wrdreg s5  }
0xb0: {  	[dreg:$0x4] =	wrdreg $0xC0  }
0xb1: {  	_ =	task [dreg:s8], $0x5FFFF  }
0xb2: {  	[dreg:$0x1] =	wrdreg $0xFFFFFFFF  }
0xb3: {  	[dreg:$0x0] =	wrdreg $0x60  }
0xb4: {  	[dreg:$0x2] =	wrdreg s16  }
0xb5: {  	[dreg:$0x3] =	wrdreg s17  }
0xb6: {  	[dreg:$0x4] =	wrdreg $0x9  }
0xb7: {  	_ =	task.clear_ibuf [dreg:s8], $0x5FFFF;
	_ =	strace $0x90000046  }
0xb8: {  	s29 =	simm.s32 $0x9;
	_ =	strace $0x80000048  }
0xb9: {  	_ =	swait.ge [sflag:s29], $0x1  }
0xba: {  	[sflag:s29] =	ssyncadd.s32 $0xFFFFFFFF  }
0xbb: {  	_ =	strace $0x90000048  }
0xbc: {  	_ =	sfence  }
0xbd: {  	s30 =	sld [smem:$0x0];
	_ =	sdelay $0x2  }
0xbe: {  	s31 =	sshll.u32 s1, $0xD;
	s1 =	sshrl.u32 s1, $0x2  }
0xbf: {  	s3 =	sand.u32 $0x4000, s31;
	s1 =	sadd.s32 s1, s30  }
0xc0: {  	s0 =	sor.u32 s3, s0;
	s1 =	sshll.u32 s1, $0x11  }
0xc1: {  	s0 =	sor.u32 s1, s0  }
0xc2: {  	s0 =	sadd.s32 $0x8F2B, s0  }
0xc3: {  	[sflag:s0] =	ssyncadd.remote.s32 $0x1  }
0xc4: {  	_ =	sfence.sel $0xFFFF  }
0xc5: {  	[dreg:$0x0] =	wrdreg $0xFFFFFFFF;
	(pc) =	sbr.abs _section_cstart, $3  }
0xc6: {  	[dreg:$0x1] =	wrdreg $0xFFFFFFFF  }
0xc7: {  	_ =	task.clear_ibuf [dreg:s8], $0x2FFFF;
	_ =	strace $0x9FFFFFFF  }
0xc8: {  	(tm) =	ssettm $0x7FFFFFFF  }
0xc9: {  	_ =	shalt  }
tec
execute0_lowered:
.L_overlay_start_1:
0x0: {  	(tag) =	ssettag $0x1  }
0x1: {  	s2 =	srdreg.scid  }
0x2: {  	s5 =	stileid.u32;
	s2 =	sand.u32 $0x1, s2  }
0x3: {  	s5 =	sshll.u32 s5, $0x10;
	s4 =	ssub.s32 $0x2, s2;
	s2 =	sshll.u32 s2, $0xF  }
0x4: {  	s0 =	rddreg [dreg:$0x0];
	s2 =	sor.u32 s2, s5  }
0x5: {  	s3 =	rddreg [dreg:$0x1];
	s1 =	simm.s32 $0x0;
	s5 =	sor.u32 $0x800, s2  }
0x6: {  	[smem:$0x7FF] =	sst s1;
	s21 =	sor.u32 $0x1000, s2;
	s7 =	sadd.s32 s0, s5  }
0x7: {  	s23 =	sor.u32 $0x1800, s2;
	s22 =	sadd.s32 s0, s21;
	[dreg:$0x3] =	wrdreg s7  }
0x8: {  	s6 =	sshrl.u32 s4, $0x1;
	s8 =	sadd.s32 s0, s23;
	[dreg:$0x4] =	wrdreg s22  }
0x9: {  	s24 =	sor.u32 $0x2000, s2;
	s5 =	sadd.s32 s3, s5;
	[dreg:$0x5] =	wrdreg s8  }
0xa: {  	s4 =	ssub.s32 s4, s6;
	s25 =	sadd.s32 s0, s24;
	[dreg:$0x6] =	wrdreg s5  }
0xb: {  	s26 =	sor.u32 $0x2800, s2;
	s6 =	sadd.s32 s3, s21;
	[dreg:$0x7] =	wrdreg s25  }
0xc: {  	s29 =	sor.u32 $0x3000, s2;
	s28 =	sadd.s32 s0, s26;
	[dreg:$0x8] =	wrdreg s6  }
0xd: {  	s31 =	sor.u32 $0x3800, s2;
	s30 =	sadd.s32 s0, s29;
	[dreg:$0x9] =	wrdreg s28  }
0xe: {  	s10 =	sor.u32 $0x4000, s2;
	s9 =	sadd.s32 s0, s31;
	[dreg:$0xb] =	wrdreg s30  }
0xf: {  	s12 =	sor.u32 $0x4800, s2;
	s11 =	sadd.s32 s0, s10;
	[dreg:$0xd] =	wrdreg s9  }
0x10: {  	s14 =	sor.u32 $0x5000, s2;
	s13 =	sadd.s32 s0, s12;
	[dreg:$0xf] =	wrdreg s11  }
0x11: {  	s15 =	sadd.s32 s0, s14;
	[dreg:$0x11] =	wrdreg s13  }
0x12: {  	s17 =	sor.u32 $0x5800, s2;
	s16 =	sadd.s32 s3, s12;
	[dreg:$0x13] =	wrdreg s15  }
0x13: {  	s18 =	sor.u32 $0x6000, s2;
	s19 =	sadd.s32 s0, s17;
	[dreg:$0x15] =	wrdreg s16  }
0x14: {  	s20 =	sadd.s32 s0, s18;
	[dreg:$0x17] =	wrdreg s19  }
0x15: {  	s21 =	sadd.s32 s3, s18;
	[dreg:$0x19] =	wrdreg s20  }
0x16: {  	s7 =	sadd.s32 s3, s23;
	[dreg:$0x1a] =	wrdreg s21  }
0x17: {  	s5 =	sadd.s32 s3, s24;
	[dreg:$0xa] =	wrdreg s7  }
0x18: {  	s4 =	smax.u32 s4, $0x1;
	s6 =	sadd.s32 s3, s26;
	[dreg:$0xc] =	wrdreg s5  }
0x19: {  	s12 =	simm.s32 $0x14000;
	s22 =	sadd.s32 s0, s2;
	[dreg:$0xe] =	wrdreg s6  }
0x1a: {  	s23 =	sadd.s32 s3, s2;
	s24 =	sor.u32 $0x6800, s2;
	[dreg:$0x1b] =	wrdreg s22  }
0x1b: {  	s25 =	sor.u32 $0x7000, s2;
	s7 =	sadd.s32 s3, s29;
	[dreg:$0x1c] =	wrdreg s23  }
0x1c: {  	s26 =	sor.u32 $0x7800, s2;
	s5 =	sadd.s32 s3, s31;
	[dreg:$0x10] =	wrdreg s7  }
0x1d: {  	s8 =	simm.s32 $0xC000;
	s6 =	sadd.s32 s3, s10;
	[dreg:$0x12] =	wrdreg s5  }
0x1e: {  	s9 =	simm.s32 $0x2;
	s28 =	sadd.s32 s0, s24;
	[dreg:$0x14] =	wrdreg s6  }
0x1f: {  	s11 =	simm.s32 $0x3;
	s29 =	sadd.s32 s0, s25;
	[dreg:$0x1d] =	wrdreg s28  }
0x20: {  	s13 =	simm.s32 $0x4;
	s0 =	sadd.s32 s0, s26;
	[dreg:$0x1e] =	wrdreg s29  }
0x21: {  	s15 =	simm.s32 $0x6;
	s30 =	sadd.s32 s3, s24;
	[dreg:$0x1f] =	wrdreg s0  }
0x22: {  	s16 =	simm.s32 $0x0;
	s31 =	sadd.s32 s3, s25;
	[smem:$0x7FC] =	sst s30  }
0x23: {  	v0 =	vlaneseq.u32;
	s10 =	simm.s32 $0x10000;
	s5 =	sadd.s32 s3, s14;
	[smem:$0x7FD] =	sst s31  }
0x24: {  	v0 =	vmul.u32 $0xFFFFFFFF, v0;
	s6 =	simm.s32 $0x1;
	[dreg:$0x16] =	wrdreg s5;
	s5 =	sadd.s32 s3, s17  }
0x25: {  	s7 =	simm.s32 $0x8000;
	s14 =	simm.s32 $0x5;
	[dreg:$0x18] =	wrdreg s5  }
0x26: {  	v0 =	vadd.s32 $0xF, v0;
	s3 =	sadd.s32 s3, s26;
	s5 =	simm.s32 $0x4000;
	_ =	strace $0x80000047  }
.LBB2_1:
0x27: {  	s0 =	rddreg [dreg:$0x1b]  }
0x28: {  	s25 =	rddreg [dreg:$0x3];
	s17 =	simm.s32 $0x1C00;
	s18 =	simm.s32 $0x0  }
0x29: {  	[tilespmem:s1], [sflag:$0x1] =	stream.linear.gather [hbm4b:s0+s1], $0x4000, $0x38;
	[tilespmem:$0x18000] =	vst v63  }
0x2a: {  	s19 =	simm.s32 $0x0;
	s20 =	sand.u32 $0x1C00, s1;
	s18 =	sand.u32 $0x2000, s18  }
0x2b: {  	[tilespmem:s5], [sflag:$0x2] =	stream.linear.gather [hbm4b:s25+s1], $0x4000, $0x38;
	[tilespmem:$0x18000] =	vst v63  }
0x2c: {  	s17 =	sand.u32 $0x1C00, s17;
	s31 =	sand.u32 $0x380, s19;
	_ =	swait.ge [sflag:s6], $0x4000  }
0x2d: {  	s17 =	sor.u32 s17, s18;
	s29 =	ssub.s32 s18, s20;
	[sflag:s6] =	ssyncset.done $0x0  }
0x2e: {  	s17 =	sor.u32 s31, s17;
	s26 =	rddreg [dreg:$0x4];
	[sflag:s6] =	ssyncadd.s32 $0xFFFFC000  }
0x2f: {  	[tilespmem:s7], [sflag:$0x3] =	stream.linear.gather [hbm4b:s26+s1], $0x4000, $0x38;
	[tilespmem:$0x18000] =	vst v63  }
0x30: {  	s22 =	sor.u32 s31, s29;
	v1 =	vld [tilespmem:s17+$0x50]  }
0x31: {  	v2 =	vld [tilespmem:s22+$0x1C10]  }
0x32: {  	s0 =	simm.s32 $0x0;
	v3 =	vld [tilespmem:s17+$0x40]  }
0x33: {  	s2 =	simm.s32 $0x400;
	s21 =	simm.s32 $0x80;
	s24 =	sand.u32 $0x1C00, s0;
	v4 =	vld [tilespmem:s17+$0x60]  }
0x34: {  	s28 =	sand.u32 $0x1C00, s2;
	s23 =	sor.u32 $0xC000, s18;
	s18 =	ssub.s32 s18, s24;
	v5 =	vld [tilespmem:s17+$0x20]  }
0x35: {  	s21 =	sand.u32 $0x2000, s21;
	s25 =	simm.s32 $0x1800;
	s18 =	sor.u32 s31, s18;
	v6 =	vld [tilespmem:s22+$0x1C00]  }
0x36: {  	s20 =	sor.u32 s20, s23;
	s25 =	sand.u32 $0x1C00, s25;
	s26 =	simm.s32 $0x10;
	v7 =	vld [tilespmem:s18+$0x1C70];
	v2 =	vperm.xlane v2, v0  }
0x37: {  	s19 =	sor.u32 s31, s20;
	s29 =	sor.u32 s25, s21;
	s17 =	sand.u32 $0x380, s26;
	v9 =	vld [tilespmem:s22+$0x1C30];
	v8 =	vperm.xlane v1, v0  }
0x38: {  	s0 =	ssub.s32 s21, s28;
	s26 =	sor.u32 s17, s29;
	v3 =	vperm.xlane v3, v0;
	[tilespmem:s19+$0x60] =	vst v2  }
0x39: {  	s2 =	simm.s32 $0x400;
	s20 =	sor.u32 s17, s0;
	v4 =	vperm.xlane v4, v0;
	v1 =	vld [tilespmem:s26+$0x50];
	[tilespmem:s19+$0x20] =	vst v8  }
0x3a: {  	s25 =	simm.s32 $0x800;
	s22 =	simm.s32 $0x8;
	s18 =	sor.u32 $0xC000, s21;
	v8 =	vperm.xlane v5, v0;
	v2 =	vld [tilespmem:s20+$0x1C10];
	[tilespmem:s19+$0x30] =	vst v3  }
0x3b: {  	s29 =	sor.u32 s24, s23;
	s24 =	simm.s32 $0x80;
	s30 =	sor.u32 s28, s18;
	v5 =	vperm.xlane v6, v0;
	v3 =	vld [tilespmem:s26+$0x40];
	[tilespmem:s19+$0x10] =	vst v4  }
0x3c: {  	s23 =	sand.u32 $0x1C00, s2;
	s28 =	simm.s32 $0x1400;
	s31 =	sor.u32 s31, s29;
	v6 =	vperm.xlane v7, v0;
	v4 =	vld [tilespmem:s26+$0x60];
	v7 =	vperm.xlane v9, v0;
	[tilespmem:s19+$0x50] =	vst v8  }
.LBB2_2:
0x3d: {  	s22 =	sadd.s32 $0x8, s22  }
0x3e: {  	s29 =	sand.u32 $0x1C00, s25;
	s21 =	ssub.s32 s21, s23;
	v8 =	vld [tilespmem:s26+$0x20];
	[tilespmem:s19+$0x70] =	vst v5;
	s26 =	sshll.u32 s22, $0x4  }
0x3f: {  	s0 =	sshll.u32 s22, $0x1;
	s2 =	sor.u32 s17, s21;
	v5 =	vld [tilespmem:s20+$0x1C00];
	[tilespmem:s31+$0x0] =	vst v6;
	p0 =	slt.u32 s22, $0x3F8  }
0x40: {  	v9 =	vperm.xlane v1, v0;
	s21 =	sand.u32 $0x2000, s26;
	s0 =	sand.u32 $0x380, s0;
	s26 =	sand.u32 $0x1C00, s28;
	v6 =	vld [tilespmem:s2+$0x1C70];
	v1 =	vperm.xlane v2, v0;
	[tilespmem:s19+$0x40] =	vst v7  }
0x41: {  	s19 =	sor.u32 s17, s30;
	s2 =	sor.u32 s26, s21;
	s31 =	ssub.s32 s21, s29;
	v3 =	vperm.xlane v3, v0;
	v7 =	vld [tilespmem:s20+$0x1C30]  }
.Ltmp0:
0x42: {  	s26 =	sor.u32 s0, s2;
	s20 =	sor.u32 s0, s31;
	v4 =	vperm.xlane v4, v0;
	[tilespmem:s19+$0x60] =	vst v1;
	(pc) =	sbr.rel @p0 .LBB2_2-.Ltmp0, $4  }
0x43: {  	s2 =	smov.u32 s17;
	s17 =	smov.u32 s0;
	v1 =	vld [tilespmem:s26+$0x50];
	[tilespmem:s19+$0x20] =	vst v9;
	v8 =	vperm.xlane v8, v0  }
0x44: {  	s24 =	sadd.s32 $0x80, s24;
	s0 =	sor.u32 s23, s18;
	s18 =	sor.u32 $0xC000, s21;
	v2 =	vld [tilespmem:s20+$0x1C10];
	[tilespmem:s19+$0x30] =	vst v3;
	v5 =	vperm.xlane v5, v0  }
0x45: {  	s25 =	sadd.s32 $0x400, s25;
	s23 =	sshll.u32 s24, $0x3;
	s30 =	sor.u32 s29, s18;
	v3 =	vld [tilespmem:s26+$0x40];
	v6 =	vperm.xlane v6, v0;
	[tilespmem:s19+$0x10] =	vst v4  }
0x46: {  	s28 =	sadd.s32 $0xFFFFFC00, s28;
	s23 =	sand.u32 $0x1C00, s23;
	s31 =	sor.u32 s2, s0;
	v4 =	vld [tilespmem:s26+$0x60];
	v7 =	vperm.xlane v7, v0;
	[tilespmem:s19+$0x50] =	vst v8  }
0x47: {  	s0 =	ssub.s32 s21, s23;
	v8 =	vld [tilespmem:s26+$0x20];
	[tilespmem:s19+$0x70] =	vst v5  }
0x48: {  	v5 =	vld [tilespmem:s20+$0x1C00];
	[tilespmem:s31+$0x0] =	vst v6;
	s0 =	sor.u32 s17, s0;
	v1 =	vperm.xlane v1, v0  }
0x49: {  	s24 =	sor.u32 s17, s30;
	[tilespmem:s19+$0x40] =	vst v7;
	v2 =	vperm.xlane v2, v0;
	v6 =	vld [tilespmem:s0+$0x1C70]  }
0x4a: {  	v7 =	vld [tilespmem:s20+$0x1C30];
	v3 =	vperm.xlane v3, v0;
	[tilespmem:s24+$0x20] =	vst v1  }
0x4b: {  	[tilespmem:s24+$0x60] =	vst v2;
	v2 =	vperm.xlane v4, v0  }
0x4c: {  	v1 =	vperm.xlane v8, v0;
	[tilespmem:s24+$0x30] =	vst v3  }
0x4d: {  	v3 =	vperm.xlane v5, v0;
	[tilespmem:s24+$0x10] =	vst v2  }
0x4e: {  	s2 =	sor.u32 s23, s18;
	v2 =	vperm.xlane v6, v0;
	[tilespmem:s24+$0x50] =	vst v1  }
0x4f: {  	s2 =	sor.u32 s17, s2;
	v1 =	vperm.xlane v7, v0;
	[tilespmem:s24+$0x70] =	vst v3  }
0x50: {  	s25 =	simm.s32 $0x0;
	[tilespmem:s2+$0x0] =	vst v2  }
0x51: {  	s29 =	simm.s32 $0x1C00;
	s18 =	simm.s32 $0x0;
	s19 =	simm.s32 $0x0;
	[tilespmem:s24+$0x40] =	vst v1  }
0x52: {  	s17 =	sand.u32 $0x2000, s18;
	s0 =	sand.u32 $0x1C00, s25;
	s2 =	rddreg [dreg:$0x1c]  }
0x53: {  	[hbm4b:s2+s25] =	stream.linear.scatter [tilespmem:s8], [sflag:$0x4], $0x4000, $0x38;
	[tilespmem:$0x18000] =	vst v63  }
0x54: {  	s20 =	ssub.s32 s17, s0;
	s2 =	sand.u32 $0x1C00, s29;
	_ =	swait.ge [sflag:s9], $0x4000  }
0x55: {  	s29 =	sand.u32 $0x380, s19;
	s2 =	sor.u32 s2, s17;
	[sflag:s9] =	ssyncset.done $0x0  }
0x56: {  	s26 =	rddreg [dreg:$0x5];
	s2 =	sor.u32 s29, s2;
	[sflag:s9] =	ssyncadd.s32 $0xFFFFC000  }
0x57: {  	[tilespmem:s25], [sflag:$0x1] =	stream.linear.gather [hbm4b:s26+s25], $0x4000, $0x38;
	[tilespmem:$0x18000] =	vst v63  }
0x58: {  	s18 =	sor.u32 s29, s20;
	v1 =	vld [tilespmem:s2+$0x4050]  }
0x59: {  	s21 =	simm.s32 $0x0;
	v2 =	vld [tilespmem:s18+$0x5C10]  }
0x5a: {  	s24 =	sand.u32 $0x1C00, s21;
	v3 =	vld [tilespmem:s2+$0x4040]  }
0x5b: {  	s23 =	sor.u32 $0x10000, s17;
	s17 =	ssub.s32 s17, s24;
	v4 =	vld [tilespmem:s2+$0x4060]  }
0x5c: {  	s22 =	simm.s32 $0x400;
	s0 =	sor.u32 s0, s23;
	s17 =	sor.u32 s29, s17;
	v5 =	vld [tilespmem:s2+$0x4020]  }
0x5d: {  	s25 =	simm.s32 $0x1800;
	s26 =	simm.s32 $0x80;
	s2 =	sand.u32 $0x1C00, s22;
	v6 =	vld [tilespmem:s18+$0x5C00]  }
0x5e: {  	s22 =	simm.s32 $0x10;
	s21 =	sand.u32 $0x2000, s26;
	s20 =	sand.u32 $0x1C00, s25;
	v7 =	vld [tilespmem:s17+$0x5C70];
	v2 =	vperm.xlane v2, v0  }
0x5f: {  	s19 =	sor.u32 s29, s0;
	v9 =	vld [tilespmem:s18+$0x5C30];
	s17 =	sand.u32 $0x380, s22;
	s20 =	sor.u32 s20, s21;
	v8 =	vperm.xlane v1, v0  }
0x60: {  	s25 =	ssub.s32 s21, s2;
	s26 =	sor.u32 s17, s20;
	v3 =	vperm.xlane v3, v0;
	[tilespmem:s19+$0x60] =	vst v2  }
0x61: {  	s28 =	simm.s32 $0x1400;
	s20 =	sor.u32 s17, s25;
	v4 =	vperm.xlane v4, v0;
	v1 =	vld [tilespmem:s26+$0x4050];
	[tilespmem:s19+$0x20] =	vst v8  }
0x62: {  	s0 =	sor.u32 s24, s23;
	s24 =	simm.s32 $0x80;
	s23 =	simm.s32 $0x400;
	v8 =	vperm.xlane v5, v0;
	v2 =	vld [tilespmem:s20+$0x5C10];
	[tilespmem:s19+$0x30] =	vst v3  }
0x63: {  	s23 =	sand.u32 $0x1C00, s23;
	s31 =	sor.u32 s29, s0;
	s18 =	sor.u32 $0x10000, s21;
	v5 =	vperm.xlane v6, v0;
	v3 =	vld [tilespmem:s26+$0x4040];
	[tilespmem:s19+$0x10] =	vst v4  }
0x64: {  	s22 =	simm.s32 $0x8;
	s30 =	sor.u32 s2, s18;
	s25 =	simm.s32 $0x800;
	v6 =	vperm.xlane v7, v0;
	v4 =	vld [tilespmem:s26+$0x4060];
	v7 =	vperm.xlane v9, v0;
	[tilespmem:s19+$0x50] =	vst v8  }
.LBB2_4:
0x65: {  	s22 =	sadd.s32 $0x8, s22  }
0x66: {  	s0 =	sand.u32 $0x1C00, s25;
	s2 =	ssub.s32 s21, s23;
	v8 =	vld [tilespmem:s26+$0x4020];
	[tilespmem:s19+$0x70] =	vst v5;
	s21 =	sshll.u32 s22, $0x4  }
0x67: {  	s26 =	sshll.u32 s22, $0x1;
	s2 =	sor.u32 s17, s2;
	v5 =	vld [tilespmem:s20+$0x5C00];
	[tilespmem:s31+$0x0] =	vst v6;
	p0 =	slt.u32 s22, $0x3F8  }
0x68: {  	v9 =	vperm.xlane v1, v0;
	s21 =	sand.u32 $0x2000, s21;
	s29 =	sand.u32 $0x380, s26;
	s26 =	sand.u32 $0x1C00, s28;
	v6 =	vld [tilespmem:s2+$0x5C70];
	v1 =	vperm.xlane v2, v0;
	[tilespmem:s19+$0x40] =	vst v7  }
0x69: {  	s19 =	sor.u32 s17, s30;
	s2 =	sor.u32 s26, s21;
	s31 =	ssub.s32 s21, s0;
	v3 =	vperm.xlane v3, v0;
	v7 =	vld [tilespmem:s20+$0x5C30]  }
.Ltmp1:
0x6a: {  	s26 =	sor.u32 s29, s2;
	s20 =	sor.u32 s29, s31;
	v4 =	vperm.xlane v4, v0;
	[tilespmem:s19+$0x60] =	vst v1;
	(pc) =	sbr.rel @p0 .LBB2_4-.Ltmp1, $4  }
0x6b: {  	s2 =	smov.u32 s17;
	s17 =	smov.u32 s29;
	v1 =	vld [tilespmem:s26+$0x4050];
	[tilespmem:s19+$0x20] =	vst v9;
	v8 =	vperm.xlane v8, v0  }
0x6c: {  	s24 =	sadd.s32 $0x80, s24;
	s29 =	sor.u32 s23, s18;
	s18 =	sor.u32 $0x10000, s21;
	v2 =	vld [tilespmem:s20+$0x5C10];
	[tilespmem:s19+$0x30] =	vst v3;
	v5 =	vperm.xlane v5, v0  }
0x6d: {  	s25 =	sadd.s32 $0x400, s25;
	s23 =	sshll.u32 s24, $0x3;
	s30 =	sor.u32 s0, s18;
	v3 =	vld [tilespmem:s26+$0x4040];
	v6 =	vperm.xlane v6, v0;
	[tilespmem:s19+$0x10] =	vst v4  }
0x6e: {  	s28 =	sadd.s32 $0xFFFFFC00, s28;
	s23 =	sand.u32 $0x1C00, s23;
	s31 =	sor.u32 s2, s29;
	v4 =	vld [tilespmem:s26+$0x4060];
	v7 =	vperm.xlane v7, v0;
	[tilespmem:s19+$0x50] =	vst v8  }
0x6f: {  	s0 =	ssub.s32 s21, s23;
	v8 =	vld [tilespmem:s26+$0x4020];
	[tilespmem:s19+$0x70] =	vst v5  }
0x70: {  	v5 =	vld [tilespmem:s20+$0x5C00];
	[tilespmem:s31+$0x0] =	vst v6;
	s0 =	sor.u32 s17, s0;
	v1 =	vperm.xlane v1, v0  }
0x71: {  	s24 =	sor.u32 s17, s30;
	[tilespmem:s19+$0x40] =	vst v7;
	v2 =	vperm.xlane v2, v0;
	v6 =	vld [tilespmem:s0+$0x5C70]  }
0x72: {  	v7 =	vld [tilespmem:s20+$0x5C30];
	v3 =	vperm.xlane v3, v0;
	[tilespmem:s24+$0x20] =	vst v1  }
0x73: {  	[tilespmem:s24+$0x60] =	vst v2;
	v2 =	vperm.xlane v4, v0  }
0x74: {  	v1 =	vperm.xlane v8, v0;
	[tilespmem:s24+$0x30] =	vst v3  }
0x75: {  	v3 =	vperm.xlane v5, v0;
	[tilespmem:s24+$0x10] =	vst v2  }
0x76: {  	s2 =	sor.u32 s23, s18;
	v2 =	vperm.xlane v6, v0;
	[tilespmem:s24+$0x50] =	vst v1  }
0x77: {  	s2 =	sor.u32 s17, s2;
	v1 =	vperm.xlane v7, v0;
	[tilespmem:s24+$0x70] =	vst v3  }
0x78: {  	s25 =	simm.s32 $0x0;
	[tilespmem:s2+$0x0] =	vst v2  }
0x79: {  	s29 =	simm.s32 $0x1C00;
	s18 =	simm.s32 $0x0;
	s19 =	simm.s32 $0x0;
	[tilespmem:s24+$0x40] =	vst v1  }
0x7a: {  	s17 =	sand.u32 $0x2000, s18;
	s0 =	sand.u32 $0x1C00, s25;
	s2 =	rddreg [dreg:$0x6]  }
0x7b: {  	[hbm4b:s2+s25] =	stream.linear.scatter [tilespmem:s10], [sflag:$0x5], $0x4000, $0x38;
	[tilespmem:$0x18000] =	vst v63  }
0x7c: {  	s20 =	ssub.s32 s17, s0;
	s2 =	sand.u32 $0x1C00, s29;
	_ =	swait.ge [sflag:s11], $0x4000  }
0x7d: {  	s29 =	sand.u32 $0x380, s19;
	s2 =	sor.u32 s2, s17;
	[sflag:s11] =	ssyncset.done $0x0  }
0x7e: {  	s26 =	rddreg [dreg:$0x7];
	s2 =	sor.u32 s29, s2;
	[sflag:s11] =	ssyncadd.s32 $0xFFFFC000  }
0x7f: {  	[tilespmem:s5], [sflag:$0x2] =	stream.linear.gather [hbm4b:s26+s25], $0x4000, $0x38;
	[tilespmem:$0x18000] =	vst v63  }
0x80: {  	s18 =	sor.u32 s29, s20;
	v1 =	vld [tilespmem:s2+$0x8050]  }
0x81: {  	s21 =	simm.s32 $0x0;
	v2 =	vld [tilespmem:s18+$0x9C10]  }
0x82: {  	s24 =	sand.u32 $0x1C00, s21;
	v3 =	vld [tilespmem:s2+$0x8040]  }
0x83: {  	s23 =	sor.u32 $0x14000, s17;
	s17 =	ssub.s32 s17, s24;
	v4 =	vld [tilespmem:s2+$0x8060]  }
0x84: {  	s22 =	simm.s32 $0x400;
	s0 =	sor.u32 s0, s23;
	s17 =	sor.u32 s29, s17;
	v5 =	vld [tilespmem:s2+$0x8020]  }
0x85: {  	s25 =	simm.s32 $0x1800;
	s26 =	simm.s32 $0x80;
	s2 =	sand.u32 $0x1C00, s22;
	v6 =	vld [tilespmem:s18+$0x9C00]  }
0x86: {  	s22 =	simm.s32 $0x10;
	s21 =	sand.u32 $0x2000, s26;
	s20 =	sand.u32 $0x1C00, s25;
	v7 =	vld [tilespmem:s17+$0x9C70];
	v2 =	vperm.xlane v2, v0  }
0x87: {  	s19 =	sor.u32 s29, s0;
	v9 =	vld [tilespmem:s18+$0x9C30];
	s17 =	sand.u32 $0x380, s22;
	s20 =	sor.u32 s20, s21;
	v8 =	vperm.xlane v1, v0  }
0x88: {  	s25 =	ssub.s32 s21, s2;
	s26 =	sor.u32 s17, s20;
	v3 =	vperm.xlane v3, v0;
	[tilespmem:s19+$0x60] =	vst v2  }
0x89: {  	s28 =	simm.s32 $0x1400;
	s20 =	sor.u32 s17, s25;
	v4 =	vperm.xlane v4, v0;
	v1 =	vld [tilespmem:s26+$0x8050];
	[tilespmem:s19+$0x20] =	vst v8  }
0x8a: {  	s0 =	sor.u32 s24, s23;
	s24 =	simm.s32 $0x80;
	s23 =	simm.s32 $0x400;
	v8 =	vperm.xlane v5, v0;
	v2 =	vld [tilespmem:s20+$0x9C10];
	[tilespmem:s19+$0x30] =	vst v3  }
0x8b: {  	s23 =	sand.u32 $0x1C00, s23;
	s31 =	sor.u32 s29, s0;
	s18 =	sor.u32 $0x14000, s21;
	v5 =	vperm.xlane v6, v0;
	v3 =	vld [tilespmem:s26+$0x8040];
	[tilespmem:s19+$0x10] =	vst v4  }
0x8c: {  	s22 =	simm.s32 $0x8;
	s30 =	sor.u32 s2, s18;
	s25 =	simm.s32 $0x800;
	v6 =	vperm.xlane v7, v0;
	v4 =	vld [tilespmem:s26+$0x8060];
	v7 =	vperm.xlane v9, v0;
	[tilespmem:s19+$0x50] =	vst v8  }
.LBB2_6:
0x8d: {  	s22 =	sadd.s32 $0x8, s22  }
0x8e: {  	s0 =	sand.u32 $0x1C00, s25;
	s2 =	ssub.s32 s21, s23;
	v8 =	vld [tilespmem:s26+$0x8020];
	[tilespmem:s19+$0x70] =	vst v5;
	s21 =	sshll.u32 s22, $0x4  }
0x8f: {  	s26 =	sshll.u32 s22, $0x1;
	s2 =	sor.u32 s17, s2;
	v5 =	vld [tilespmem:s20+$0x9C00];
	[tilespmem:s31+$0x0] =	vst v6;
	p0 =	slt.u32 s22, $0x3F8  }
0x90: {  	v9 =	vperm.xlane v1, v0;
	s21 =	sand.u32 $0x2000, s21;
	s29 =	sand.u32 $0x380, s26;
	s26 =	sand.u32 $0x1C00, s28;
	v6 =	vld [tilespmem:s2+$0x9C70];
	v1 =	vperm.xlane v2, v0;
	[tilespmem:s19+$0x40] =	vst v7  }
0x91: {  	s19 =	sor.u32 s17, s30;
	s2 =	sor.u32 s26, s21;
	s31 =	ssub.s32 s21, s0;
	v3 =	vperm.xlane v3, v0;
	v7 =	vld [tilespmem:s20+$0x9C30]  }
.Ltmp2:
0x92: {  	s26 =	sor.u32 s29, s2;
	s20 =	sor.u32 s29, s31;
	v4 =	vperm.xlane v4, v0;
	[tilespmem:s19+$0x60] =	vst v1;
	(pc) =	sbr.rel @p0 .LBB2_6-.Ltmp2, $4  }
0x93: {  	s2 =	smov.u32 s17;
	s17 =	smov.u32 s29;
	v1 =	vld [tilespmem:s26+$0x8050];
	[tilespmem:s19+$0x20] =	vst v9;
	v8 =	vperm.xlane v8, v0  }
0x94: {  	s24 =	sadd.s32 $0x80, s24;
	s29 =	sor.u32 s23, s18;
	s18 =	sor.u32 $0x14000, s21;
	v2 =	vld [tilespmem:s20+$0x9C10];
	[tilespmem:s19+$0x30] =	vst v3;
	v5 =	vperm.xlane v5, v0  }
0x95: {  	s25 =	sadd.s32 $0x400, s25;
	s23 =	sshll.u32 s24, $0x3;
	s30 =	sor.u32 s0, s18;
	v3 =	vld [tilespmem:s26+$0x8040];
	v6 =	vperm.xlane v6, v0;
	[tilespmem:s19+$0x10] =	vst v4  }
0x96: {  	s28 =	sadd.s32 $0xFFFFFC00, s28;
	s23 =	sand.u32 $0x1C00, s23;
	s31 =	sor.u32 s2, s29;
	v4 =	vld [tilespmem:s26+$0x8060];
	v7 =	vperm.xlane v7, v0;
	[tilespmem:s19+$0x50] =	vst v8  }
0x97: {  	s0 =	ssub.s32 s21, s23;
	v8 =	vld [tilespmem:s26+$0x8020];
	[tilespmem:s19+$0x70] =	vst v5  }
0x98: {  	v5 =	vld [tilespmem:s20+$0x9C00];
	[tilespmem:s31+$0x0] =	vst v6;
	s0 =	sor.u32 s17, s0;
	v1 =	vperm.xlane v1, v0  }
0x99: {  	s24 =	sor.u32 s17, s30;
	[tilespmem:s19+$0x40] =	vst v7;
	v2 =	vperm.xlane v2, v0;
	v6 =	vld [tilespmem:s0+$0x9C70]  }
0x9a: {  	v7 =	vld [tilespmem:s20+$0x9C30];
	v3 =	vperm.xlane v3, v0;
	[tilespmem:s24+$0x20] =	vst v1  }
0x9b: {  	[tilespmem:s24+$0x60] =	vst v2;
	v2 =	vperm.xlane v4, v0  }
0x9c: {  	v1 =	vperm.xlane v8, v0;
	[tilespmem:s24+$0x30] =	vst v3  }
0x9d: {  	v3 =	vperm.xlane v5, v0;
	[tilespmem:s24+$0x10] =	vst v2  }
0x9e: {  	s2 =	sor.u32 s23, s18;
	v2 =	vperm.xlane v6, v0;
	[tilespmem:s24+$0x50] =	vst v1  }
0x9f: {  	s2 =	sor.u32 s17, s2;
	v1 =	vperm.xlane v7, v0;
	[tilespmem:s24+$0x70] =	vst v3  }
0xa0: {  	[tilespmem:s2+$0x0] =	vst v2  }
0xa1: {  	[tilespmem:s24+$0x40] =	vst v1  }
0xa2: {  	s25 =	simm.s32 $0x0;
	s2 =	rddreg [dreg:$0x8]  }
0xa3: {  	[hbm4b:s2+s25] =	stream.linear.scatter [tilespmem:s12], [sflag:$0x6], $0x4000, $0x38;
	[tilespmem:$0x18000] =	vst v63  }
0xa4: {  	s29 =	simm.s32 $0x1C00;
	_ =	swait.ge [sflag:s6], $0x4000  }
0xa5: {  	s18 =	simm.s32 $0x0;
	s19 =	simm.s32 $0x0;
	[sflag:s6] =	ssyncset.done $0x0  }
0xa6: {  	s17 =	sand.u32 $0x2000, s18;
	s26 =	rddreg [dreg:$0x9];
	[sflag:s6] =	ssyncadd.s32 $0xFFFFC000  }
0xa7: {  	[tilespmem:s7], [sflag:$0x3] =	stream.linear.gather [hbm4b:s26+s25], $0x4000, $0x38;
	[tilespmem:$0x18000] =	vst v63  }
0xa8: {  	s0 =	sand.u32 $0x1C00, s25;
	s2 =	sand.u32 $0x1C00, s29;
	_ =	swait.ge [sflag:s13], $0x4000  }
0xa9: {  	s29 =	sand.u32 $0x380, s19;
	s2 =	sor.u32 s2, s17;
	[sflag:s13] =	ssyncset.done $0x0  }
0xaa: {  	s20 =	ssub.s32 s17, s0;
	s2 =	sor.u32 s29, s2;
	[sflag:s13] =	ssyncadd.s32 $0xFFFFC000  }
0xab: {  	s18 =	sor.u32 s29, s20;
	v1 =	vld [tilespmem:s2+$0x50]  }
0xac: {  	v2 =	vld [tilespmem:s18+$0x1C10]  }
0xad: {  	s21 =	simm.s32 $0x0;
	v3 =	vld [tilespmem:s2+$0x40]  }
0xae: {  	s22 =	simm.s32 $0x400;
	s23 =	sor.u32 $0xC000, s17;
	s24 =	sand.u32 $0x1C00, s21;
	v4 =	vld [tilespmem:s2+$0x60]  }
0xaf: {  	s0 =	sor.u32 s0, s23;
	s17 =	ssub.s32 s17, s24;
	s26 =	simm.s32 $0x80;
	v5 =	vld [tilespmem:s2+$0x20]  }
0xb0: {  	s17 =	sor.u32 s29, s17;
	s25 =	simm.s32 $0x1800;
	s21 =	sand.u32 $0x2000, s26;
	v6 =	vld [tilespmem:s18+$0x1C00]  }
0xb1: {  	s20 =	sand.u32 $0x1C00, s25;
	s2 =	sand.u32 $0x1C00, s22;
	s22 =	simm.s32 $0x10;
	v7 =	vld [tilespmem:s17+$0x1C70];
	v2 =	vperm.xlane v2, v0  }
0xb2: {  	s19 =	sor.u32 s29, s0;
	s20 =	sor.u32 s20, s21;
	v9 =	vld [tilespmem:s18+$0x1C30];
	s17 =	sand.u32 $0x380, s22;
	v8 =	vperm.xlane v1, v0  }
0xb3: {  	s25 =	ssub.s32 s21, s2;
	s26 =	sor.u32 s17, s20;
	v3 =	vperm.xlane v3, v0;
	[tilespmem:s19+$0x60] =	vst v2  }
0xb4: {  	s28 =	simm.s32 $0x1400;
	s20 =	sor.u32 s17, s25;
	v4 =	vperm.xlane v4, v0;
	v1 =	vld [tilespmem:s26+$0x50];
	[tilespmem:s19+$0x20] =	vst v8  }
0xb5: {  	s0 =	sor.u32 s24, s23;
	s24 =	simm.s32 $0x80;
	s23 =	simm.s32 $0x400;
	v8 =	vperm.xlane v5, v0;
	v2 =	vld [tilespmem:s20+$0x1C10];
	[tilespmem:s19+$0x30] =	vst v3  }
0xb6: {  	s23 =	sand.u32 $0x1C00, s23;
	s31 =	sor.u32 s29, s0;
	s18 =	sor.u32 $0xC000, s21;
	v5 =	vperm.xlane v6, v0;
	v3 =	vld [tilespmem:s26+$0x40];
	[tilespmem:s19+$0x10] =	vst v4  }
0xb7: {  	s22 =	simm.s32 $0x8;
	s30 =	sor.u32 s2, s18;
	s25 =	simm.s32 $0x800;
	v6 =	vperm.xlane v7, v0;
	v4 =	vld [tilespmem:s26+$0x60];
	v7 =	vperm.xlane v9, v0;
	[tilespmem:s19+$0x50] =	vst v8  }
.LBB2_8:
0xb8: {  	s22 =	sadd.s32 $0x8, s22  }
0xb9: {  	s0 =	sand.u32 $0x1C00, s25;
	s2 =	ssub.s32 s21, s23;
	v8 =	vld [tilespmem:s26+$0x20];
	[tilespmem:s19+$0x70] =	vst v5;
	s21 =	sshll.u32 s22, $0x4  }
0xba: {  	s26 =	sshll.u32 s22, $0x1;
	s2 =	sor.u32 s17, s2;
	v5 =	vld [tilespmem:s20+$0x1C00];
	[tilespmem:s31+$0x0] =	vst v6;
	p0 =	slt.u32 s22, $0x3F8  }
0xbb: {  	v9 =	vperm.xlane v1, v0;
	s21 =	sand.u32 $0x2000, s21;
	s29 =	sand.u32 $0x380, s26;
	s26 =	sand.u32 $0x1C00, s28;
	v6 =	vld [tilespmem:s2+$0x1C70];
	v1 =	vperm.xlane v2, v0;
	[tilespmem:s19+$0x40] =	vst v7  }
0xbc: {  	s19 =	sor.u32 s17, s30;
	s2 =	sor.u32 s26, s21;
	s31 =	ssub.s32 s21, s0;
	v3 =	vperm.xlane v3, v0;
	v7 =	vld [tilespmem:s20+$0x1C30]  }
.Ltmp3:
0xbd: {  	s26 =	sor.u32 s29, s2;
	s20 =	sor.u32 s29, s31;
	v4 =	vperm.xlane v4, v0;
	[tilespmem:s19+$0x60] =	vst v1;
	(pc) =	sbr.rel @p0 .LBB2_8-.Ltmp3, $4  }
0xbe: {  	s2 =	smov.u32 s17;
	s17 =	smov.u32 s29;
	v1 =	vld [tilespmem:s26+$0x50];
	[tilespmem:s19+$0x20] =	vst v9;
	v8 =	vperm.xlane v8, v0  }
0xbf: {  	s24 =	sadd.s32 $0x80, s24;
	s29 =	sor.u32 s23, s18;
	s18 =	sor.u32 $0xC000, s21;
	v2 =	vld [tilespmem:s20+$0x1C10];
	[tilespmem:s19+$0x30] =	vst v3;
	v5 =	vperm.xlane v5, v0  }
0xc0: {  	s25 =	sadd.s32 $0x400, s25;
	s23 =	sshll.u32 s24, $0x3;
	s30 =	sor.u32 s0, s18;
	v3 =	vld [tilespmem:s26+$0x40];
	v6 =	vperm.xlane v6, v0;
	[tilespmem:s19+$0x10] =	vst v4  }
0xc1: {  	s28 =	sadd.s32 $0xFFFFFC00, s28;
	s23 =	sand.u32 $0x1C00, s23;
	s31 =	sor.u32 s2, s29;
	v4 =	vld [tilespmem:s26+$0x60];
	v7 =	vperm.xlane v7, v0;
	[tilespmem:s19+$0x50] =	vst v8  }
0xc2: {  	s0 =	ssub.s32 s21, s23;
	v8 =	vld [tilespmem:s26+$0x20];
	[tilespmem:s19+$0x70] =	vst v5  }
0xc3: {  	v5 =	vld [tilespmem:s20+$0x1C00];
	[tilespmem:s31+$0x0] =	vst v6;
	s0 =	sor.u32 s17, s0;
	v1 =	vperm.xlane v1, v0  }
0xc4: {  	s24 =	sor.u32 s17, s30;
	[tilespmem:s19+$0x40] =	vst v7;
	v2 =	vperm.xlane v2, v0;
	v6 =	vld [tilespmem:s0+$0x1C70]  }
0xc5: {  	v7 =	vld [tilespmem:s20+$0x1C30];
	v3 =	vperm.xlane v3, v0;
	[tilespmem:s24+$0x20] =	vst v1  }
0xc6: {  	[tilespmem:s24+$0x60] =	vst v2;
	v2 =	vperm.xlane v4, v0  }
0xc7: {  	v1 =	vperm.xlane v8, v0;
	[tilespmem:s24+$0x30] =	vst v3  }
0xc8: {  	v3 =	vperm.xlane v5, v0;
	[tilespmem:s24+$0x10] =	vst v2  }
0xc9: {  	s2 =	sor.u32 s23, s18;
	v2 =	vperm.xlane v6, v0;
	[tilespmem:s24+$0x50] =	vst v1  }
0xca: {  	s2 =	sor.u32 s17, s2;
	v1 =	vperm.xlane v7, v0;
	[tilespmem:s24+$0x70] =	vst v3  }
0xcb: {  	[tilespmem:s2+$0x0] =	vst v2  }
0xcc: {  	[tilespmem:s24+$0x40] =	vst v1  }
0xcd: {  	s25 =	simm.s32 $0x0;
	s2 =	rddreg [dreg:$0xa]  }
0xce: {  	[hbm4b:s2+s25] =	stream.linear.scatter [tilespmem:s8], [sflag:$0x4], $0x4000, $0x38;
	[tilespmem:$0x18000] =	vst v63  }
0xcf: {  	s29 =	simm.s32 $0x1C00;
	_ =	swait.ge [sflag:s9], $0x4000  }
0xd0: {  	s18 =	simm.s32 $0x0;
	s19 =	simm.s32 $0x0;
	[sflag:s9] =	ssyncset.done $0x0  }
0xd1: {  	s17 =	sand.u32 $0x2000, s18;
	s26 =	rddreg [dreg:$0xb];
	[sflag:s9] =	ssyncadd.s32 $0xFFFFC000  }
0xd2: {  	[tilespmem:s25], [sflag:$0x1] =	stream.linear.gather [hbm4b:s26+s25], $0x4000, $0x38;
	[tilespmem:$0x18000] =	vst v63  }
0xd3: {  	s0 =	sand.u32 $0x1C00, s25;
	s2 =	sand.u32 $0x1C00, s29;
	_ =	swait.ge [sflag:s14], $0x4000  }
0xd4: {  	s29 =	sand.u32 $0x380, s19;
	s2 =	sor.u32 s2, s17;
	[sflag:s14] =	ssyncset.done $0x0  }
0xd5: {  	s20 =	ssub.s32 s17, s0;
	s2 =	sor.u32 s29, s2;
	[sflag:s14] =	ssyncadd.s32 $0xFFFFC000  }
0xd6: {  	s18 =	sor.u32 s29, s20;
	v1 =	vld [tilespmem:s2+$0x4050]  }
0xd7: {  	v2 =	vld [tilespmem:s18+$0x5C10]  }
0xd8: {  	s21 =	simm.s32 $0x0;
	v3 =	vld [tilespmem:s2+$0x4040]  }
0xd9: {  	s22 =	simm.s32 $0x400;
	s23 =	sor.u32 $0x10000, s17;
	s24 =	sand.u32 $0x1C00, s21;
	v4 =	vld [tilespmem:s2+$0x4060]  }
0xda: {  	s0 =	sor.u32 s0, s23;
	s17 =	ssub.s32 s17, s24;
	s26 =	simm.s32 $0x80;
	v5 =	vld [tilespmem:s2+$0x4020]  }
0xdb: {  	s17 =	sor.u32 s29, s17;
	s25 =	simm.s32 $0x1800;
	s21 =	sand.u32 $0x2000, s26;
	v6 =	vld [tilespmem:s18+$0x5C00]  }
0xdc: {  	s20 =	sand.u32 $0x1C00, s25;
	s2 =	sand.u32 $0x1C00, s22;
	s22 =	simm.s32 $0x10;
	v7 =	vld [tilespmem:s17+$0x5C70];
	v2 =	vperm.xlane v2, v0  }
0xdd: {  	s19 =	sor.u32 s29, s0;
	s20 =	sor.u32 s20, s21;
	v9 =	vld [tilespmem:s18+$0x5C30];
	s17 =	sand.u32 $0x380, s22;
	v8 =	vperm.xlane v1, v0  }
0xde: {  	s25 =	ssub.s32 s21, s2;
	s26 =	sor.u32 s17, s20;
	v3 =	vperm.xlane v3, v0;
	[tilespmem:s19+$0x60] =	vst v2  }
0xdf: {  	s28 =	simm.s32 $0x1400;
	s20 =	sor.u32 s17, s25;
	v4 =	vperm.xlane v4, v0;
	v1 =	vld [tilespmem:s26+$0x4050];
	[tilespmem:s19+$0x20] =	vst v8  }
0xe0: {  	s0 =	sor.u32 s24, s23;
	s24 =	simm.s32 $0x80;
	s23 =	simm.s32 $0x400;
	v8 =	vperm.xlane v5, v0;
	v2 =	vld [tilespmem:s20+$0x5C10];
	[tilespmem:s19+$0x30] =	vst v3  }
0xe1: {  	s23 =	sand.u32 $0x1C00, s23;
	s31 =	sor.u32 s29, s0;
	s18 =	sor.u32 $0x10000, s21;
	v5 =	vperm.xlane v6, v0;
	v3 =	vld [tilespmem:s26+$0x4040];
	[tilespmem:s19+$0x10] =	vst v4  }
0xe2: {  	s22 =	simm.s32 $0x8;
	s30 =	sor.u32 s2, s18;
	s25 =	simm.s32 $0x800;
	v6 =	vperm.xlane v7, v0;
	v4 =	vld [tilespmem:s26+$0x4060];
	v7 =	vperm.xlane v9, v0;
	[tilespmem:s19+$0x50] =	vst v8  }
.LBB2_10:
0xe3: {  	s22 =	sadd.s32 $0x8, s22  }
0xe4: {  	s0 =	sand.u32 $0x1C00, s25;
	s2 =	ssub.s32 s21, s23;
	v8 =	vld [tilespmem:s26+$0x4020];
	[tilespmem:s19+$0x70] =	vst v5;
	s21 =	sshll.u32 s22, $0x4  }
0xe5: {  	s26 =	sshll.u32 s22, $0x1;
	s2 =	sor.u32 s17, s2;
	v5 =	vld [tilespmem:s20+$0x5C00];
	[tilespmem:s31+$0x0] =	vst v6;
	p0 =	slt.u32 s22, $0x3F8  }
0xe6: {  	v9 =	vperm.xlane v1, v0;
	s21 =	sand.u32 $0x2000, s21;
	s29 =	sand.u32 $0x380, s26;
	s26 =	sand.u32 $0x1C00, s28;
	v6 =	vld [tilespmem:s2+$0x5C70];
	v1 =	vperm.xlane v2, v0;
	[tilespmem:s19+$0x40] =	vst v7  }
0xe7: {  	s19 =	sor.u32 s17, s30;
	s2 =	sor.u32 s26, s21;
	s31 =	ssub.s32 s21, s0;
	v3 =	vperm.xlane v3, v0;
	v7 =	vld [tilespmem:s20+$0x5C30]  }
.Ltmp4:
0xe8: {  	s26 =	sor.u32 s29, s2;
	s20 =	sor.u32 s29, s31;
	v4 =	vperm.xlane v4, v0;
	[tilespmem:s19+$0x60] =	vst v1;
	(pc) =	sbr.rel @p0 .LBB2_10-.Ltmp4, $4  }
0xe9: {  	s2 =	smov.u32 s17;
	s17 =	smov.u32 s29;
	v1 =	vld [tilespmem:s26+$0x4050];
	[tilespmem:s19+$0x20] =	vst v9;
	v8 =	vperm.xlane v8, v0  }
0xea: {  	s24 =	sadd.s32 $0x80, s24;
	s29 =	sor.u32 s23, s18;
	s18 =	sor.u32 $0x10000, s21;
	v2 =	vld [tilespmem:s20+$0x5C10];
	[tilespmem:s19+$0x30] =	vst v3;
	v5 =	vperm.xlane v5, v0  }
0xeb: {  	s25 =	sadd.s32 $0x400, s25;
	s23 =	sshll.u32 s24, $0x3;
	s30 =	sor.u32 s0, s18;
	v3 =	vld [tilespmem:s26+$0x4040];
	v6 =	vperm.xlane v6, v0;
	[tilespmem:s19+$0x10] =	vst v4  }
0xec: {  	s28 =	sadd.s32 $0xFFFFFC00, s28;
	s23 =	sand.u32 $0x1C00, s23;
	s31 =	sor.u32 s2, s29;
	v4 =	vld [tilespmem:s26+$0x4060];
	v7 =	vperm.xlane v7, v0;
	[tilespmem:s19+$0x50] =	vst v8  }
0xed: {  	s0 =	ssub.s32 s21, s23;
	v8 =	vld [tilespmem:s26+$0x4020];
	[tilespmem:s19+$0x70] =	vst v5  }
0xee: {  	v5 =	vld [tilespmem:s20+$0x5C00];
	[tilespmem:s31+$0x0] =	vst v6;
	s0 =	sor.u32 s17, s0;
	v1 =	vperm.xlane v1, v0  }
0xef: {  	s24 =	sor.u32 s17, s30;
	[tilespmem:s19+$0x40] =	vst v7;
	v2 =	vperm.xlane v2, v0;
	v6 =	vld [tilespmem:s0+$0x5C70]  }
0xf0: {  	v7 =	vld [tilespmem:s20+$0x5C30];
	v3 =	vperm.xlane v3, v0;
	[tilespmem:s24+$0x20] =	vst v1  }
0xf1: {  	[tilespmem:s24+$0x60] =	vst v2;
	v2 =	vperm.xlane v4, v0  }
0xf2: {  	v1 =	vperm.xlane v8, v0;
	[tilespmem:s24+$0x30] =	vst v3  }
0xf3: {  	v3 =	vperm.xlane v5, v0;
	[tilespmem:s24+$0x10] =	vst v2  }
0xf4: {  	s2 =	sor.u32 s23, s18;
	v2 =	vperm.xlane v6, v0;
	[tilespmem:s24+$0x50] =	vst v1  }
0xf5: {  	s2 =	sor.u32 s17, s2;
	v1 =	vperm.xlane v7, v0;
	[tilespmem:s24+$0x70] =	vst v3  }
0xf6: {  	[tilespmem:s2+$0x0] =	vst v2  }
0xf7: {  	[tilespmem:s24+$0x40] =	vst v1  }
0xf8: {  	s25 =	simm.s32 $0x0;
	s2 =	rddreg [dreg:$0xc]  }
0xf9: {  	[hbm4b:s2+s25] =	stream.linear.scatter [tilespmem:s10], [sflag:$0x5], $0x4000, $0x38;
	[tilespmem:$0x18000] =	vst v63  }
0xfa: {  	s29 =	simm.s32 $0x1C00;
	_ =	swait.ge [sflag:s11], $0x4000  }
0xfb: {  	s18 =	simm.s32 $0x0;
	s19 =	simm.s32 $0x0;
	[sflag:s11] =	ssyncset.done $0x0  }
0xfc: {  	s17 =	sand.u32 $0x2000, s18;
	s26 =	rddreg [dreg:$0xd];
	[sflag:s11] =	ssyncadd.s32 $0xFFFFC000  }
0xfd: {  	[tilespmem:s5], [sflag:$0x2] =	stream.linear.gather [hbm4b:s26+s25], $0x4000, $0x38;
	[tilespmem:$0x18000] =	vst v63  }
0xfe: {  	s0 =	sand.u32 $0x1C00, s25;
	s2 =	sand.u32 $0x1C00, s29;
	_ =	swait.ge [sflag:s15], $0x4000  }
0xff: {  	s29 =	sand.u32 $0x380, s19;
	s2 =	sor.u32 s2, s17;
	[sflag:s15] =	ssyncset.done $0x0  }
0x100: {  	s20 =	ssub.s32 s17, s0;
	s2 =	sor.u32 s29, s2;
	[sflag:s15] =	ssyncadd.s32 $0xFFFFC000  }
0x101: {  	s18 =	sor.u32 s29, s20;
	v1 =	vld [tilespmem:s2+$0x8050]  }
0x102: {  	v2 =	vld [tilespmem:s18+$0x9C10]  }
0x103: {  	s21 =	simm.s32 $0x0;
	v3 =	vld [tilespmem:s2+$0x8040]  }
0x104: {  	s22 =	simm.s32 $0x400;
	s23 =	sor.u32 $0x14000, s17;
	s24 =	sand.u32 $0x1C00, s21;
	v4 =	vld [tilespmem:s2+$0x8060]  }
0x105: {  	s0 =	sor.u32 s0, s23;
	s17 =	ssub.s32 s17, s24;
	s26 =	simm.s32 $0x80;
	v5 =	vld [tilespmem:s2+$0x8020]  }
0x106: {  	s17 =	sor.u32 s29, s17;
	s25 =	simm.s32 $0x1800;
	s21 =	sand.u32 $0x2000, s26;
	v6 =	vld [tilespmem:s18+$0x9C00]  }
0x107: {  	s20 =	sand.u32 $0x1C00, s25;
	s2 =	sand.u32 $0x1C00, s22;
	s22 =	simm.s32 $0x10;
	v7 =	vld [tilespmem:s17+$0x9C70];
	v2 =	vperm.xlane v2, v0  }
0x108: {  	s19 =	sor.u32 s29, s0;
	s20 =	sor.u32 s20, s21;
	v9 =	vld [tilespmem:s18+$0x9C30];
	s17 =	sand.u32 $0x380, s22;
	v8 =	vperm.xlane v1, v0  }
0x109: {  	s25 =	ssub.s32 s21, s2;
	s26 =	sor.u32 s17, s20;
	v3 =	vperm.xlane v3, v0;
	[tilespmem:s19+$0x60] =	vst v2  }
0x10a: {  	s28 =	simm.s32 $0x1400;
	s20 =	sor.u32 s17, s25;
	v4 =	vperm.xlane v4, v0;
	v1 =	vld [tilespmem:s26+$0x8050];
	[tilespmem:s19+$0x20] =	vst v8  }
0x10b: {  	s0 =	sor.u32 s24, s23;
	s24 =	simm.s32 $0x80;
	s23 =	simm.s32 $0x400;
	v8 =	vperm.xlane v5, v0;
	v2 =	vld [tilespmem:s20+$0x9C10];
	[tilespmem:s19+$0x30] =	vst v3  }
0x10c: {  	s23 =	sand.u32 $0x1C00, s23;
	s31 =	sor.u32 s29, s0;
	s18 =	sor.u32 $0x14000, s21;
	v5 =	vperm.xlane v6, v0;
	v3 =	vld [tilespmem:s26+$0x8040];
	[tilespmem:s19+$0x10] =	vst v4  }
0x10d: {  	s22 =	simm.s32 $0x8;
	s30 =	sor.u32 s2, s18;
	s25 =	simm.s32 $0x800;
	v6 =	vperm.xlane v7, v0;
	v4 =	vld [tilespmem:s26+$0x8060];
	v7 =	vperm.xlane v9, v0;
	[tilespmem:s19+$0x50] =	vst v8  }
.LBB2_12:
0x10e: {  	s22 =	sadd.s32 $0x8, s22  }
0x10f: {  	s0 =	sand.u32 $0x1C00, s25;
	s2 =	ssub.s32 s21, s23;
	v8 =	vld [tilespmem:s26+$0x8020];
	[tilespmem:s19+$0x70] =	vst v5;
	s21 =	sshll.u32 s22, $0x4  }
0x110: {  	s26 =	sshll.u32 s22, $0x1;
	s2 =	sor.u32 s17, s2;
	v5 =	vld [tilespmem:s20+$0x9C00];
	[tilespmem:s31+$0x0] =	vst v6;
	p0 =	slt.u32 s22, $0x3F8  }
0x111: {  	v9 =	vperm.xlane v1, v0;
	s21 =	sand.u32 $0x2000, s21;
	s29 =	sand.u32 $0x380, s26;
	s26 =	sand.u32 $0x1C00, s28;
	v6 =	vld [tilespmem:s2+$0x9C70];
	v1 =	vperm.xlane v2, v0;
	[tilespmem:s19+$0x40] =	vst v7  }
0x112: {  	s19 =	sor.u32 s17, s30;
	s2 =	sor.u32 s26, s21;
	s31 =	ssub.s32 s21, s0;
	v3 =	vperm.xlane v3, v0;
	v7 =	vld [tilespmem:s20+$0x9C30]  }
.Ltmp5:
0x113: {  	s26 =	sor.u32 s29, s2;
	s20 =	sor.u32 s29, s31;
	v4 =	vperm.xlane v4, v0;
	[tilespmem:s19+$0x60] =	vst v1;
	(pc) =	sbr.rel @p0 .LBB2_12-.Ltmp5, $4  }
0x114: {  	s2 =	smov.u32 s17;
	s17 =	smov.u32 s29;
	v1 =	vld [tilespmem:s26+$0x8050];
	[tilespmem:s19+$0x20] =	vst v9;
	v8 =	vperm.xlane v8, v0  }
0x115: {  	s24 =	sadd.s32 $0x80, s24;
	s29 =	sor.u32 s23, s18;
	s18 =	sor.u32 $0x14000, s21;
	v2 =	vld [tilespmem:s20+$0x9C10];
	[tilespmem:s19+$0x30] =	vst v3;
	v5 =	vperm.xlane v5, v0  }
0x116: {  	s25 =	sadd.s32 $0x400, s25;
	s23 =	sshll.u32 s24, $0x3;
	s30 =	sor.u32 s0, s18;
	v3 =	vld [tilespmem:s26+$0x8040];
	v6 =	vperm.xlane v6, v0;
	[tilespmem:s19+$0x10] =	vst v4  }
0x117: {  	s28 =	sadd.s32 $0xFFFFFC00, s28;
	s23 =	sand.u32 $0x1C00, s23;
	s31 =	sor.u32 s2, s29;
	v4 =	vld [tilespmem:s26+$0x8060];
	v7 =	vperm.xlane v7, v0;
	[tilespmem:s19+$0x50] =	vst v8  }
0x118: {  	s0 =	ssub.s32 s21, s23;
	v8 =	vld [tilespmem:s26+$0x8020];
	[tilespmem:s19+$0x70] =	vst v5  }
0x119: {  	v5 =	vld [tilespmem:s20+$0x9C00];
	[tilespmem:s31+$0x0] =	vst v6;
	s0 =	sor.u32 s17, s0;
	v1 =	vperm.xlane v1, v0  }
0x11a: {  	s24 =	sor.u32 s17, s30;
	[tilespmem:s19+$0x40] =	vst v7;
	v2 =	vperm.xlane v2, v0;
	v6 =	vld [tilespmem:s0+$0x9C70]  }
0x11b: {  	v7 =	vld [tilespmem:s20+$0x9C30];
	v3 =	vperm.xlane v3, v0;
	[tilespmem:s24+$0x20] =	vst v1  }
0x11c: {  	[tilespmem:s24+$0x60] =	vst v2;
	v2 =	vperm.xlane v4, v0  }
0x11d: {  	v1 =	vperm.xlane v8, v0;
	[tilespmem:s24+$0x30] =	vst v3  }
0x11e: {  	v3 =	vperm.xlane v5, v0;
	[tilespmem:s24+$0x10] =	vst v2  }
0x11f: {  	s2 =	sor.u32 s23, s18;
	v2 =	vperm.xlane v6, v0;
	[tilespmem:s24+$0x50] =	vst v1  }
0x120: {  	s2 =	sor.u32 s17, s2;
	v1 =	vperm.xlane v7, v0;
	[tilespmem:s24+$0x70] =	vst v3  }
0x121: {  	[tilespmem:s2+$0x0] =	vst v2  }
0x122: {  	[tilespmem:s24+$0x40] =	vst v1  }
0x123: {  	s25 =	simm.s32 $0x0;
	s2 =	rddreg [dreg:$0xe]  }
0x124: {  	[hbm4b:s2+s25] =	stream.linear.scatter [tilespmem:s12], [sflag:$0x6], $0x4000, $0x38;
	[tilespmem:$0x18000] =	vst v63  }
0x125: {  	s29 =	simm.s32 $0x1C00;
	_ =	swait.ge [sflag:s6], $0x4000  }
0x126: {  	s18 =	simm.s32 $0x0;
	s19 =	simm.s32 $0x0;
	[sflag:s6] =	ssyncset.done $0x0  }
0x127: {  	s17 =	sand.u32 $0x2000, s18;
	s26 =	rddreg [dreg:$0xf];
	[sflag:s6] =	ssyncadd.s32 $0xFFFFC000  }
0x128: {  	[tilespmem:s7], [sflag:$0x3] =	stream.linear.gather [hbm4b:s26+s25], $0x4000, $0x38;
	[tilespmem:$0x18000] =	vst v63  }
0x129: {  	s0 =	sand.u32 $0x1C00, s25;
	s2 =	sand.u32 $0x1C00, s29;
	_ =	swait.ge [sflag:s13], $0x4000  }
0x12a: {  	s29 =	sand.u32 $0x380, s19;
	s2 =	sor.u32 s2, s17;
	[sflag:s13] =	ssyncset.done $0x0  }
0x12b: {  	s20 =	ssub.s32 s17, s0;
	s2 =	sor.u32 s29, s2;
	[sflag:s13] =	ssyncadd.s32 $0xFFFFC000  }
0x12c: {  	s18 =	sor.u32 s29, s20;
	v1 =	vld [tilespmem:s2+$0x50]  }
0x12d: {  	v2 =	vld [tilespmem:s18+$0x1C10]  }
0x12e: {  	s21 =	simm.s32 $0x0;
	v3 =	vld [tilespmem:s2+$0x40]  }
0x12f: {  	s22 =	simm.s32 $0x400;
	s23 =	sor.u32 $0xC000, s17;
	s24 =	sand.u32 $0x1C00, s21;
	v4 =	vld [tilespmem:s2+$0x60]  }
0x130: {  	s0 =	sor.u32 s0, s23;
	s17 =	ssub.s32 s17, s24;
	s26 =	simm.s32 $0x80;
	v5 =	vld [tilespmem:s2+$0x20]  }
0x131: {  	s17 =	sor.u32 s29, s17;
	s25 =	simm.s32 $0x1800;
	s21 =	sand.u32 $0x2000, s26;
	v6 =	vld [tilespmem:s18+$0x1C00]  }
0x132: {  	s20 =	sand.u32 $0x1C00, s25;
	s2 =	sand.u32 $0x1C00, s22;
	s22 =	simm.s32 $0x10;
	v7 =	vld [tilespmem:s17+$0x1C70];
	v2 =	vperm.xlane v2, v0  }
0x133: {  	s19 =	sor.u32 s29, s0;
	s20 =	sor.u32 s20, s21;
	v9 =	vld [tilespmem:s18+$0x1C30];
	s17 =	sand.u32 $0x380, s22;
	v8 =	vperm.xlane v1, v0  }
0x134: {  	s25 =	ssub.s32 s21, s2;
	s26 =	sor.u32 s17, s20;
	v3 =	vperm.xlane v3, v0;
	[tilespmem:s19+$0x60] =	vst v2  }
0x135: {  	s28 =	simm.s32 $0x1400;
	s20 =	sor.u32 s17, s25;
	v4 =	vperm.xlane v4, v0;
	v1 =	vld [tilespmem:s26+$0x50];
	[tilespmem:s19+$0x20] =	vst v8  }
0x136: {  	s0 =	sor.u32 s24, s23;
	s24 =	simm.s32 $0x80;
	s23 =	simm.s32 $0x400;
	v8 =	vperm.xlane v5, v0;
	v2 =	vld [tilespmem:s20+$0x1C10];
	[tilespmem:s19+$0x30] =	vst v3  }
0x137: {  	s23 =	sand.u32 $0x1C00, s23;
	s31 =	sor.u32 s29, s0;
	s18 =	sor.u32 $0xC000, s21;
	v5 =	vperm.xlane v6, v0;
	v3 =	vld [tilespmem:s26+$0x40];
	[tilespmem:s19+$0x10] =	vst v4  }
0x138: {  	s22 =	simm.s32 $0x8;
	s30 =	sor.u32 s2, s18;
	s25 =	simm.s32 $0x800;
	v6 =	vperm.xlane v7, v0;
	v4 =	vld [tilespmem:s26+$0x60];
	v7 =	vperm.xlane v9, v0;
	[tilespmem:s19+$0x50] =	vst v8  }
.LBB2_14:
0x139: {  	s22 =	sadd.s32 $0x8, s22  }
0x13a: {  	s0 =	sand.u32 $0x1C00, s25;
	s2 =	ssub.s32 s21, s23;
	v8 =	vld [tilespmem:s26+$0x20];
	[tilespmem:s19+$0x70] =	vst v5;
	s21 =	sshll.u32 s22, $0x4  }
0x13b: {  	s26 =	sshll.u32 s22, $0x1;
	s2 =	sor.u32 s17, s2;
	v5 =	vld [tilespmem:s20+$0x1C00];
	[tilespmem:s31+$0x0] =	vst v6;
	p0 =	slt.u32 s22, $0x3F8  }
0x13c: {  	v9 =	vperm.xlane v1, v0;
	s21 =	sand.u32 $0x2000, s21;
	s29 =	sand.u32 $0x380, s26;
	s26 =	sand.u32 $0x1C00, s28;
	v6 =	vld [tilespmem:s2+$0x1C70];
	v1 =	vperm.xlane v2, v0;
	[tilespmem:s19+$0x40] =	vst v7  }
0x13d: {  	s19 =	sor.u32 s17, s30;
	s2 =	sor.u32 s26, s21;
	s31 =	ssub.s32 s21, s0;
	v3 =	vperm.xlane v3, v0;
	v7 =	vld [tilespmem:s20+$0x1C30]  }
.Ltmp6:
0x13e: {  	s26 =	sor.u32 s29, s2;
	s20 =	sor.u32 s29, s31;
	v4 =	vperm.xlane v4, v0;
	[tilespmem:s19+$0x60] =	vst v1;
	(pc) =	sbr.rel @p0 .LBB2_14-.Ltmp6, $4  }
0x13f: {  	s2 =	smov.u32 s17;
	s17 =	smov.u32 s29;
	v1 =	vld [tilespmem:s26+$0x50];
	[tilespmem:s19+$0x20] =	vst v9;
	v8 =	vperm.xlane v8, v0  }
0x140: {  	s24 =	sadd.s32 $0x80, s24;
	s29 =	sor.u32 s23, s18;
	s18 =	sor.u32 $0xC000, s21;
	v2 =	vld [tilespmem:s20+$0x1C10];
	[tilespmem:s19+$0x30] =	vst v3;
	v5 =	vperm.xlane v5, v0  }
0x141: {  	s25 =	sadd.s32 $0x400, s25;
	s23 =	sshll.u32 s24, $0x3;
	s30 =	sor.u32 s0, s18;
	v3 =	vld [tilespmem:s26+$0x40];
	v6 =	vperm.xlane v6, v0;
	[tilespmem:s19+$0x10] =	vst v4  }
0x142: {  	s28 =	sadd.s32 $0xFFFFFC00, s28;
	s23 =	sand.u32 $0x1C00, s23;
	s31 =	sor.u32 s2, s29;
	v4 =	vld [tilespmem:s26+$0x60];
	v7 =	vperm.xlane v7, v0;
	[tilespmem:s19+$0x50] =	vst v8  }
0x143: {  	s0 =	ssub.s32 s21, s23;
	v8 =	vld [tilespmem:s26+$0x20];
	[tilespmem:s19+$0x70] =	vst v5  }
0x144: {  	v5 =	vld [tilespmem:s20+$0x1C00];
	[tilespmem:s31+$0x0] =	vst v6;
	s0 =	sor.u32 s17, s0;
	v1 =	vperm.xlane v1, v0  }
0x145: {  	s24 =	sor.u32 s17, s30;
	[tilespmem:s19+$0x40] =	vst v7;
	v2 =	vperm.xlane v2, v0;
	v6 =	vld [tilespmem:s0+$0x1C70]  }
0x146: {  	v7 =	vld [tilespmem:s20+$0x1C30];
	v3 =	vperm.xlane v3, v0;
	[tilespmem:s24+$0x20] =	vst v1  }
0x147: {  	[tilespmem:s24+$0x60] =	vst v2;
	v2 =	vperm.xlane v4, v0  }
0x148: {  	v1 =	vperm.xlane v8, v0;
	[tilespmem:s24+$0x30] =	vst v3  }
0x149: {  	v3 =	vperm.xlane v5, v0;
	[tilespmem:s24+$0x10] =	vst v2  }
0x14a: {  	s2 =	sor.u32 s23, s18;
	v2 =	vperm.xlane v6, v0;
	[tilespmem:s24+$0x50] =	vst v1  }
0x14b: {  	s2 =	sor.u32 s17, s2;
	v1 =	vperm.xlane v7, v0;
	[tilespmem:s24+$0x70] =	vst v3  }
0x14c: {  	[tilespmem:s2+$0x0] =	vst v2  }
0x14d: {  	[tilespmem:s24+$0x40] =	vst v1  }
0x14e: {  	s25 =	simm.s32 $0x0;
	s2 =	rddreg [dreg:$0x10]  }
0x14f: {  	[hbm4b:s2+s25] =	stream.linear.scatter [tilespmem:s8], [sflag:$0x4], $0x4000, $0x38;
	[tilespmem:$0x18000] =	vst v63  }
0x150: {  	s29 =	simm.s32 $0x1C00;
	_ =	swait.ge [sflag:s9], $0x4000  }
0x151: {  	s18 =	simm.s32 $0x0;
	s19 =	simm.s32 $0x0;
	[sflag:s9] =	ssyncset.done $0x0  }
0x152: {  	s17 =	sand.u32 $0x2000, s18;
	s26 =	rddreg [dreg:$0x11];
	[sflag:s9] =	ssyncadd.s32 $0xFFFFC000  }
0x153: {  	[tilespmem:s25], [sflag:$0x1] =	stream.linear.gather [hbm4b:s26+s25], $0x4000, $0x38;
	[tilespmem:$0x18000] =	vst v63  }
0x154: {  	s0 =	sand.u32 $0x1C00, s25;
	s2 =	sand.u32 $0x1C00, s29;
	_ =	swait.ge [sflag:s14], $0x4000  }
0x155: {  	s29 =	sand.u32 $0x380, s19;
	s2 =	sor.u32 s2, s17;
	[sflag:s14] =	ssyncset.done $0x0  }
0x156: {  	s20 =	ssub.s32 s17, s0;
	s2 =	sor.u32 s29, s2;
	[sflag:s14] =	ssyncadd.s32 $0xFFFFC000  }
0x157: {  	s18 =	sor.u32 s29, s20;
	v1 =	vld [tilespmem:s2+$0x4050]  }
0x158: {  	v2 =	vld [tilespmem:s18+$0x5C10]  }
0x159: {  	s21 =	simm.s32 $0x0;
	v3 =	vld [tilespmem:s2+$0x4040]  }
0x15a: {  	s22 =	simm.s32 $0x400;
	s23 =	sor.u32 $0x10000, s17;
	s24 =	sand.u32 $0x1C00, s21;
	v4 =	vld [tilespmem:s2+$0x4060]  }
0x15b: {  	s0 =	sor.u32 s0, s23;
	s17 =	ssub.s32 s17, s24;
	s26 =	simm.s32 $0x80;
	v5 =	vld [tilespmem:s2+$0x4020]  }
0x15c: {  	s17 =	sor.u32 s29, s17;
	s25 =	simm.s32 $0x1800;
	s21 =	sand.u32 $0x2000, s26;
	v6 =	vld [tilespmem:s18+$0x5C00]  }
0x15d: {  	s20 =	sand.u32 $0x1C00, s25;
	s2 =	sand.u32 $0x1C00, s22;
	s22 =	simm.s32 $0x10;
	v7 =	vld [tilespmem:s17+$0x5C70];
	v2 =	vperm.xlane v2, v0  }
0x15e: {  	s19 =	sor.u32 s29, s0;
	s20 =	sor.u32 s20, s21;
	v9 =	vld [tilespmem:s18+$0x5C30];
	s17 =	sand.u32 $0x380, s22;
	v8 =	vperm.xlane v1, v0  }
0x15f: {  	s25 =	ssub.s32 s21, s2;
	s26 =	sor.u32 s17, s20;
	v3 =	vperm.xlane v3, v0;
	[tilespmem:s19+$0x60] =	vst v2  }
0x160: {  	s28 =	simm.s32 $0x1400;
	s20 =	sor.u32 s17, s25;
	v4 =	vperm.xlane v4, v0;
	v1 =	vld [tilespmem:s26+$0x4050];
	[tilespmem:s19+$0x20] =	vst v8  }
0x161: {  	s0 =	sor.u32 s24, s23;
	s24 =	simm.s32 $0x80;
	s23 =	simm.s32 $0x400;
	v8 =	vperm.xlane v5, v0;
	v2 =	vld [tilespmem:s20+$0x5C10];
	[tilespmem:s19+$0x30] =	vst v3  }
0x162: {  	s23 =	sand.u32 $0x1C00, s23;
	s31 =	sor.u32 s29, s0;
	s18 =	sor.u32 $0x10000, s21;
	v5 =	vperm.xlane v6, v0;
	v3 =	vld [tilespmem:s26+$0x4040];
	[tilespmem:s19+$0x10] =	vst v4  }
0x163: {  	s22 =	simm.s32 $0x8;
	s30 =	sor.u32 s2, s18;
	s25 =	simm.s32 $0x800;
	v6 =	vperm.xlane v7, v0;
	v4 =	vld [tilespmem:s26+$0x4060];
	v7 =	vperm.xlane v9, v0;
	[tilespmem:s19+$0x50] =	vst v8  }
.LBB2_16:
0x164: {  	s22 =	sadd.s32 $0x8, s22  }
0x165: {  	s0 =	sand.u32 $0x1C00, s25;
	s2 =	ssub.s32 s21, s23;
	v8 =	vld [tilespmem:s26+$0x4020];
	[tilespmem:s19+$0x70] =	vst v5;
	s21 =	sshll.u32 s22, $0x4  }
0x166: {  	s26 =	sshll.u32 s22, $0x1;
	s2 =	sor.u32 s17, s2;
	v5 =	vld [tilespmem:s20+$0x5C00];
	[tilespmem:s31+$0x0] =	vst v6;
	p0 =	slt.u32 s22, $0x3F8  }
0x167: {  	v9 =	vperm.xlane v1, v0;
	s21 =	sand.u32 $0x2000, s21;
	s29 =	sand.u32 $0x380, s26;
	s26 =	sand.u32 $0x1C00, s28;
	v6 =	vld [tilespmem:s2+$0x5C70];
	v1 =	vperm.xlane v2, v0;
	[tilespmem:s19+$0x40] =	vst v7  }
0x168: {  	s19 =	sor.u32 s17, s30;
	s2 =	sor.u32 s26, s21;
	s31 =	ssub.s32 s21, s0;
	v3 =	vperm.xlane v3, v0;
	v7 =	vld [tilespmem:s20+$0x5C30]  }
.Ltmp7:
0x169: {  	s26 =	sor.u32 s29, s2;
	s20 =	sor.u32 s29, s31;
	v4 =	vperm.xlane v4, v0;
	[tilespmem:s19+$0x60] =	vst v1;
	(pc) =	sbr.rel @p0 .LBB2_16-.Ltmp7, $4  }
0x16a: {  	s2 =	smov.u32 s17;
	s17 =	smov.u32 s29;
	v1 =	vld [tilespmem:s26+$0x4050];
	[tilespmem:s19+$0x20] =	vst v9;
	v8 =	vperm.xlane v8, v0  }
0x16b: {  	s24 =	sadd.s32 $0x80, s24;
	s29 =	sor.u32 s23, s18;
	s18 =	sor.u32 $0x10000, s21;
	v2 =	vld [tilespmem:s20+$0x5C10];
	[tilespmem:s19+$0x30] =	vst v3;
	v5 =	vperm.xlane v5, v0  }
0x16c: {  	s25 =	sadd.s32 $0x400, s25;
	s23 =	sshll.u32 s24, $0x3;
	s30 =	sor.u32 s0, s18;
	v3 =	vld [tilespmem:s26+$0x4040];
	v6 =	vperm.xlane v6, v0;
	[tilespmem:s19+$0x10] =	vst v4  }
0x16d: {  	s28 =	sadd.s32 $0xFFFFFC00, s28;
	s23 =	sand.u32 $0x1C00, s23;
	s31 =	sor.u32 s2, s29;
	v4 =	vld [tilespmem:s26+$0x4060];
	v7 =	vperm.xlane v7, v0;
	[tilespmem:s19+$0x50] =	vst v8  }
0x16e: {  	s0 =	ssub.s32 s21, s23;
	v8 =	vld [tilespmem:s26+$0x4020];
	[tilespmem:s19+$0x70] =	vst v5  }
0x16f: {  	v5 =	vld [tilespmem:s20+$0x5C00];
	[tilespmem:s31+$0x0] =	vst v6;
	s0 =	sor.u32 s17, s0;
	v1 =	vperm.xlane v1, v0  }
0x170: {  	s24 =	sor.u32 s17, s30;
	[tilespmem:s19+$0x40] =	vst v7;
	v2 =	vperm.xlane v2, v0;
	v6 =	vld [tilespmem:s0+$0x5C70]  }
0x171: {  	v7 =	vld [tilespmem:s20+$0x5C30];
	v3 =	vperm.xlane v3, v0;
	[tilespmem:s24+$0x20] =	vst v1  }
0x172: {  	[tilespmem:s24+$0x60] =	vst v2;
	v2 =	vperm.xlane v4, v0  }
0x173: {  	v1 =	vperm.xlane v8, v0;
	[tilespmem:s24+$0x30] =	vst v3  }
0x174: {  	v3 =	vperm.xlane v5, v0;
	[tilespmem:s24+$0x10] =	vst v2  }
0x175: {  	s2 =	sor.u32 s23, s18;
	v2 =	vperm.xlane v6, v0;
	[tilespmem:s24+$0x50] =	vst v1  }
0x176: {  	s2 =	sor.u32 s17, s2;
	v1 =	vperm.xlane v7, v0;
	[tilespmem:s24+$0x70] =	vst v3  }
0x177: {  	[tilespmem:s2+$0x0] =	vst v2  }
0x178: {  	[tilespmem:s24+$0x40] =	vst v1  }
0x179: {  	s25 =	simm.s32 $0x0;
	s2 =	rddreg [dreg:$0x12]  }
0x17a: {  	[hbm4b:s2+s25] =	stream.linear.scatter [tilespmem:s10], [sflag:$0x5], $0x4000, $0x38;
	[tilespmem:$0x18000] =	vst v63  }
0x17b: {  	s29 =	simm.s32 $0x1C00;
	_ =	swait.ge [sflag:s11], $0x4000  }
0x17c: {  	s18 =	simm.s32 $0x0;
	s19 =	simm.s32 $0x0;
	[sflag:s11] =	ssyncset.done $0x0  }
0x17d: {  	s17 =	sand.u32 $0x2000, s18;
	s26 =	rddreg [dreg:$0x13];
	[sflag:s11] =	ssyncadd.s32 $0xFFFFC000  }
0x17e: {  	[tilespmem:s5], [sflag:$0x2] =	stream.linear.gather [hbm4b:s26+s25], $0x4000, $0x38;
	[tilespmem:$0x18000] =	vst v63  }
0x17f: {  	s0 =	sand.u32 $0x1C00, s25;
	s2 =	sand.u32 $0x1C00, s29;
	_ =	swait.ge [sflag:s15], $0x4000  }
0x180: {  	s29 =	sand.u32 $0x380, s19;
	s2 =	sor.u32 s2, s17;
	[sflag:s15] =	ssyncset.done $0x0  }
0x181: {  	s20 =	ssub.s32 s17, s0;
	s2 =	sor.u32 s29, s2;
	[sflag:s15] =	ssyncadd.s32 $0xFFFFC000  }
0x182: {  	s18 =	sor.u32 s29, s20;
	v1 =	vld [tilespmem:s2+$0x8050]  }
0x183: {  	v2 =	vld [tilespmem:s18+$0x9C10]  }
0x184: {  	s21 =	simm.s32 $0x0;
	v3 =	vld [tilespmem:s2+$0x8040]  }
0x185: {  	s22 =	simm.s32 $0x400;
	s23 =	sor.u32 $0x14000, s17;
	s24 =	sand.u32 $0x1C00, s21;
	v4 =	vld [tilespmem:s2+$0x8060]  }
0x186: {  	s0 =	sor.u32 s0, s23;
	s17 =	ssub.s32 s17, s24;
	s26 =	simm.s32 $0x80;
	v5 =	vld [tilespmem:s2+$0x8020]  }
0x187: {  	s17 =	sor.u32 s29, s17;
	s25 =	simm.s32 $0x1800;
	s21 =	sand.u32 $0x2000, s26;
	v6 =	vld [tilespmem:s18+$0x9C00]  }
0x188: {  	s20 =	sand.u32 $0x1C00, s25;
	s2 =	sand.u32 $0x1C00, s22;
	s22 =	simm.s32 $0x10;
	v7 =	vld [tilespmem:s17+$0x9C70];
	v2 =	vperm.xlane v2, v0  }
0x189: {  	s19 =	sor.u32 s29, s0;
	s20 =	sor.u32 s20, s21;
	v9 =	vld [tilespmem:s18+$0x9C30];
	s17 =	sand.u32 $0x380, s22;
	v8 =	vperm.xlane v1, v0  }
0x18a: {  	s25 =	ssub.s32 s21, s2;
	s26 =	sor.u32 s17, s20;
	v3 =	vperm.xlane v3, v0;
	[tilespmem:s19+$0x60] =	vst v2  }
0x18b: {  	s28 =	simm.s32 $0x1400;
	s20 =	sor.u32 s17, s25;
	v4 =	vperm.xlane v4, v0;
	v1 =	vld [tilespmem:s26+$0x8050];
	[tilespmem:s19+$0x20] =	vst v8  }
0x18c: {  	s0 =	sor.u32 s24, s23;
	s24 =	simm.s32 $0x80;
	s23 =	simm.s32 $0x400;
	v8 =	vperm.xlane v5, v0;
	v2 =	vld [tilespmem:s20+$0x9C10];
	[tilespmem:s19+$0x30] =	vst v3  }
0x18d: {  	s23 =	sand.u32 $0x1C00, s23;
	s31 =	sor.u32 s29, s0;
	s18 =	sor.u32 $0x14000, s21;
	v5 =	vperm.xlane v6, v0;
	v3 =	vld [tilespmem:s26+$0x8040];
	[tilespmem:s19+$0x10] =	vst v4  }
0x18e: {  	s22 =	simm.s32 $0x8;
	s30 =	sor.u32 s2, s18;
	s25 =	simm.s32 $0x800;
	v6 =	vperm.xlane v7, v0;
	v4 =	vld [tilespmem:s26+$0x8060];
	v7 =	vperm.xlane v9, v0;
	[tilespmem:s19+$0x50] =	vst v8  }
.LBB2_18:
0x18f: {  	s22 =	sadd.s32 $0x8, s22  }
0x190: {  	s0 =	sand.u32 $0x1C00, s25;
	s2 =	ssub.s32 s21, s23;
	v8 =	vld [tilespmem:s26+$0x8020];
	[tilespmem:s19+$0x70] =	vst v5;
	s21 =	sshll.u32 s22, $0x4  }
0x191: {  	s26 =	sshll.u32 s22, $0x1;
	s2 =	sor.u32 s17, s2;
	v5 =	vld [tilespmem:s20+$0x9C00];
	[tilespmem:s31+$0x0] =	vst v6;
	p0 =	slt.u32 s22, $0x3F8  }
0x192: {  	v9 =	vperm.xlane v1, v0;
	s21 =	sand.u32 $0x2000, s21;
	s29 =	sand.u32 $0x380, s26;
	s26 =	sand.u32 $0x1C00, s28;
	v6 =	vld [tilespmem:s2+$0x9C70];
	v1 =	vperm.xlane v2, v0;
	[tilespmem:s19+$0x40] =	vst v7  }
0x193: {  	s19 =	sor.u32 s17, s30;
	s2 =	sor.u32 s26, s21;
	s31 =	ssub.s32 s21, s0;
	v3 =	vperm.xlane v3, v0;
	v7 =	vld [tilespmem:s20+$0x9C30]  }
.Ltmp8:
0x194: {  	s26 =	sor.u32 s29, s2;
	s20 =	sor.u32 s29, s31;
	v4 =	vperm.xlane v4, v0;
	[tilespmem:s19+$0x60] =	vst v1;
	(pc) =	sbr.rel @p0 .LBB2_18-.Ltmp8, $4  }
0x195: {  	s2 =	smov.u32 s17;
	s17 =	smov.u32 s29;
	v1 =	vld [tilespmem:s26+$0x8050];
	[tilespmem:s19+$0x20] =	vst v9;
	v8 =	vperm.xlane v8, v0  }
0x196: {  	s24 =	sadd.s32 $0x80, s24;
	s29 =	sor.u32 s23, s18;
	s18 =	sor.u32 $0x14000, s21;
	v2 =	vld [tilespmem:s20+$0x9C10];
	[tilespmem:s19+$0x30] =	vst v3;
	v5 =	vperm.xlane v5, v0  }
0x197: {  	s25 =	sadd.s32 $0x400, s25;
	s23 =	sshll.u32 s24, $0x3;
	s30 =	sor.u32 s0, s18;
	v3 =	vld [tilespmem:s26+$0x8040];
	v6 =	vperm.xlane v6, v0;
	[tilespmem:s19+$0x10] =	vst v4  }
0x198: {  	s28 =	sadd.s32 $0xFFFFFC00, s28;
	s23 =	sand.u32 $0x1C00, s23;
	s31 =	sor.u32 s2, s29;
	v4 =	vld [tilespmem:s26+$0x8060];
	v7 =	vperm.xlane v7, v0;
	[tilespmem:s19+$0x50] =	vst v8  }
0x199: {  	s0 =	ssub.s32 s21, s23;
	v8 =	vld [tilespmem:s26+$0x8020];
	[tilespmem:s19+$0x70] =	vst v5  }
0x19a: {  	v5 =	vld [tilespmem:s20+$0x9C00];
	[tilespmem:s31+$0x0] =	vst v6;
	s0 =	sor.u32 s17, s0;
	v1 =	vperm.xlane v1, v0  }
0x19b: {  	s24 =	sor.u32 s17, s30;
	[tilespmem:s19+$0x40] =	vst v7;
	v2 =	vperm.xlane v2, v0;
	v6 =	vld [tilespmem:s0+$0x9C70]  }
0x19c: {  	v7 =	vld [tilespmem:s20+$0x9C30];
	v3 =	vperm.xlane v3, v0;
	[tilespmem:s24+$0x20] =	vst v1  }
0x19d: {  	[tilespmem:s24+$0x60] =	vst v2;
	v2 =	vperm.xlane v4, v0  }
0x19e: {  	v1 =	vperm.xlane v8, v0;
	[tilespmem:s24+$0x30] =	vst v3  }
0x19f: {  	v3 =	vperm.xlane v5, v0;
	[tilespmem:s24+$0x10] =	vst v2  }
0x1a0: {  	s2 =	sor.u32 s23, s18;
	v2 =	vperm.xlane v6, v0;
	[tilespmem:s24+$0x50] =	vst v1  }
0x1a1: {  	s2 =	sor.u32 s17, s2;
	v1 =	vperm.xlane v7, v0;
	[tilespmem:s24+$0x70] =	vst v3  }
0x1a2: {  	[tilespmem:s2+$0x0] =	vst v2  }
0x1a3: {  	[tilespmem:s24+$0x40] =	vst v1  }
0x1a4: {  	s25 =	simm.s32 $0x0;
	s2 =	rddreg [dreg:$0x14]  }
0x1a5: {  	[hbm4b:s2+s25] =	stream.linear.scatter [tilespmem:s12], [sflag:$0x6], $0x4000, $0x38;
	[tilespmem:$0x18000] =	vst v63  }
0x1a6: {  	s29 =	simm.s32 $0x1C00;
	_ =	swait.ge [sflag:s6], $0x4000  }
0x1a7: {  	s18 =	simm.s32 $0x0;
	s19 =	simm.s32 $0x0;
	[sflag:s6] =	ssyncset.done $0x0  }
0x1a8: {  	s17 =	sand.u32 $0x2000, s18;
	s26 =	rddreg [dreg:$0x17];
	[sflag:s6] =	ssyncadd.s32 $0xFFFFC000  }
0x1a9: {  	[tilespmem:s7], [sflag:$0x3] =	stream.linear.gather [hbm4b:s26+s25], $0x4000, $0x38;
	[tilespmem:$0x18000] =	vst v63  }
0x1aa: {  	s0 =	sand.u32 $0x1C00, s25;
	s2 =	sand.u32 $0x1C00, s29;
	_ =	swait.ge [sflag:s13], $0x4000  }
0x1ab: {  	s29 =	sand.u32 $0x380, s19;
	s2 =	sor.u32 s2, s17;
	[sflag:s13] =	ssyncset.done $0x0  }
0x1ac: {  	s20 =	ssub.s32 s17, s0;
	s2 =	sor.u32 s29, s2;
	[sflag:s13] =	ssyncadd.s32 $0xFFFFC000  }
0x1ad: {  	s18 =	sor.u32 s29, s20;
	v1 =	vld [tilespmem:s2+$0x50]  }
0x1ae: {  	v2 =	vld [tilespmem:s18+$0x1C10]  }
0x1af: {  	s21 =	simm.s32 $0x0;
	v3 =	vld [tilespmem:s2+$0x40]  }
0x1b0: {  	s22 =	simm.s32 $0x400;
	s23 =	sor.u32 $0xC000, s17;
	s24 =	sand.u32 $0x1C00, s21;
	v4 =	vld [tilespmem:s2+$0x60]  }
0x1b1: {  	s0 =	sor.u32 s0, s23;
	s17 =	ssub.s32 s17, s24;
	s26 =	simm.s32 $0x80;
	v5 =	vld [tilespmem:s2+$0x20]  }
0x1b2: {  	s17 =	sor.u32 s29, s17;
	s25 =	simm.s32 $0x1800;
	s21 =	sand.u32 $0x2000, s26;
	v6 =	vld [tilespmem:s18+$0x1C00]  }
0x1b3: {  	s20 =	sand.u32 $0x1C00, s25;
	s2 =	sand.u32 $0x1C00, s22;
	s22 =	simm.s32 $0x10;
	v7 =	vld [tilespmem:s17+$0x1C70];
	v2 =	vperm.xlane v2, v0  }
0x1b4: {  	s19 =	sor.u32 s29, s0;
	s20 =	sor.u32 s20, s21;
	v9 =	vld [tilespmem:s18+$0x1C30];
	s17 =	sand.u32 $0x380, s22;
	v8 =	vperm.xlane v1, v0  }
0x1b5: {  	s25 =	ssub.s32 s21, s2;
	s26 =	sor.u32 s17, s20;
	v3 =	vperm.xlane v3, v0;
	[tilespmem:s19+$0x60] =	vst v2  }
0x1b6: {  	s28 =	simm.s32 $0x1400;
	s20 =	sor.u32 s17, s25;
	v4 =	vperm.xlane v4, v0;
	v1 =	vld [tilespmem:s26+$0x50];
	[tilespmem:s19+$0x20] =	vst v8  }
0x1b7: {  	s0 =	sor.u32 s24, s23;
	s24 =	simm.s32 $0x80;
	s23 =	simm.s32 $0x400;
	v8 =	vperm.xlane v5, v0;
	v2 =	vld [tilespmem:s20+$0x1C10];
	[tilespmem:s19+$0x30] =	vst v3  }
0x1b8: {  	s23 =	sand.u32 $0x1C00, s23;
	s31 =	sor.u32 s29, s0;
	s18 =	sor.u32 $0xC000, s21;
	v5 =	vperm.xlane v6, v0;
	v3 =	vld [tilespmem:s26+$0x40];
	[tilespmem:s19+$0x10] =	vst v4  }
0x1b9: {  	s22 =	simm.s32 $0x8;
	s30 =	sor.u32 s2, s18;
	s25 =	simm.s32 $0x800;
	v6 =	vperm.xlane v7, v0;
	v4 =	vld [tilespmem:s26+$0x60];
	v7 =	vperm.xlane v9, v0;
	[tilespmem:s19+$0x50] =	vst v8  }
.LBB2_20:
0x1ba: {  	s22 =	sadd.s32 $0x8, s22  }
0x1bb: {  	s0 =	sand.u32 $0x1C00, s25;
	s2 =	ssub.s32 s21, s23;
	v8 =	vld [tilespmem:s26+$0x20];
	[tilespmem:s19+$0x70] =	vst v5;
	s21 =	sshll.u32 s22, $0x4  }
0x1bc: {  	s26 =	sshll.u32 s22, $0x1;
	s2 =	sor.u32 s17, s2;
	v5 =	vld [tilespmem:s20+$0x1C00];
	[tilespmem:s31+$0x0] =	vst v6;
	p0 =	slt.u32 s22, $0x3F8  }
0x1bd: {  	v9 =	vperm.xlane v1, v0;
	s21 =	sand.u32 $0x2000, s21;
	s29 =	sand.u32 $0x380, s26;
	s26 =	sand.u32 $0x1C00, s28;
	v6 =	vld [tilespmem:s2+$0x1C70];
	v1 =	vperm.xlane v2, v0;
	[tilespmem:s19+$0x40] =	vst v7  }
0x1be: {  	s19 =	sor.u32 s17, s30;
	s2 =	sor.u32 s26, s21;
	s31 =	ssub.s32 s21, s0;
	v3 =	vperm.xlane v3, v0;
	v7 =	vld [tilespmem:s20+$0x1C30]  }
.Ltmp9:
0x1bf: {  	s26 =	sor.u32 s29, s2;
	s20 =	sor.u32 s29, s31;
	v4 =	vperm.xlane v4, v0;
	[tilespmem:s19+$0x60] =	vst v1;
	(pc) =	sbr.rel @p0 .LBB2_20-.Ltmp9, $4  }
0x1c0: {  	s2 =	smov.u32 s17;
	s17 =	smov.u32 s29;
	v1 =	vld [tilespmem:s26+$0x50];
	[tilespmem:s19+$0x20] =	vst v9;
	v8 =	vperm.xlane v8, v0  }
0x1c1: {  	s24 =	sadd.s32 $0x80, s24;
	s29 =	sor.u32 s23, s18;
	s18 =	sor.u32 $0xC000, s21;
	v2 =	vld [tilespmem:s20+$0x1C10];
	[tilespmem:s19+$0x30] =	vst v3;
	v5 =	vperm.xlane v5, v0  }
0x1c2: {  	s25 =	sadd.s32 $0x400, s25;
	s23 =	sshll.u32 s24, $0x3;
	s30 =	sor.u32 s0, s18;
	v3 =	vld [tilespmem:s26+$0x40];
	v6 =	vperm.xlane v6, v0;
	[tilespmem:s19+$0x10] =	vst v4  }
0x1c3: {  	s28 =	sadd.s32 $0xFFFFFC00, s28;
	s23 =	sand.u32 $0x1C00, s23;
	s31 =	sor.u32 s2, s29;
	v4 =	vld [tilespmem:s26+$0x60];
	v7 =	vperm.xlane v7, v0;
	[tilespmem:s19+$0x50] =	vst v8  }
0x1c4: {  	s0 =	ssub.s32 s21, s23;
	v8 =	vld [tilespmem:s26+$0x20];
	[tilespmem:s19+$0x70] =	vst v5  }
0x1c5: {  	v5 =	vld [tilespmem:s20+$0x1C00];
	[tilespmem:s31+$0x0] =	vst v6;
	s0 =	sor.u32 s17, s0;
	v1 =	vperm.xlane v1, v0  }
0x1c6: {  	s24 =	sor.u32 s17, s30;
	[tilespmem:s19+$0x40] =	vst v7;
	v2 =	vperm.xlane v2, v0;
	v6 =	vld [tilespmem:s0+$0x1C70]  }
0x1c7: {  	v7 =	vld [tilespmem:s20+$0x1C30];
	v3 =	vperm.xlane v3, v0;
	[tilespmem:s24+$0x20] =	vst v1  }
0x1c8: {  	[tilespmem:s24+$0x60] =	vst v2;
	v2 =	vperm.xlane v4, v0  }
0x1c9: {  	v1 =	vperm.xlane v8, v0;
	[tilespmem:s24+$0x30] =	vst v3  }
0x1ca: {  	v3 =	vperm.xlane v5, v0;
	[tilespmem:s24+$0x10] =	vst v2  }
0x1cb: {  	s2 =	sor.u32 s23, s18;
	v2 =	vperm.xlane v6, v0;
	[tilespmem:s24+$0x50] =	vst v1  }
0x1cc: {  	s2 =	sor.u32 s17, s2;
	v1 =	vperm.xlane v7, v0;
	[tilespmem:s24+$0x70] =	vst v3  }
0x1cd: {  	[tilespmem:s2+$0x0] =	vst v2  }
0x1ce: {  	[tilespmem:s24+$0x40] =	vst v1  }
0x1cf: {  	s25 =	simm.s32 $0x0;
	s2 =	rddreg [dreg:$0x15]  }
0x1d0: {  	[hbm4b:s2+s25] =	stream.linear.scatter [tilespmem:s8], [sflag:$0x4], $0x4000, $0x38;
	[tilespmem:$0x18000] =	vst v63  }
0x1d1: {  	s29 =	simm.s32 $0x1C00;
	_ =	swait.ge [sflag:s9], $0x4000  }
0x1d2: {  	s18 =	simm.s32 $0x0;
	s19 =	simm.s32 $0x0;
	[sflag:s9] =	ssyncset.done $0x0  }
0x1d3: {  	s17 =	sand.u32 $0x2000, s18;
	s26 =	rddreg [dreg:$0x19];
	[sflag:s9] =	ssyncadd.s32 $0xFFFFC000  }
0x1d4: {  	[tilespmem:s25], [sflag:$0x1] =	stream.linear.gather [hbm4b:s26+s25], $0x4000, $0x38;
	[tilespmem:$0x18000] =	vst v63  }
0x1d5: {  	s0 =	sand.u32 $0x1C00, s25;
	s2 =	sand.u32 $0x1C00, s29;
	_ =	swait.ge [sflag:s14], $0x4000  }
0x1d6: {  	s29 =	sand.u32 $0x380, s19;
	s2 =	sor.u32 s2, s17;
	[sflag:s14] =	ssyncset.done $0x0  }
0x1d7: {  	s20 =	ssub.s32 s17, s0;
	s2 =	sor.u32 s29, s2;
	[sflag:s14] =	ssyncadd.s32 $0xFFFFC000  }
0x1d8: {  	s18 =	sor.u32 s29, s20;
	v1 =	vld [tilespmem:s2+$0x4050]  }
0x1d9: {  	v2 =	vld [tilespmem:s18+$0x5C10]  }
0x1da: {  	s21 =	simm.s32 $0x0;
	v3 =	vld [tilespmem:s2+$0x4040]  }
0x1db: {  	s22 =	simm.s32 $0x400;
	s23 =	sor.u32 $0x10000, s17;
	s24 =	sand.u32 $0x1C00, s21;
	v4 =	vld [tilespmem:s2+$0x4060]  }
0x1dc: {  	s0 =	sor.u32 s0, s23;
	s17 =	ssub.s32 s17, s24;
	s26 =	simm.s32 $0x80;
	v5 =	vld [tilespmem:s2+$0x4020]  }
0x1dd: {  	s17 =	sor.u32 s29, s17;
	s25 =	simm.s32 $0x1800;
	s21 =	sand.u32 $0x2000, s26;
	v6 =	vld [tilespmem:s18+$0x5C00]  }
0x1de: {  	s20 =	sand.u32 $0x1C00, s25;
	s2 =	sand.u32 $0x1C00, s22;
	s22 =	simm.s32 $0x10;
	v7 =	vld [tilespmem:s17+$0x5C70];
	v2 =	vperm.xlane v2, v0  }
0x1df: {  	s19 =	sor.u32 s29, s0;
	s20 =	sor.u32 s20, s21;
	v9 =	vld [tilespmem:s18+$0x5C30];
	s17 =	sand.u32 $0x380, s22;
	v8 =	vperm.xlane v1, v0  }
0x1e0: {  	s25 =	ssub.s32 s21, s2;
	s26 =	sor.u32 s17, s20;
	v3 =	vperm.xlane v3, v0;
	[tilespmem:s19+$0x60] =	vst v2  }
0x1e1: {  	s28 =	simm.s32 $0x1400;
	s20 =	sor.u32 s17, s25;
	v4 =	vperm.xlane v4, v0;
	v1 =	vld [tilespmem:s26+$0x4050];
	[tilespmem:s19+$0x20] =	vst v8  }
0x1e2: {  	s0 =	sor.u32 s24, s23;
	s24 =	simm.s32 $0x80;
	s23 =	simm.s32 $0x400;
	v8 =	vperm.xlane v5, v0;
	v2 =	vld [tilespmem:s20+$0x5C10];
	[tilespmem:s19+$0x30] =	vst v3  }
0x1e3: {  	s23 =	sand.u32 $0x1C00, s23;
	s31 =	sor.u32 s29, s0;
	s18 =	sor.u32 $0x10000, s21;
	v5 =	vperm.xlane v6, v0;
	v3 =	vld [tilespmem:s26+$0x4040];
	[tilespmem:s19+$0x10] =	vst v4  }
0x1e4: {  	s22 =	simm.s32 $0x8;
	s30 =	sor.u32 s2, s18;
	s25 =	simm.s32 $0x800;
	v6 =	vperm.xlane v7, v0;
	v4 =	vld [tilespmem:s26+$0x4060];
	v7 =	vperm.xlane v9, v0;
	[tilespmem:s19+$0x50] =	vst v8  }
.LBB2_22:
0x1e5: {  	s22 =	sadd.s32 $0x8, s22  }
0x1e6: {  	s0 =	sand.u32 $0x1C00, s25;
	s2 =	ssub.s32 s21, s23;
	v8 =	vld [tilespmem:s26+$0x4020];
	[tilespmem:s19+$0x70] =	vst v5;
	s21 =	sshll.u32 s22, $0x4  }
0x1e7: {  	s26 =	sshll.u32 s22, $0x1;
	s2 =	sor.u32 s17, s2;
	v5 =	vld [tilespmem:s20+$0x5C00];
	[tilespmem:s31+$0x0] =	vst v6;
	p0 =	slt.u32 s22, $0x3F8  }
0x1e8: {  	v9 =	vperm.xlane v1, v0;
	s21 =	sand.u32 $0x2000, s21;
	s29 =	sand.u32 $0x380, s26;
	s26 =	sand.u32 $0x1C00, s28;
	v6 =	vld [tilespmem:s2+$0x5C70];
	v1 =	vperm.xlane v2, v0;
	[tilespmem:s19+$0x40] =	vst v7  }
0x1e9: {  	s19 =	sor.u32 s17, s30;
	s2 =	sor.u32 s26, s21;
	s31 =	ssub.s32 s21, s0;
	v3 =	vperm.xlane v3, v0;
	v7 =	vld [tilespmem:s20+$0x5C30]  }
.Ltmp10:
0x1ea: {  	s26 =	sor.u32 s29, s2;
	s20 =	sor.u32 s29, s31;
	v4 =	vperm.xlane v4, v0;
	[tilespmem:s19+$0x60] =	vst v1;
	(pc) =	sbr.rel @p0 .LBB2_22-.Ltmp10, $4  }
0x1eb: {  	s2 =	smov.u32 s17;
	s17 =	smov.u32 s29;
	v1 =	vld [tilespmem:s26+$0x4050];
	[tilespmem:s19+$0x20] =	vst v9;
	v8 =	vperm.xlane v8, v0  }
0x1ec: {  	s24 =	sadd.s32 $0x80, s24;
	s29 =	sor.u32 s23, s18;
	s18 =	sor.u32 $0x10000, s21;
	v2 =	vld [tilespmem:s20+$0x5C10];
	[tilespmem:s19+$0x30] =	vst v3;
	v5 =	vperm.xlane v5, v0  }
0x1ed: {  	s25 =	sadd.s32 $0x400, s25;
	s23 =	sshll.u32 s24, $0x3;
	s30 =	sor.u32 s0, s18;
	v3 =	vld [tilespmem:s26+$0x4040];
	v6 =	vperm.xlane v6, v0;
	[tilespmem:s19+$0x10] =	vst v4  }
0x1ee: {  	s28 =	sadd.s32 $0xFFFFFC00, s28;
	s23 =	sand.u32 $0x1C00, s23;
	s31 =	sor.u32 s2, s29;
	v4 =	vld [tilespmem:s26+$0x4060];
	v7 =	vperm.xlane v7, v0;
	[tilespmem:s19+$0x50] =	vst v8  }
0x1ef: {  	s0 =	ssub.s32 s21, s23;
	v8 =	vld [tilespmem:s26+$0x4020];
	[tilespmem:s19+$0x70] =	vst v5  }
0x1f0: {  	v5 =	vld [tilespmem:s20+$0x5C00];
	[tilespmem:s31+$0x0] =	vst v6;
	s0 =	sor.u32 s17, s0;
	v1 =	vperm.xlane v1, v0  }
0x1f1: {  	s24 =	sor.u32 s17, s30;
	[tilespmem:s19+$0x40] =	vst v7;
	v2 =	vperm.xlane v2, v0;
	v6 =	vld [tilespmem:s0+$0x5C70]  }
0x1f2: {  	v7 =	vld [tilespmem:s20+$0x5C30];
	v3 =	vperm.xlane v3, v0;
	[tilespmem:s24+$0x20] =	vst v1  }
0x1f3: {  	[tilespmem:s24+$0x60] =	vst v2;
	v2 =	vperm.xlane v4, v0  }
0x1f4: {  	v1 =	vperm.xlane v8, v0;
	[tilespmem:s24+$0x30] =	vst v3  }
0x1f5: {  	v3 =	vperm.xlane v5, v0;
	[tilespmem:s24+$0x10] =	vst v2  }
0x1f6: {  	s2 =	sor.u32 s23, s18;
	v2 =	vperm.xlane v6, v0;
	[tilespmem:s24+$0x50] =	vst v1  }
0x1f7: {  	s2 =	sor.u32 s17, s2;
	v1 =	vperm.xlane v7, v0;
	[tilespmem:s24+$0x70] =	vst v3  }
0x1f8: {  	[tilespmem:s2+$0x0] =	vst v2  }
0x1f9: {  	[tilespmem:s24+$0x40] =	vst v1  }
0x1fa: {  	s25 =	simm.s32 $0x0;
	s2 =	rddreg [dreg:$0x16]  }
0x1fb: {  	[hbm4b:s2+s25] =	stream.linear.scatter [tilespmem:s10], [sflag:$0x5], $0x4000, $0x38;
	[tilespmem:$0x18000] =	vst v63  }
0x1fc: {  	s29 =	simm.s32 $0x1C00;
	_ =	swait.ge [sflag:s11], $0x4000  }
0x1fd: {  	s18 =	simm.s32 $0x0;
	s19 =	simm.s32 $0x0;
	[sflag:s11] =	ssyncset.done $0x0  }
0x1fe: {  	s17 =	sand.u32 $0x2000, s18;
	s26 =	rddreg [dreg:$0x1d];
	[sflag:s11] =	ssyncadd.s32 $0xFFFFC000  }
0x1ff: {  	[tilespmem:s5], [sflag:$0x2] =	stream.linear.gather [hbm4b:s26+s25], $0x4000, $0x38;
	[tilespmem:$0x18000] =	vst v63  }
0x200: {  	s0 =	sand.u32 $0x1C00, s25;
	s2 =	sand.u32 $0x1C00, s29;
	_ =	swait.ge [sflag:s15], $0x4000  }
0x201: {  	s29 =	sand.u32 $0x380, s19;
	s2 =	sor.u32 s2, s17;
	[sflag:s15] =	ssyncset.done $0x0  }
0x202: {  	s20 =	ssub.s32 s17, s0;
	s2 =	sor.u32 s29, s2;
	[sflag:s15] =	ssyncadd.s32 $0xFFFFC000  }
0x203: {  	s18 =	sor.u32 s29, s20;
	v1 =	vld [tilespmem:s2+$0x8050]  }
0x204: {  	v2 =	vld [tilespmem:s18+$0x9C10]  }
0x205: {  	s21 =	simm.s32 $0x0;
	v3 =	vld [tilespmem:s2+$0x8040]  }
0x206: {  	s22 =	simm.s32 $0x400;
	s23 =	sor.u32 $0x14000, s17;
	s24 =	sand.u32 $0x1C00, s21;
	v4 =	vld [tilespmem:s2+$0x8060]  }
0x207: {  	s0 =	sor.u32 s0, s23;
	s17 =	ssub.s32 s17, s24;
	s26 =	simm.s32 $0x80;
	v5 =	vld [tilespmem:s2+$0x8020]  }
0x208: {  	s17 =	sor.u32 s29, s17;
	s25 =	simm.s32 $0x1800;
	s21 =	sand.u32 $0x2000, s26;
	v6 =	vld [tilespmem:s18+$0x9C00]  }
0x209: {  	s20 =	sand.u32 $0x1C00, s25;
	s2 =	sand.u32 $0x1C00, s22;
	s22 =	simm.s32 $0x10;
	v7 =	vld [tilespmem:s17+$0x9C70];
	v2 =	vperm.xlane v2, v0  }
0x20a: {  	s19 =	sor.u32 s29, s0;
	s20 =	sor.u32 s20, s21;
	v9 =	vld [tilespmem:s18+$0x9C30];
	s17 =	sand.u32 $0x380, s22;
	v8 =	vperm.xlane v1, v0  }
0x20b: {  	s25 =	ssub.s32 s21, s2;
	s26 =	sor.u32 s17, s20;
	v3 =	vperm.xlane v3, v0;
	[tilespmem:s19+$0x60] =	vst v2  }
0x20c: {  	s28 =	simm.s32 $0x1400;
	s20 =	sor.u32 s17, s25;
	v4 =	vperm.xlane v4, v0;
	v1 =	vld [tilespmem:s26+$0x8050];
	[tilespmem:s19+$0x20] =	vst v8  }
0x20d: {  	s0 =	sor.u32 s24, s23;
	s24 =	simm.s32 $0x80;
	s23 =	simm.s32 $0x400;
	v8 =	vperm.xlane v5, v0;
	v2 =	vld [tilespmem:s20+$0x9C10];
	[tilespmem:s19+$0x30] =	vst v3  }
0x20e: {  	s23 =	sand.u32 $0x1C00, s23;
	s31 =	sor.u32 s29, s0;
	s18 =	sor.u32 $0x14000, s21;
	v5 =	vperm.xlane v6, v0;
	v3 =	vld [tilespmem:s26+$0x8040];
	[tilespmem:s19+$0x10] =	vst v4  }
0x20f: {  	s22 =	simm.s32 $0x8;
	s30 =	sor.u32 s2, s18;
	s25 =	simm.s32 $0x800;
	v6 =	vperm.xlane v7, v0;
	v4 =	vld [tilespmem:s26+$0x8060];
	v7 =	vperm.xlane v9, v0;
	[tilespmem:s19+$0x50] =	vst v8  }
.LBB2_24:
0x210: {  	s22 =	sadd.s32 $0x8, s22  }
0x211: {  	s0 =	sand.u32 $0x1C00, s25;
	s2 =	ssub.s32 s21, s23;
	v8 =	vld [tilespmem:s26+$0x8020];
	[tilespmem:s19+$0x70] =	vst v5;
	s21 =	sshll.u32 s22, $0x4  }
0x212: {  	s26 =	sshll.u32 s22, $0x1;
	s2 =	sor.u32 s17, s2;
	v5 =	vld [tilespmem:s20+$0x9C00];
	[tilespmem:s31+$0x0] =	vst v6;
	p0 =	slt.u32 s22, $0x3F8  }
0x213: {  	v9 =	vperm.xlane v1, v0;
	s21 =	sand.u32 $0x2000, s21;
	s29 =	sand.u32 $0x380, s26;
	s26 =	sand.u32 $0x1C00, s28;
	v6 =	vld [tilespmem:s2+$0x9C70];
	v1 =	vperm.xlane v2, v0;
	[tilespmem:s19+$0x40] =	vst v7  }
0x214: {  	s19 =	sor.u32 s17, s30;
	s2 =	sor.u32 s26, s21;
	s31 =	ssub.s32 s21, s0;
	v3 =	vperm.xlane v3, v0;
	v7 =	vld [tilespmem:s20+$0x9C30]  }
.Ltmp11:
0x215: {  	s26 =	sor.u32 s29, s2;
	s20 =	sor.u32 s29, s31;
	v4 =	vperm.xlane v4, v0;
	[tilespmem:s19+$0x60] =	vst v1;
	(pc) =	sbr.rel @p0 .LBB2_24-.Ltmp11, $4  }
0x216: {  	s2 =	smov.u32 s17;
	s17 =	smov.u32 s29;
	v1 =	vld [tilespmem:s26+$0x8050];
	[tilespmem:s19+$0x20] =	vst v9;
	v8 =	vperm.xlane v8, v0  }
0x217: {  	s24 =	sadd.s32 $0x80, s24;
	s29 =	sor.u32 s23, s18;
	s18 =	sor.u32 $0x14000, s21;
	v2 =	vld [tilespmem:s20+$0x9C10];
	[tilespmem:s19+$0x30] =	vst v3;
	v5 =	vperm.xlane v5, v0  }
0x218: {  	s25 =	sadd.s32 $0x400, s25;
	s23 =	sshll.u32 s24, $0x3;
	s30 =	sor.u32 s0, s18;
	v3 =	vld [tilespmem:s26+$0x8040];
	v6 =	vperm.xlane v6, v0;
	[tilespmem:s19+$0x10] =	vst v4  }
0x219: {  	s28 =	sadd.s32 $0xFFFFFC00, s28;
	s23 =	sand.u32 $0x1C00, s23;
	s31 =	sor.u32 s2, s29;
	v4 =	vld [tilespmem:s26+$0x8060];
	v7 =	vperm.xlane v7, v0;
	[tilespmem:s19+$0x50] =	vst v8  }
0x21a: {  	s0 =	ssub.s32 s21, s23;
	v8 =	vld [tilespmem:s26+$0x8020];
	[tilespmem:s19+$0x70] =	vst v5  }
0x21b: {  	v5 =	vld [tilespmem:s20+$0x9C00];
	[tilespmem:s31+$0x0] =	vst v6;
	s0 =	sor.u32 s17, s0;
	v1 =	vperm.xlane v1, v0  }
0x21c: {  	s24 =	sor.u32 s17, s30;
	[tilespmem:s19+$0x40] =	vst v7;
	v2 =	vperm.xlane v2, v0;
	v6 =	vld [tilespmem:s0+$0x9C70]  }
0x21d: {  	v7 =	vld [tilespmem:s20+$0x9C30];
	v3 =	vperm.xlane v3, v0;
	[tilespmem:s24+$0x20] =	vst v1  }
0x21e: {  	[tilespmem:s24+$0x60] =	vst v2;
	v2 =	vperm.xlane v4, v0  }
0x21f: {  	v1 =	vperm.xlane v8, v0;
	[tilespmem:s24+$0x30] =	vst v3  }
0x220: {  	v3 =	vperm.xlane v5, v0;
	[tilespmem:s24+$0x10] =	vst v2  }
0x221: {  	s2 =	sor.u32 s23, s18;
	v2 =	vperm.xlane v6, v0;
	[tilespmem:s24+$0x50] =	vst v1  }
0x222: {  	s2 =	sor.u32 s17, s2;
	v1 =	vperm.xlane v7, v0;
	[tilespmem:s24+$0x70] =	vst v3  }
0x223: {  	[tilespmem:s2+$0x0] =	vst v2  }
0x224: {  	[tilespmem:s24+$0x40] =	vst v1  }
0x225: {  	s25 =	simm.s32 $0x0;
	s2 =	rddreg [dreg:$0x18]  }
0x226: {  	[hbm4b:s2+s25] =	stream.linear.scatter [tilespmem:s12], [sflag:$0x6], $0x4000, $0x38;
	[tilespmem:$0x18000] =	vst v63  }
0x227: {  	s29 =	simm.s32 $0x1C00;
	_ =	swait.ge [sflag:s6], $0x4000  }
0x228: {  	s18 =	simm.s32 $0x0;
	s19 =	simm.s32 $0x0;
	[sflag:s6] =	ssyncset.done $0x0  }
0x229: {  	s17 =	sand.u32 $0x2000, s18;
	s26 =	rddreg [dreg:$0x1e];
	[sflag:s6] =	ssyncadd.s32 $0xFFFFC000  }
0x22a: {  	[tilespmem:s7], [sflag:$0x3] =	stream.linear.gather [hbm4b:s26+s25], $0x4000, $0x38;
	[tilespmem:$0x18000] =	vst v63  }
0x22b: {  	s0 =	sand.u32 $0x1C00, s25;
	s2 =	sand.u32 $0x1C00, s29;
	_ =	swait.ge [sflag:s13], $0x4000  }
0x22c: {  	s29 =	sand.u32 $0x380, s19;
	s2 =	sor.u32 s2, s17;
	[sflag:s13] =	ssyncset.done $0x0  }
0x22d: {  	s20 =	ssub.s32 s17, s0;
	s2 =	sor.u32 s29, s2;
	[sflag:s13] =	ssyncadd.s32 $0xFFFFC000  }
0x22e: {  	s18 =	sor.u32 s29, s20;
	v1 =	vld [tilespmem:s2+$0x50]  }
0x22f: {  	v2 =	vld [tilespmem:s18+$0x1C10]  }
0x230: {  	s21 =	simm.s32 $0x0;
	v3 =	vld [tilespmem:s2+$0x40]  }
0x231: {  	s22 =	simm.s32 $0x400;
	s23 =	sor.u32 $0xC000, s17;
	s24 =	sand.u32 $0x1C00, s21;
	v4 =	vld [tilespmem:s2+$0x60]  }
0x232: {  	s0 =	sor.u32 s0, s23;
	s17 =	ssub.s32 s17, s24;
	s26 =	simm.s32 $0x80;
	v5 =	vld [tilespmem:s2+$0x20]  }
0x233: {  	s17 =	sor.u32 s29, s17;
	s25 =	simm.s32 $0x1800;
	s21 =	sand.u32 $0x2000, s26;
	v6 =	vld [tilespmem:s18+$0x1C00]  }
0x234: {  	s20 =	sand.u32 $0x1C00, s25;
	s2 =	sand.u32 $0x1C00, s22;
	s22 =	simm.s32 $0x10;
	v7 =	vld [tilespmem:s17+$0x1C70];
	v2 =	vperm.xlane v2, v0  }
0x235: {  	s19 =	sor.u32 s29, s0;
	s20 =	sor.u32 s20, s21;
	v9 =	vld [tilespmem:s18+$0x1C30];
	s17 =	sand.u32 $0x380, s22;
	v8 =	vperm.xlane v1, v0  }
0x236: {  	s25 =	ssub.s32 s21, s2;
	s26 =	sor.u32 s17, s20;
	v3 =	vperm.xlane v3, v0;
	[tilespmem:s19+$0x60] =	vst v2  }
0x237: {  	s28 =	simm.s32 $0x1400;
	s20 =	sor.u32 s17, s25;
	v4 =	vperm.xlane v4, v0;
	v1 =	vld [tilespmem:s26+$0x50];
	[tilespmem:s19+$0x20] =	vst v8  }
0x238: {  	s0 =	sor.u32 s24, s23;
	s24 =	simm.s32 $0x80;
	s23 =	simm.s32 $0x400;
	v8 =	vperm.xlane v5, v0;
	v2 =	vld [tilespmem:s20+$0x1C10];
	[tilespmem:s19+$0x30] =	vst v3  }
0x239: {  	s23 =	sand.u32 $0x1C00, s23;
	s31 =	sor.u32 s29, s0;
	s18 =	sor.u32 $0xC000, s21;
	v5 =	vperm.xlane v6, v0;
	v3 =	vld [tilespmem:s26+$0x40];
	[tilespmem:s19+$0x10] =	vst v4  }
0x23a: {  	s22 =	simm.s32 $0x8;
	s30 =	sor.u32 s2, s18;
	s25 =	simm.s32 $0x800;
	v6 =	vperm.xlane v7, v0;
	v4 =	vld [tilespmem:s26+$0x60];
	v7 =	vperm.xlane v9, v0;
	[tilespmem:s19+$0x50] =	vst v8  }
.LBB2_26:
0x23b: {  	s22 =	sadd.s32 $0x8, s22  }
0x23c: {  	s0 =	sand.u32 $0x1C00, s25;
	s2 =	ssub.s32 s21, s23;
	v8 =	vld [tilespmem:s26+$0x20];
	[tilespmem:s19+$0x70] =	vst v5;
	s21 =	sshll.u32 s22, $0x4  }
0x23d: {  	s26 =	sshll.u32 s22, $0x1;
	s2 =	sor.u32 s17, s2;
	v5 =	vld [tilespmem:s20+$0x1C00];
	[tilespmem:s31+$0x0] =	vst v6;
	p0 =	slt.u32 s22, $0x3F8  }
0x23e: {  	v9 =	vperm.xlane v1, v0;
	s21 =	sand.u32 $0x2000, s21;
	s29 =	sand.u32 $0x380, s26;
	s26 =	sand.u32 $0x1C00, s28;
	v6 =	vld [tilespmem:s2+$0x1C70];
	v1 =	vperm.xlane v2, v0;
	[tilespmem:s19+$0x40] =	vst v7  }
0x23f: {  	s19 =	sor.u32 s17, s30;
	s2 =	sor.u32 s26, s21;
	s31 =	ssub.s32 s21, s0;
	v3 =	vperm.xlane v3, v0;
	v7 =	vld [tilespmem:s20+$0x1C30]  }
.Ltmp12:
0x240: {  	s26 =	sor.u32 s29, s2;
	s20 =	sor.u32 s29, s31;
	v4 =	vperm.xlane v4, v0;
	[tilespmem:s19+$0x60] =	vst v1;
	(pc) =	sbr.rel @p0 .LBB2_26-.Ltmp12, $4  }
0x241: {  	s2 =	smov.u32 s17;
	s17 =	smov.u32 s29;
	v1 =	vld [tilespmem:s26+$0x50];
	[tilespmem:s19+$0x20] =	vst v9;
	v8 =	vperm.xlane v8, v0  }
0x242: {  	s24 =	sadd.s32 $0x80, s24;
	s29 =	sor.u32 s23, s18;
	s18 =	sor.u32 $0xC000, s21;
	v2 =	vld [tilespmem:s20+$0x1C10];
	[tilespmem:s19+$0x30] =	vst v3;
	v5 =	vperm.xlane v5, v0  }
0x243: {  	s25 =	sadd.s32 $0x400, s25;
	s23 =	sshll.u32 s24, $0x3;
	s30 =	sor.u32 s0, s18;
	v3 =	vld [tilespmem:s26+$0x40];
	v6 =	vperm.xlane v6, v0;
	[tilespmem:s19+$0x10] =	vst v4  }
0x244: {  	s28 =	sadd.s32 $0xFFFFFC00, s28;
	s23 =	sand.u32 $0x1C00, s23;
	s31 =	sor.u32 s2, s29;
	v4 =	vld [tilespmem:s26+$0x60];
	v7 =	vperm.xlane v7, v0;
	[tilespmem:s19+$0x50] =	vst v8  }
0x245: {  	s0 =	ssub.s32 s21, s23;
	v8 =	vld [tilespmem:s26+$0x20];
	[tilespmem:s19+$0x70] =	vst v5  }
0x246: {  	v5 =	vld [tilespmem:s20+$0x1C00];
	[tilespmem:s31+$0x0] =	vst v6;
	s0 =	sor.u32 s17, s0;
	v1 =	vperm.xlane v1, v0  }
0x247: {  	s24 =	sor.u32 s17, s30;
	[tilespmem:s19+$0x40] =	vst v7;
	v2 =	vperm.xlane v2, v0;
	v6 =	vld [tilespmem:s0+$0x1C70]  }
0x248: {  	v7 =	vld [tilespmem:s20+$0x1C30];
	v3 =	vperm.xlane v3, v0;
	[tilespmem:s24+$0x20] =	vst v1  }
0x249: {  	[tilespmem:s24+$0x60] =	vst v2;
	v2 =	vperm.xlane v4, v0  }
0x24a: {  	v1 =	vperm.xlane v8, v0;
	[tilespmem:s24+$0x30] =	vst v3  }
0x24b: {  	v3 =	vperm.xlane v5, v0;
	[tilespmem:s24+$0x10] =	vst v2  }
0x24c: {  	s2 =	sor.u32 s23, s18;
	v2 =	vperm.xlane v6, v0;
	[tilespmem:s24+$0x50] =	vst v1  }
0x24d: {  	s2 =	sor.u32 s17, s2;
	v1 =	vperm.xlane v7, v0;
	[tilespmem:s24+$0x70] =	vst v3  }
0x24e: {  	[tilespmem:s2+$0x0] =	vst v2  }
0x24f: {  	[tilespmem:s24+$0x40] =	vst v1  }
0x250: {  	s25 =	simm.s32 $0x0;
	s2 =	rddreg [dreg:$0x1a]  }
0x251: {  	[hbm4b:s2+s25] =	stream.linear.scatter [tilespmem:s8], [sflag:$0x4], $0x4000, $0x38;
	[tilespmem:$0x18000] =	vst v63  }
0x252: {  	s29 =	simm.s32 $0x1C00;
	_ =	swait.ge [sflag:s9], $0x4000  }
0x253: {  	s18 =	simm.s32 $0x0;
	s19 =	simm.s32 $0x0;
	[sflag:s9] =	ssyncset.done $0x0  }
0x254: {  	s17 =	sand.u32 $0x2000, s18;
	s26 =	rddreg [dreg:$0x1f];
	[sflag:s9] =	ssyncadd.s32 $0xFFFFC000  }
0x255: {  	[tilespmem:s25], [sflag:$0x1] =	stream.linear.gather [hbm4b:s26+s25], $0x4000, $0x38;
	[tilespmem:$0x18000] =	vst v63  }
0x256: {  	s0 =	sand.u32 $0x1C00, s25;
	s2 =	sand.u32 $0x1C00, s29;
	_ =	swait.ge [sflag:s14], $0x4000  }
0x257: {  	s29 =	sand.u32 $0x380, s19;
	s2 =	sor.u32 s2, s17;
	[sflag:s14] =	ssyncset.done $0x0  }
0x258: {  	s20 =	ssub.s32 s17, s0;
	s2 =	sor.u32 s29, s2;
	[sflag:s14] =	ssyncadd.s32 $0xFFFFC000  }
0x259: {  	s18 =	sor.u32 s29, s20;
	v1 =	vld [tilespmem:s2+$0x4050]  }
0x25a: {  	v2 =	vld [tilespmem:s18+$0x5C10]  }
0x25b: {  	s21 =	simm.s32 $0x0;
	v3 =	vld [tilespmem:s2+$0x4040]  }
0x25c: {  	s22 =	simm.s32 $0x400;
	s23 =	sor.u32 $0x10000, s17;
	s24 =	sand.u32 $0x1C00, s21;
	v4 =	vld [tilespmem:s2+$0x4060]  }
0x25d: {  	s0 =	sor.u32 s0, s23;
	s17 =	ssub.s32 s17, s24;
	s26 =	simm.s32 $0x80;
	v5 =	vld [tilespmem:s2+$0x4020]  }
0x25e: {  	s17 =	sor.u32 s29, s17;
	s25 =	simm.s32 $0x1800;
	s21 =	sand.u32 $0x2000, s26;
	v6 =	vld [tilespmem:s18+$0x5C00]  }
0x25f: {  	s20 =	sand.u32 $0x1C00, s25;
	s2 =	sand.u32 $0x1C00, s22;
	s22 =	simm.s32 $0x10;
	v7 =	vld [tilespmem:s17+$0x5C70];
	v2 =	vperm.xlane v2, v0  }
0x260: {  	s19 =	sor.u32 s29, s0;
	s20 =	sor.u32 s20, s21;
	v9 =	vld [tilespmem:s18+$0x5C30];
	s17 =	sand.u32 $0x380, s22;
	v8 =	vperm.xlane v1, v0  }
0x261: {  	s25 =	ssub.s32 s21, s2;
	s26 =	sor.u32 s17, s20;
	v3 =	vperm.xlane v3, v0;
	[tilespmem:s19+$0x60] =	vst v2  }
0x262: {  	s28 =	simm.s32 $0x1400;
	s20 =	sor.u32 s17, s25;
	v4 =	vperm.xlane v4, v0;
	v1 =	vld [tilespmem:s26+$0x4050];
	[tilespmem:s19+$0x20] =	vst v8  }
0x263: {  	s0 =	sor.u32 s24, s23;
	s24 =	simm.s32 $0x80;
	s23 =	simm.s32 $0x400;
	v8 =	vperm.xlane v5, v0;
	v2 =	vld [tilespmem:s20+$0x5C10];
	[tilespmem:s19+$0x30] =	vst v3  }
0x264: {  	s23 =	sand.u32 $0x1C00, s23;
	s31 =	sor.u32 s29, s0;
	s18 =	sor.u32 $0x10000, s21;
	v5 =	vperm.xlane v6, v0;
	v3 =	vld [tilespmem:s26+$0x4040];
	[tilespmem:s19+$0x10] =	vst v4  }
0x265: {  	s22 =	simm.s32 $0x8;
	s30 =	sor.u32 s2, s18;
	s25 =	simm.s32 $0x800;
	v6 =	vperm.xlane v7, v0;
	v4 =	vld [tilespmem:s26+$0x4060];
	v7 =	vperm.xlane v9, v0;
	[tilespmem:s19+$0x50] =	vst v8  }
.LBB2_28:
0x266: {  	s22 =	sadd.s32 $0x8, s22  }
0x267: {  	s0 =	sand.u32 $0x1C00, s25;
	s2 =	ssub.s32 s21, s23;
	v8 =	vld [tilespmem:s26+$0x4020];
	[tilespmem:s19+$0x70] =	vst v5;
	s21 =	sshll.u32 s22, $0x4  }
0x268: {  	s26 =	sshll.u32 s22, $0x1;
	s2 =	sor.u32 s17, s2;
	v5 =	vld [tilespmem:s20+$0x5C00];
	[tilespmem:s31+$0x0] =	vst v6;
	p0 =	slt.u32 s22, $0x3F8  }
0x269: {  	v9 =	vperm.xlane v1, v0;
	s21 =	sand.u32 $0x2000, s21;
	s29 =	sand.u32 $0x380, s26;
	s26 =	sand.u32 $0x1C00, s28;
	v6 =	vld [tilespmem:s2+$0x5C70];
	v1 =	vperm.xlane v2, v0;
	[tilespmem:s19+$0x40] =	vst v7  }
0x26a: {  	s19 =	sor.u32 s17, s30;
	s2 =	sor.u32 s26, s21;
	s31 =	ssub.s32 s21, s0;
	v3 =	vperm.xlane v3, v0;
	v7 =	vld [tilespmem:s20+$0x5C30]  }
.Ltmp13:
0x26b: {  	s26 =	sor.u32 s29, s2;
	s20 =	sor.u32 s29, s31;
	v4 =	vperm.xlane v4, v0;
	[tilespmem:s19+$0x60] =	vst v1;
	(pc) =	sbr.rel @p0 .LBB2_28-.Ltmp13, $4  }
0x26c: {  	s2 =	smov.u32 s17;
	s17 =	smov.u32 s29;
	v1 =	vld [tilespmem:s26+$0x4050];
	[tilespmem:s19+$0x20] =	vst v9;
	v8 =	vperm.xlane v8, v0  }
0x26d: {  	s24 =	sadd.s32 $0x80, s24;
	s29 =	sor.u32 s23, s18;
	s18 =	sor.u32 $0x10000, s21;
	v2 =	vld [tilespmem:s20+$0x5C10];
	[tilespmem:s19+$0x30] =	vst v3;
	v5 =	vperm.xlane v5, v0  }
0x26e: {  	s25 =	sadd.s32 $0x400, s25;
	s23 =	sshll.u32 s24, $0x3;
	s30 =	sor.u32 s0, s18;
	v3 =	vld [tilespmem:s26+$0x4040];
	v6 =	vperm.xlane v6, v0;
	[tilespmem:s19+$0x10] =	vst v4  }
0x26f: {  	s28 =	sadd.s32 $0xFFFFFC00, s28;
	s23 =	sand.u32 $0x1C00, s23;
	s31 =	sor.u32 s2, s29;
	v4 =	vld [tilespmem:s26+$0x4060];
	v7 =	vperm.xlane v7, v0;
	[tilespmem:s19+$0x50] =	vst v8  }
0x270: {  	s0 =	ssub.s32 s21, s23;
	v8 =	vld [tilespmem:s26+$0x4020];
	[tilespmem:s19+$0x70] =	vst v5  }
0x271: {  	v5 =	vld [tilespmem:s20+$0x5C00];
	[tilespmem:s31+$0x0] =	vst v6;
	s0 =	sor.u32 s17, s0;
	v1 =	vperm.xlane v1, v0  }
0x272: {  	s25 =	sor.u32 s17, s30;
	[tilespmem:s19+$0x40] =	vst v7;
	v2 =	vperm.xlane v2, v0;
	v6 =	vld [tilespmem:s0+$0x5C70]  }
0x273: {  	v7 =	vld [tilespmem:s20+$0x5C30];
	v3 =	vperm.xlane v3, v0;
	[tilespmem:s25+$0x20] =	vst v1  }
0x274: {  	[tilespmem:s25+$0x60] =	vst v2;
	v2 =	vperm.xlane v4, v0  }
0x275: {  	v1 =	vperm.xlane v8, v0;
	[tilespmem:s25+$0x30] =	vst v3  }
0x276: {  	v3 =	vperm.xlane v5, v0;
	[tilespmem:s25+$0x10] =	vst v2  }
0x277: {  	s2 =	sor.u32 s23, s18;
	v2 =	vperm.xlane v6, v0;
	[tilespmem:s25+$0x50] =	vst v1  }
0x278: {  	s2 =	sor.u32 s17, s2;
	v1 =	vperm.xlane v7, v0;
	[tilespmem:s25+$0x70] =	vst v3  }
0x279: {  	[tilespmem:s2+$0x0] =	vst v2  }
0x27a: {  	[tilespmem:s25+$0x40] =	vst v1  }
0x27b: {  	s2 =	sld [smem:$0x7FC];
	_ =	sdelay $0x1  }
0x27c: {  	s26 =	simm.s32 $0x0  }
0x27d: {  	[hbm4b:s2+s26] =	stream.linear.scatter [tilespmem:s10], [sflag:$0x5], $0x4000, $0x38;
	[tilespmem:$0x18000] =	vst v63  }
0x27e: {  	_ =	swait.ge [sflag:s11], $0x4000  }
0x27f: {  	s29 =	simm.s32 $0x1C00;
	s18 =	simm.s32 $0x0;
	[sflag:s11] =	ssyncset.done $0x0  }
0x280: {  	s19 =	simm.s32 $0x0;
	s17 =	sand.u32 $0x2000, s18;
	[sflag:s11] =	ssyncadd.s32 $0xFFFFC000  }
0x281: {  	s0 =	sand.u32 $0x1C00, s26;
	s2 =	sand.u32 $0x1C00, s29;
	_ =	swait.ge [sflag:s15], $0x4000  }
0x282: {  	s29 =	sand.u32 $0x380, s19;
	s2 =	sor.u32 s2, s17;
	[sflag:s15] =	ssyncset.done $0x0  }
0x283: {  	s20 =	ssub.s32 s17, s0;
	s2 =	sor.u32 s29, s2;
	[sflag:s15] =	ssyncadd.s32 $0xFFFFC000  }
0x284: {  	s18 =	sor.u32 s29, s20;
	v1 =	vld [tilespmem:s2+$0x8050]  }
0x285: {  	v2 =	vld [tilespmem:s18+$0x9C10]  }
0x286: {  	s21 =	simm.s32 $0x0;
	v3 =	vld [tilespmem:s2+$0x8040]  }
0x287: {  	s22 =	simm.s32 $0x400;
	s24 =	sand.u32 $0x1C00, s21;
	s23 =	sor.u32 $0x14000, s17;
	v4 =	vld [tilespmem:s2+$0x8060]  }
0x288: {  	s0 =	sor.u32 s0, s23;
	s26 =	simm.s32 $0x80;
	s17 =	ssub.s32 s17, s24;
	v5 =	vld [tilespmem:s2+$0x8020]  }
0x289: {  	s25 =	simm.s32 $0x1800;
	s21 =	sand.u32 $0x2000, s26;
	s17 =	sor.u32 s29, s17;
	v6 =	vld [tilespmem:s18+$0x9C00]  }
0x28a: {  	s20 =	sand.u32 $0x1C00, s25;
	s2 =	sand.u32 $0x1C00, s22;
	s22 =	simm.s32 $0x10;
	v7 =	vld [tilespmem:s17+$0x9C70];
	v2 =	vperm.xlane v2, v0  }
0x28b: {  	s19 =	sor.u32 s29, s0;
	s20 =	sor.u32 s20, s21;
	v9 =	vld [tilespmem:s18+$0x9C30];
	s17 =	sand.u32 $0x380, s22;
	v8 =	vperm.xlane v1, v0  }
0x28c: {  	s25 =	ssub.s32 s21, s2;
	s26 =	sor.u32 s17, s20;
	v3 =	vperm.xlane v3, v0;
	[tilespmem:s19+$0x60] =	vst v2  }
0x28d: {  	s28 =	simm.s32 $0x1400;
	s20 =	sor.u32 s17, s25;
	v4 =	vperm.xlane v4, v0;
	v1 =	vld [tilespmem:s26+$0x8050];
	[tilespmem:s19+$0x20] =	vst v8  }
0x28e: {  	s0 =	sor.u32 s24, s23;
	s24 =	simm.s32 $0x80;
	s23 =	simm.s32 $0x400;
	v8 =	vperm.xlane v5, v0;
	v2 =	vld [tilespmem:s20+$0x9C10];
	[tilespmem:s19+$0x30] =	vst v3  }
0x28f: {  	s23 =	sand.u32 $0x1C00, s23;
	s31 =	sor.u32 s29, s0;
	s18 =	sor.u32 $0x14000, s21;
	v5 =	vperm.xlane v6, v0;
	v3 =	vld [tilespmem:s26+$0x8040];
	[tilespmem:s19+$0x10] =	vst v4  }
0x290: {  	s22 =	simm.s32 $0x8;
	s30 =	sor.u32 s2, s18;
	s25 =	simm.s32 $0x800;
	v6 =	vperm.xlane v7, v0;
	v4 =	vld [tilespmem:s26+$0x8060];
	v7 =	vperm.xlane v9, v0;
	[tilespmem:s19+$0x50] =	vst v8  }
.LBB2_30:
0x291: {  	s22 =	sadd.s32 $0x8, s22  }
0x292: {  	s0 =	sand.u32 $0x1C00, s25;
	s2 =	ssub.s32 s21, s23;
	v8 =	vld [tilespmem:s26+$0x8020];
	[tilespmem:s19+$0x70] =	vst v5;
	s21 =	sshll.u32 s22, $0x4  }
0x293: {  	s26 =	sshll.u32 s22, $0x1;
	s2 =	sor.u32 s17, s2;
	v5 =	vld [tilespmem:s20+$0x9C00];
	[tilespmem:s31+$0x0] =	vst v6;
	p0 =	slt.u32 s22, $0x3F8  }
0x294: {  	v9 =	vperm.xlane v1, v0;
	s21 =	sand.u32 $0x2000, s21;
	s29 =	sand.u32 $0x380, s26;
	s26 =	sand.u32 $0x1C00, s28;
	v6 =	vld [tilespmem:s2+$0x9C70];
	v1 =	vperm.xlane v2, v0;
	[tilespmem:s19+$0x40] =	vst v7  }
0x295: {  	s19 =	sor.u32 s17, s30;
	s2 =	sor.u32 s26, s21;
	s31 =	ssub.s32 s21, s0;
	v3 =	vperm.xlane v3, v0;
	v7 =	vld [tilespmem:s20+$0x9C30]  }
.Ltmp14:
0x296: {  	s26 =	sor.u32 s29, s2;
	s20 =	sor.u32 s29, s31;
	v4 =	vperm.xlane v4, v0;
	[tilespmem:s19+$0x60] =	vst v1;
	(pc) =	sbr.rel @p0 .LBB2_30-.Ltmp14, $4  }
0x297: {  	s2 =	smov.u32 s17;
	s17 =	smov.u32 s29;
	v1 =	vld [tilespmem:s26+$0x8050];
	[tilespmem:s19+$0x20] =	vst v9;
	v8 =	vperm.xlane v8, v0  }
0x298: {  	s24 =	sadd.s32 $0x80, s24;
	s29 =	sor.u32 s23, s18;
	s18 =	sor.u32 $0x14000, s21;
	v2 =	vld [tilespmem:s20+$0x9C10];
	[tilespmem:s19+$0x30] =	vst v3;
	v5 =	vperm.xlane v5, v0  }
0x299: {  	s25 =	sadd.s32 $0x400, s25;
	s23 =	sshll.u32 s24, $0x3;
	s30 =	sor.u32 s0, s18;
	v3 =	vld [tilespmem:s26+$0x8040];
	v6 =	vperm.xlane v6, v0;
	[tilespmem:s19+$0x10] =	vst v4  }
0x29a: {  	s28 =	sadd.s32 $0xFFFFFC00, s28;
	s23 =	sand.u32 $0x1C00, s23;
	s31 =	sor.u32 s2, s29;
	v4 =	vld [tilespmem:s26+$0x8060];
	v7 =	vperm.xlane v7, v0;
	[tilespmem:s19+$0x50] =	vst v8  }
0x29b: {  	s0 =	ssub.s32 s21, s23;
	v8 =	vld [tilespmem:s26+$0x8020];
	[tilespmem:s19+$0x70] =	vst v5  }
0x29c: {  	v5 =	vld [tilespmem:s20+$0x9C00];
	[tilespmem:s31+$0x0] =	vst v6;
	s0 =	sor.u32 s17, s0;
	v1 =	vperm.xlane v1, v0  }
0x29d: {  	s25 =	sor.u32 s17, s30;
	[tilespmem:s19+$0x40] =	vst v7;
	v2 =	vperm.xlane v2, v0;
	v6 =	vld [tilespmem:s0+$0x9C70]  }
0x29e: {  	v7 =	vld [tilespmem:s20+$0x9C30];
	v3 =	vperm.xlane v3, v0;
	[tilespmem:s25+$0x20] =	vst v1  }
0x29f: {  	[tilespmem:s25+$0x60] =	vst v2;
	v2 =	vperm.xlane v4, v0  }
0x2a0: {  	v1 =	vperm.xlane v8, v0;
	[tilespmem:s25+$0x30] =	vst v3  }
0x2a1: {  	v3 =	vperm.xlane v5, v0;
	[tilespmem:s25+$0x10] =	vst v2  }
0x2a2: {  	s2 =	sor.u32 s23, s18;
	v2 =	vperm.xlane v6, v0;
	[tilespmem:s25+$0x50] =	vst v1  }
0x2a3: {  	s2 =	sor.u32 s17, s2;
	v1 =	vperm.xlane v7, v0;
	[tilespmem:s25+$0x70] =	vst v3  }
0x2a4: {  	[tilespmem:s2+$0x0] =	vst v2  }
0x2a5: {  	[tilespmem:s25+$0x40] =	vst v1  }
0x2a6: {  	s2 =	sld [smem:$0x7FD];
	_ =	sdelay $0x1  }
0x2a7: {  	s26 =	simm.s32 $0x0  }
0x2a8: {  	[hbm4b:s2+s26] =	stream.linear.scatter [tilespmem:s12], [sflag:$0x6], $0x4000, $0x38;
	[tilespmem:$0x18000] =	vst v63  }
0x2a9: {  	_ =	swait.ge [sflag:s6], $0x4000  }
0x2aa: {  	s29 =	simm.s32 $0x1C00;
	s18 =	simm.s32 $0x0;
	[sflag:s6] =	ssyncset.done $0x0  }
0x2ab: {  	s19 =	simm.s32 $0x0;
	s17 =	sand.u32 $0x2000, s18;
	[sflag:s6] =	ssyncadd.s32 $0xFFFFC000  }
0x2ac: {  	s0 =	sand.u32 $0x1C00, s26;
	s2 =	sand.u32 $0x1C00, s29;
	_ =	swait.ge [sflag:s13], $0x4000  }
0x2ad: {  	s29 =	sand.u32 $0x380, s19;
	s2 =	sor.u32 s2, s17;
	[sflag:s13] =	ssyncset.done $0x0  }
0x2ae: {  	s20 =	ssub.s32 s17, s0;
	s2 =	sor.u32 s29, s2;
	[sflag:s13] =	ssyncadd.s32 $0xFFFFC000  }
0x2af: {  	s18 =	sor.u32 s29, s20;
	v1 =	vld [tilespmem:s2+$0x50]  }
0x2b0: {  	v2 =	vld [tilespmem:s18+$0x1C10]  }
0x2b1: {  	s21 =	simm.s32 $0x0;
	v3 =	vld [tilespmem:s2+$0x40]  }
0x2b2: {  	s22 =	simm.s32 $0x400;
	s24 =	sand.u32 $0x1C00, s21;
	s23 =	sor.u32 $0xC000, s17;
	v4 =	vld [tilespmem:s2+$0x60]  }
0x2b3: {  	s0 =	sor.u32 s0, s23;
	s26 =	simm.s32 $0x80;
	s17 =	ssub.s32 s17, s24;
	v5 =	vld [tilespmem:s2+$0x20]  }
0x2b4: {  	s25 =	simm.s32 $0x1800;
	s21 =	sand.u32 $0x2000, s26;
	s17 =	sor.u32 s29, s17;
	v6 =	vld [tilespmem:s18+$0x1C00]  }
0x2b5: {  	s20 =	sand.u32 $0x1C00, s25;
	s2 =	sand.u32 $0x1C00, s22;
	s22 =	simm.s32 $0x10;
	v7 =	vld [tilespmem:s17+$0x1C70];
	v2 =	vperm.xlane v2, v0  }
0x2b6: {  	s19 =	sor.u32 s29, s0;
	s20 =	sor.u32 s20, s21;
	v9 =	vld [tilespmem:s18+$0x1C30];
	s17 =	sand.u32 $0x380, s22;
	v8 =	vperm.xlane v1, v0  }
0x2b7: {  	s25 =	ssub.s32 s21, s2;
	s26 =	sor.u32 s17, s20;
	v3 =	vperm.xlane v3, v0;
	[tilespmem:s19+$0x60] =	vst v2  }
0x2b8: {  	s28 =	simm.s32 $0x1400;
	s20 =	sor.u32 s17, s25;
	v4 =	vperm.xlane v4, v0;
	v1 =	vld [tilespmem:s26+$0x50];
	[tilespmem:s19+$0x20] =	vst v8  }
0x2b9: {  	s0 =	sor.u32 s24, s23;
	s24 =	simm.s32 $0x80;
	s23 =	simm.s32 $0x400;
	v8 =	vperm.xlane v5, v0;
	v2 =	vld [tilespmem:s20+$0x1C10];
	[tilespmem:s19+$0x30] =	vst v3  }
0x2ba: {  	s23 =	sand.u32 $0x1C00, s23;
	s31 =	sor.u32 s29, s0;
	s18 =	sor.u32 $0xC000, s21;
	v5 =	vperm.xlane v6, v0;
	v3 =	vld [tilespmem:s26+$0x40];
	[tilespmem:s19+$0x10] =	vst v4  }
0x2bb: {  	s22 =	simm.s32 $0x8;
	s30 =	sor.u32 s2, s18;
	s25 =	simm.s32 $0x800;
	v6 =	vperm.xlane v7, v0;
	v4 =	vld [tilespmem:s26+$0x60];
	v7 =	vperm.xlane v9, v0;
	[tilespmem:s19+$0x50] =	vst v8  }
.LBB2_32:
0x2bc: {  	s22 =	sadd.s32 $0x8, s22  }
0x2bd: {  	s0 =	sand.u32 $0x1C00, s25;
	s2 =	ssub.s32 s21, s23;
	v8 =	vld [tilespmem:s26+$0x20];
	[tilespmem:s19+$0x70] =	vst v5;
	s21 =	sshll.u32 s22, $0x4  }
0x2be: {  	s26 =	sshll.u32 s22, $0x1;
	s2 =	sor.u32 s17, s2;
	v5 =	vld [tilespmem:s20+$0x1C00];
	[tilespmem:s31+$0x0] =	vst v6;
	p0 =	slt.u32 s22, $0x3F8  }
0x2bf: {  	v9 =	vperm.xlane v1, v0;
	s21 =	sand.u32 $0x2000, s21;
	s29 =	sand.u32 $0x380, s26;
	s26 =	sand.u32 $0x1C00, s28;
	v6 =	vld [tilespmem:s2+$0x1C70];
	v1 =	vperm.xlane v2, v0;
	[tilespmem:s19+$0x40] =	vst v7  }
0x2c0: {  	s19 =	sor.u32 s17, s30;
	s2 =	sor.u32 s26, s21;
	s31 =	ssub.s32 s21, s0;
	v3 =	vperm.xlane v3, v0;
	v7 =	vld [tilespmem:s20+$0x1C30]  }
.Ltmp15:
0x2c1: {  	s26 =	sor.u32 s29, s2;
	s20 =	sor.u32 s29, s31;
	v4 =	vperm.xlane v4, v0;
	[tilespmem:s19+$0x60] =	vst v1;
	(pc) =	sbr.rel @p0 .LBB2_32-.Ltmp15, $4  }
0x2c2: {  	s2 =	smov.u32 s17;
	s17 =	smov.u32 s29;
	v1 =	vld [tilespmem:s26+$0x50];
	[tilespmem:s19+$0x20] =	vst v9;
	v8 =	vperm.xlane v8, v0  }
0x2c3: {  	s24 =	sadd.s32 $0x80, s24;
	s29 =	sor.u32 s23, s18;
	s18 =	sor.u32 $0xC000, s21;
	v2 =	vld [tilespmem:s20+$0x1C10];
	[tilespmem:s19+$0x30] =	vst v3;
	v5 =	vperm.xlane v5, v0  }
0x2c4: {  	s25 =	sadd.s32 $0x400, s25;
	s23 =	sshll.u32 s24, $0x3;
	s30 =	sor.u32 s0, s18;
	v3 =	vld [tilespmem:s26+$0x40];
	v6 =	vperm.xlane v6, v0;
	[tilespmem:s19+$0x10] =	vst v4  }
0x2c5: {  	s28 =	sadd.s32 $0xFFFFFC00, s28;
	s23 =	sand.u32 $0x1C00, s23;
	s31 =	sor.u32 s2, s29;
	v4 =	vld [tilespmem:s26+$0x60];
	v7 =	vperm.xlane v7, v0;
	[tilespmem:s19+$0x50] =	vst v8  }
0x2c6: {  	s0 =	ssub.s32 s21, s23;
	v8 =	vld [tilespmem:s26+$0x20];
	[tilespmem:s19+$0x70] =	vst v5  }
0x2c7: {  	v61 =	vld [tilespmem:s20+$0x1C00];
	[tilespmem:s31+$0x0] =	vst v6;
	s0 =	sor.u32 s17, s0;
	v1 =	vperm.xlane v1, v0  }
0x2c8: {  	s31 =	sor.u32 s17, s30;
	[tilespmem:s19+$0x40] =	vst v7;
	v2 =	vperm.xlane v2, v0;
	v62 =	vld [tilespmem:s0+$0x1C70]  }
0x2c9: {  	v63 =	vld [tilespmem:s20+$0x1C30];
	v3 =	vperm.xlane v3, v0;
	[tilespmem:s31+$0x20] =	vst v1  }
0x2ca: {  	[tilespmem:s31+$0x60] =	vst v2;
	v2 =	vperm.xlane v4, v0  }
0x2cb: {  	v1 =	vperm.xlane v8, v0;
	[tilespmem:s31+$0x30] =	vst v3  }
0x2cc: {  	v3 =	vperm.xlane v61, v0;
	[tilespmem:s31+$0x10] =	vst v2  }
0x2cd: {  	s2 =	sor.u32 s23, s18;
	v2 =	vperm.xlane v62, v0;
	[tilespmem:s31+$0x50] =	vst v1  }
0x2ce: {  	s2 =	sor.u32 s17, s2;
	v1 =	vperm.xlane v63, v0;
	[tilespmem:s31+$0x70] =	vst v3  }
0x2cf: {  	[tilespmem:s2+$0x0] =	vst v2  }
0x2d0: {  	[tilespmem:s31+$0x40] =	vst v1  }
0x2d1: {  	[hbm4b:s3+s1] =	stream.linear.scatter [tilespmem:s8], [sflag:$0x4], $0x4000, $0x38;
	[tilespmem:$0x18000] =	vst v63  }
0x2d2: {  	_ =	swait.ge [sflag:s14], $0x4000  }
0x2d3: {  	[sflag:s14] =	ssyncset.done $0x0  }
0x2d4: {  	s16 =	sadd.s32 $0x1, s16;
	[sflag:s14] =	ssyncadd.s32 $0xFFFFC000  }
0x2d5: {  	p0 =	sne.s32 s16, s4;
	_ =	swait.ge [sflag:s15], $0x4000  }
.Ltmp16:
0x2d6: {  	[sflag:s15] =	ssyncset.done $0x0;
	(pc) =	sbr.rel @p0 .LBB2_1-.Ltmp16, $4  }
0x2d7: {  	[sflag:s15] =	ssyncadd.s32 $0xFFFFC000  }
0x2d8: {  	_ =	swait.ge [sflag:s13], $0x4000  }
0x2d9: {  	[sflag:s13] =	ssyncset.done $0x0  }
0x2da: {  	[sflag:s13] =	ssyncadd.s32 $0xFFFFC000  }
0x2db: {  	_ =	sfence.sel $0x180000  }
0x2dc: {  	[bflag:$0x0] =	sbarrier.arrive $0xFFFF  }
0x2dd: {  	_ =	strace $0x90000047  }
0x2de: {  	s0 =	stileid.u32;
	[bflag:$0x2] =	sbarrier.arrive $0xFFFF  }
0x2df: {  	p0 =	sne.s32 s0, $0x0;
	s0 =	rddreg [dreg:$0x2]  }
0x2e0: {  	s0 =	sadd.s32 @!p0 $0x100000, s0  }
0x2e1: {  	[sflag:s0] =	ssyncadd.tile.s32 @!p0 $0x1;
	_ =	shalt  }
.Lfunc_end2:
_tile_overlayer_lowered:
.L_overlay_start_2:
0x2e2: {  	(tag) =	ssettag $0x2  }
0x2e3: {  	s0 =	rddreg [dreg:$0x0];
	s2 =	stileid.u32  }
0x2e4: {  	s1 =	rddreg [dreg:$0x1];
	p0 =	sne.s32 s2, $0x0  }
0x2e5: {  	s3 =	rddreg [dreg:$0x2];
	[bflag:$0x3] =	sbarrier.arrive $0xFFFF;
	s2 =	simm.s32 @!p0 $0x1C07  }
0x2e6: {  	[timem:s3], [sflag:s2] =	dma.local @!p0 [hbm:s0], s1  }
0x2e7: {  	s0 =	simm.s32 @!p0 $0x7  }
0x2e8: {  	_ =	swait.ge @!p0 [sflag:s0], s1  }
0x2e9: {  	s1 =	ssub.s32 @!p0 $0x0, s1;
	[sflag:s0] =	ssyncset.done @!p0 $0x0  }
0x2ea: {  	[sflag:s0] =	ssyncadd.s32 @!p0 s1  }
0x2eb: {  	[bflag:$0x3] =	sbarrier.arrive $0xFFFF  }
0x2ec: {  	_ =	shalt  }

</sc_bundles>
